<compile_context>
chip_gen: v7x
topology: tpu7x:2x2x1
jax: 0.10.2.dev20260603
libtpu: 0.0.44.dev20260713+nightly
codegen_flags: <defaults>
</compile_context>

<pallas_src>
import jax
import jax.numpy as jnp
from jax import lax
from jax.experimental import pallas as pl
from jax.experimental.pallas import tpu as pltpu
from jax.experimental.pallas import tpu_sc as plsc

N_F = 10000
N_C = 2500
N_CP = 2560
K_NB = 32
KP = 15
DGCNN_K = 10
D1 = 128
D2 = 256
DG = 256
DOUT = 32
SIGMA1 = 0.0625
SIGMA2 = 0.125

_NC_SC = 2
_NS_SC = 16
_NW = _NC_SC * _NS_SC


def _sc_gather_rows(table, idx, cs):
    B = idx.shape[0]
    D = table.shape[1]
    bpw = B // _NW
    nch = bpw // cs
    mesh = plsc.VectorSubcoreMesh(core_axis_name="c", subcore_axis_name="s")

    def body(table_hbm, idx_hbm, out_hbm, idx_v, rows_v, sem):
        wid = lax.axis_index("s") * _NC_SC + lax.axis_index("c")
        base = wid * bpw
        for j in range(nch):
            off = base + j * cs
            pltpu.sync_copy(idx_hbm.at[pl.ds(off, cs)], idx_v)
            pltpu.async_copy(table_hbm.at[idx_v], rows_v, sem).wait()
            pltpu.sync_copy(rows_v, out_hbm.at[pl.ds(off, cs)])

    f = pl.kernel(
        body,
        mesh=mesh,
        out_type=jax.ShapeDtypeStruct((B, D), jnp.float32),
        scratch_types=[
            pltpu.VMEM((cs,), jnp.int32),
            pltpu.VMEM((cs, D), jnp.float32),
            pltpu.SemaphoreType.DMA,
        ],
    )
    return f(table, idx)


def _sc_gather_planes(tab4, idx):
    V4 = tab4.shape[0]
    V = V4 // 4
    B = idx.shape[0]
    bpw = B // _NW
    nv = bpw // 16
    mesh = plsc.VectorSubcoreMesh(core_axis_name="c", subcore_axis_name="s")

    def body(tab_hbm, idx_hbm, o0, o1, o2, o3, tab_v, idx_v, v0, v1, v2, v3):
        wid = lax.axis_index("s") * _NC_SC + lax.axis_index("c")
        base = wid * bpw
        pltpu.sync_copy(tab_hbm, tab_v)
        pltpu.sync_copy(idx_hbm.at[pl.ds(base, bpw)], idx_v)
        outs_v = (v0, v1, v2, v3)

        def step(i, carry):
            o = pl.multiple_of(i * 16, 16)
            idx16 = idx_v[pl.ds(o, 16)]
            for p in range(4):
                outs_v[p][pl.ds(o, 16)] = plsc.load_gather(
                    tab_v, [idx16 + p * V])
            return carry

        lax.fori_loop(0, nv, step, 0)
        for p, o_hbm in enumerate((o0, o1, o2, o3)):
            pltpu.sync_copy(outs_v[p], o_hbm.at[pl.ds(base, bpw)])

    f = pl.kernel(
        body,
        mesh=mesh,
        out_type=tuple(jax.ShapeDtypeStruct((B,), jnp.float32)
                       for _ in range(4)),
        scratch_types=[
            pltpu.VMEM((V4,), jnp.float32),
            pltpu.VMEM((bpw,), jnp.int32),
            pltpu.VMEM((bpw,), jnp.float32),
            pltpu.VMEM((bpw,), jnp.float32),
            pltpu.VMEM((bpw,), jnp.float32),
            pltpu.VMEM((bpw,), jnp.float32),
        ],
        compiler_params=pltpu.CompilerParams(needs_layout_passes=False),
    )
    return f(tab4, idx)


def _influence(nx, ny, nz, q_ref, kp_ref, inv_sigma):
    kx = kp_ref[0:1, :][:, None, :]
    ky = kp_ref[1:2, :][:, None, :]
    kz = kp_ref[2:3, :][:, None, :]
    dx = (nx - q_ref[:, 0:1])[:, :, None] - kx
    dy = (ny - q_ref[:, 1:2])[:, :, None] - ky
    dz = (nz - q_ref[:, 2:3])[:, :, None] - kz
    d = jnp.sqrt(dx * dx + dy * dy + dz * dz)
    return jnp.maximum(0.0, 1.0 - d * inv_sigma)


def _tc_kpconv1(g1x, g1y, g1z, g1f, pf, kp16, w1e, bn):
    def body(x_ref, y_ref, z_ref, f_ref, q_ref, kp_ref, w_ref, o_ref):
        infl = _influence(x_ref[...], y_ref[...], z_ref[...], q_ref,
                          kp_ref, 1.0 / SIGMA1)
        s1 = jnp.sum(infl * f_ref[...][:, :, None], axis=1)
        f1 = jnp.dot(s1, w_ref[...], preferred_element_type=jnp.float32)
        o_ref[...] = jnp.maximum(f1, 0.0)

    nb = pl.BlockSpec((bn, K_NB), lambda i: (i, 0))
    return pl.pallas_call(
        body,
        grid=(N_F // bn,),
        in_specs=[
            nb, nb, nb, nb,
            pl.BlockSpec((bn, 3), lambda i: (i, 0)),
            pl.BlockSpec((8, 16), lambda i: (0, 0)),
            pl.BlockSpec((16, D1), lambda i: (0, 0)),
        ],
        out_specs=pl.BlockSpec((bn, D1), lambda i: (i, 0)),
        out_shape=jax.ShapeDtypeStruct((N_F, D1), jnp.float32),
    )(g1x, g1y, g1z, g1f, pf, kp16, w1e)


def _tc_kpconv2(g2f, g2x, g2y, g2z, pc, kp16, w2, wb, bb, wgb, bc):

    def body(gf_ref, x_ref, y_ref, z_ref, q_ref, kp_ref, w2_ref, wb_ref,
             bb_ref, wgb_ref, fb_ref, fbp_ref):
        infl = _influence(x_ref[...], y_ref[...], z_ref[...], q_ref,
                          kp_ref, 1.0 / SIGMA2)
        gf = gf_ref[...]
        acc = jnp.zeros((bc, D2), dtype=jnp.float32)
        for p in range(KP):
            wp = jnp.sum(gf * infl[:, :, p:p + 1], axis=1)
            acc = acc + jnp.dot(wp, w2_ref[p],
                                preferred_element_type=jnp.float32)
        f2 = jnp.maximum(acc, 0.0)
        fb = (jnp.dot(f2, wb_ref[...], preferred_element_type=jnp.float32)
              + bb_ref[0:1, :])
        fb_ref[...] = fb
        fbp_ref[...] = jnp.dot(fb, wgb_ref[...],
                               preferred_element_type=jnp.float32)

    nb = pl.BlockSpec((bc, K_NB), lambda i: (i, 0))
    return pl.pallas_call(
        body,
        grid=(N_CP // bc,),
        in_specs=[
            pl.BlockSpec((bc, K_NB, D1), lambda i: (i, 0, 0)),
            nb, nb, nb,
            pl.BlockSpec((bc, 3), lambda i: (i, 0)),
            pl.BlockSpec((8, 16), lambda i: (0, 0)),
            pl.BlockSpec((KP, D1, D2), lambda i: (0, 0, 0)),
            pl.BlockSpec((D2, DG), lambda i: (0, 0)),
            pl.BlockSpec((8, DG), lambda i: (0, 0)),
            pl.BlockSpec((DG, DG), lambda i: (0, 0)),
        ],
        out_specs=[
            pl.BlockSpec((bc, DG), lambda i: (i, 0)),
            pl.BlockSpec((bc, DG), lambda i: (i, 0)),
        ],
        out_shape=[
            jax.ShapeDtypeStruct((N_CP, DG), jnp.float32),
            jax.ShapeDtypeStruct((N_CP, DG), jnp.float32),
        ],
    )(g2f, g2x, g2y, g2z, pc, kp16, w2, wb, bb, wgb)


def _tc_edge_proj(fb, fbp, g3, wgt, bg, wp, bp, ws16, bs16, wd0p, wds, wd1,
                  bc):

    def body(fb_ref, fbp_ref, nb_ref, wgt_ref, bg_ref, wp_ref, bp_ref,
             ws_ref, bs_ref, wd0_ref, wds_ref, wd1_ref, o_ref):
        ctr = fb_ref[...]
        own = fbp_ref[...]
        hc = (jnp.dot(ctr, wgt_ref[...], preferred_element_type=jnp.float32)
              + bg_ref[0:1, :] - own)
        mx = jnp.zeros((bc, DG), dtype=jnp.float32)
        for k in range(DGCNN_K):
            hk = hc + nb_ref[:, k, :]
            mx = jnp.maximum(mx, jnp.maximum(hk, 0.0))
        fg = ctr + mx
        fp = (jnp.dot(fg, wp_ref[...], preferred_element_type=jnp.float32)
              + bp_ref[0:1, :])
        nrm = jnp.sqrt(jnp.sum(fp * fp, axis=1, keepdims=True)) + 1e-8
        fp = fp / nrm
        s = (jnp.dot(fg, ws_ref[...], preferred_element_type=jnp.float32)
             [:, 0:1] + bs_ref[0:1, 0:1])
        bad = jnp.logical_or(jnp.isnan(s), jnp.isinf(s))
        s = jnp.where(bad, 0.0, s)
        d4 = (jnp.dot(fp, wd0_ref[...], preferred_element_type=jnp.float32)
              + s * wds_ref[0:1, :] + wd1_ref[0:1, :])
        o_ref[...] = d4

    return pl.pallas_call(
        body,
        grid=(N_CP // bc,),
        in_specs=[
            pl.BlockSpec((bc, DG), lambda i: (i, 0)),
            pl.BlockSpec((bc, DG), lambda i: (i, 0)),
            pl.BlockSpec((bc, DGCNN_K, DG), lambda i: (i, 0, 0)),
            pl.BlockSpec((DG, DG), lambda i: (0, 0)),
            pl.BlockSpec((8, DG), lambda i: (0, 0)),
            pl.BlockSpec((DG, DG), lambda i: (0, 0)),
            pl.BlockSpec((8, DG), lambda i: (0, 0)),
            pl.BlockSpec((DG, 16), lambda i: (0, 0)),
            pl.BlockSpec((8, 16), lambda i: (0, 0)),
            pl.BlockSpec((DG, D1), lambda i: (0, 0)),
            pl.BlockSpec((8, D1), lambda i: (0, 0)),
            pl.BlockSpec((8, D1), lambda i: (0, 0)),
        ],
        out_specs=pl.BlockSpec((bc, D1), lambda i: (i, 0)),
        out_shape=jax.ShapeDtypeStruct((N_CP, D1), jnp.float32),
    )(fb, fbp, g3, wgt, bg, wp, bp, ws16, bs16, wd0p, wds, wd1)


def _tc_decoder(g4, f1, wdf, bd, bn):
    def body(g_ref, f1_ref, wdf_ref, bd_ref, o_ref):
        o = (g_ref[:, 0:DOUT]
             + jnp.dot(f1_ref[...], wdf_ref[...],
                       preferred_element_type=jnp.float32)
             + bd_ref[0:1, :])
        o_ref[...] = jnp.maximum(o, 0.0)

    return pl.pallas_call(
        body,
        grid=(N_F // bn,),
        in_specs=[
            pl.BlockSpec((bn, D1), lambda i: (i, 0)),
            pl.BlockSpec((bn, D1), lambda i: (i, 0)),
            pl.BlockSpec((D1, DOUT), lambda i: (0, 0)),
            pl.BlockSpec((8, DOUT), lambda i: (0, 0)),
        ],
        out_specs=pl.BlockSpec((bn, DOUT), lambda i: (i, 0)),
        out_shape=jax.ShapeDtypeStruct((N_F, DOUT), jnp.float32),
    )(g4, f1, wdf, bd)


def _row8(v, w):
    out = jnp.zeros((8, w), dtype=jnp.float32)
    return out.at[0, :v.shape[0]].set(v)


def _kp16(kp):
    out = jnp.zeros((8, 16), dtype=jnp.float32)
    return out.at[0:3, 0:KP].set(kp.T)


def kernel(features, points_f, points_c, neighbors_f, pools, neighbors_c,
           upsamples, kp1, W1, kp2, W2, Wb, bb, Wg, bg, Wp, bp, Ws, bs,
           Wd, bd):
    f32 = jnp.float32
    tab4 = jnp.concatenate(
        [points_f[:, 0], points_f[:, 1], points_f[:, 2], features[:, 0]])
    pc3 = jnp.pad(points_c, ((0, N_CP - N_C), (0, 0)))

    w1e = jnp.pad(W1[:, 0, :], ((0, 1), (0, 0)))
    wgt = Wg[:DG]
    wgb = Wg[DG:]
    ws16 = jnp.zeros((DG, 16), dtype=f32).at[:, 0:1].set(Ws)
    wd0p = jnp.zeros((DG, D1), dtype=f32).at[:, :DOUT].set(Wd[:DG])
    wds = _row8(Wd[DG], D1)
    wd1 = _row8(Wd[DG + 1], D1)
    wdf = Wd[DG + 2:]

    idx1 = neighbors_f.reshape(-1).astype(jnp.int32)
    g1x, g1y, g1z, g1f = _sc_gather_planes(tab4, idx1)
    shp1 = (N_F, K_NB)
    f1 = _tc_kpconv1(g1x.reshape(shp1), g1y.reshape(shp1),
                     g1z.reshape(shp1), g1f.reshape(shp1),
                     points_f, _kp16(kp1), w1e, bn=1000)

    idx2 = jnp.pad(pools.reshape(-1).astype(jnp.int32),
                   (0, (N_CP - N_C) * K_NB))
    g2f = _sc_gather_rows(f1, idx2, cs=640).reshape(N_CP, K_NB, D1)
    g2x, g2y, g2z, _ = _sc_gather_planes(tab4, idx2)
    shp2 = (N_CP, K_NB)
    fb, fbp = _tc_kpconv2(g2f, g2x.reshape(shp2), g2y.reshape(shp2),
                          g2z.reshape(shp2), pc3, _kp16(kp2), W2, Wb,
                          _row8(bb, DG), wgb, bc=320)

    idx3 = jnp.pad(neighbors_c.reshape(-1).astype(jnp.int32),
                   (0, (N_CP - N_C) * DGCNN_K))
    g3 = _sc_gather_rows(fbp, idx3, cs=400).reshape(N_CP, DGCNN_K, DG)
    d4 = _tc_edge_proj(fb, fbp, g3, wgt, _row8(bg, DG), Wp, _row8(bp, DG),
                       ws16, _row8(bs, 16), wd0p, wds, wd1,
                       bc=512)

    idx4 = jnp.pad(upsamples[:, 0].astype(jnp.int32), (0, 10240 - N_F))
    g4 = _sc_gather_rows(d4, idx4, cs=320)[:N_F]
    out = _tc_decoder(g4, f1, wdf, _row8(bd, DOUT), bn=1000)
    return out

# --- scband reference (transcript-rebuilt; emitter-appended) ---
"""Pipeline reference for scband-kpfcnn-46471546143277 (READ-ONLY COPY).

The authoritative reference and input builder live on the scoring server;
editing this copy changes nothing except your own understanding.
"""

import jax, jax.numpy as jnp
import numpy as np

N_F = 10000
N_C = 2500
K_NB = 32
KP = 15
DGCNN_K = 10
D1 = 128
D2 = 256
DG = 256
DOUT = 32
SIGMA1 = 0.0625
SIGMA2 = 0.125


def kpconv(q_pts, s_pts, s_feats, neigh_idx, kp, W, sigma):
    # q_pts [Nq,3], s_pts [Ns,3], s_feats [Ns,Cin], neigh_idx [Nq,K], kp [KP,3], W [KP,Cin,Cout]
    nb_pts = s_pts[neigh_idx]                       # [Nq,K,3] gather
    rel = nb_pts - q_pts[:, None, :]                # relative positions
    d = jnp.linalg.norm(rel[:, :, None, :] - kp[None, None, :, :], axis=-1)  # [Nq,K,KP]
    infl = jnp.maximum(0.0, 1.0 - d / sigma)        # linear kernel influence
    nb_feats = s_feats[neigh_idx]                   # [Nq,K,Cin] gather
    weighted = jnp.einsum('nkp,nkc->npc', infl, nb_feats)  # [Nq,KP,Cin]
    return jnp.einsum('npc,pcd->nd', weighted, W)   # [Nq,Cout]


def edgeconv(feats, neigh_idx, Wg, bg):
    # DGCNN-style edge conv with max aggregation
    nb = feats[neigh_idx]                           # [N,k,C] gather
    ctr = jnp.broadcast_to(feats[:, None, :], nb.shape)
    edge = jnp.concatenate([ctr, nb - ctr], axis=-1)  # [N,k,2C]
    h = jax.nn.relu(edge @ Wg + bg)                 # [N,k,C]
    return jnp.max(h, axis=1)                       # [N,C]


def regular_score(s):
    s = jnp.where(jnp.isnan(s), jnp.zeros_like(s), s)
    s = jnp.where(jnp.isinf(s), jnp.zeros_like(s), s)
    return s


def setup_inputs(seed: int = 0) -> dict:
    key = jax.random.key(seed)
    ks = jax.random.split(key, 20)
    inp = {}
    inp['features'] = jnp.ones((N_F, 1), dtype=jnp.float32)
    inp['points_f'] = jax.random.uniform(ks[0], (N_F, 3), dtype=jnp.float32)
    inp['points_c'] = jax.random.uniform(ks[1], (N_C, 3), dtype=jnp.float32)
    inp['neighbors_f'] = jax.random.randint(ks[2], (N_F, K_NB), 0, N_F)
    inp['pools'] = jax.random.randint(ks[3], (N_C, K_NB), 0, N_F)
    inp['neighbors_c'] = jax.random.randint(ks[4], (N_C, DGCNN_K), 0, N_C)
    inp['upsamples'] = jax.random.randint(ks[5], (N_F, 1), 0, N_C)
    # learned parameters
    inp['kp1'] = jax.random.normal(ks[6], (KP, 3), dtype=jnp.float32) * SIGMA1
    inp['W1'] = jax.random.normal(ks[7], (KP, 1, D1), dtype=jnp.float32) * 0.1
    inp['kp2'] = jax.random.normal(ks[8], (KP, 3), dtype=jnp.float32) * SIGMA2
    inp['W2'] = jax.random.normal(ks[9], (KP, D1, D2), dtype=jnp.float32) * (1.0 / np.sqrt(D1 * KP))
    inp['Wb'] = jax.random.normal(ks[10], (D2, DG), dtype=jnp.float32) * (1.0 / np.sqrt(D2))
    inp['bb'] = jnp.zeros((DG,), dtype=jnp.float32)
    inp['Wg'] = jax.random.normal(ks[11], (2 * DG, DG), dtype=jnp.float32) * (1.0 / np.sqrt(2 * DG))
    inp['bg'] = jnp.zeros((DG,), dtype=jnp.float32)
    inp['Wp'] = jax.random.normal(ks[12], (DG, DG), dtype=jnp.float32) * (1.0 / np.sqrt(DG))
    inp['bp'] = jnp.zeros((DG,), dtype=jnp.float32)
    inp['Ws'] = jax.random.normal(ks[13], (DG, 1), dtype=jnp.float32) * (1.0 / np.sqrt(DG))
    inp['bs'] = jnp.zeros((1,), dtype=jnp.float32)
    inp['Wd'] = jax.random.normal(ks[14], (D1 + DG + 2, DOUT), dtype=jnp.float32) * (1.0 / np.sqrt(D1 + DG + 2))
    inp['bd'] = jnp.zeros((DOUT,), dtype=jnp.float32)
    return inp


def reference(features, points_f, points_c, neighbors_f, pools, neighbors_c, upsamples,
              kp1, W1, kp2, W2, Wb, bb, Wg, bg, Wp, bp, Ws, bs, Wd, bd):
    # ---- encoder ----
    f1 = jax.nn.relu(kpconv(points_f, points_f, features, neighbors_f, kp1, W1, SIGMA1))   # [N_F,128] skip
    f2 = jax.nn.relu(kpconv(points_c, points_f, f1, pools, kp2, W2, SIGMA2))               # [N_C,256] strided
    # ---- bottleneck (1x1 conv) ----
    fb = f2 @ Wb + bb                                                                      # [N_C,256]
    # ---- GNN (dgcnn edge conv, residual) ----
    fg = fb + edgeconv(fb, neighbors_c, Wg, bg)                                            # [N_C,256]
    # ---- projections ----
    fp = fg @ Wp + bp
    fp = fp / (jnp.linalg.norm(fp, axis=-1, keepdims=True) + 1e-8)                         # F.normalize
    scores = regular_score((fg @ Ws + bs)[:, 0])                                           # [N_C]
    # ---- decoder: concat feats + scores + ones, upsample, skip concat, unary ----
    fc = jnp.concatenate([fp, scores[:, None], jnp.ones((fp.shape[0], 1), fp.dtype)], axis=-1)  # [N_C,258]
    fu = fc[upsamples[:, 0]]                                                               # [N_F,258] nearest upsample
    fdec = jnp.concatenate([fu, f1], axis=-1)                                              # [N_F,386]
    out = jax.nn.relu(fdec @ Wd + bd)                                                      # [N_F,32]
    return out

if __name__ == "__main__":
    import jax
    _d = setup_inputs()
    print(jax.jit(kernel)(*tuple(_d.values())))

</pallas_src>

<mosaic_0001>
#map = affine_map<(d0, d1) -> (0, 0)>
#map1 = affine_map<(d0, d1) -> (0)>
module attributes {stable_mosaic.version = 14 : i64} {
  func.func @body(%arg0: i32, %arg1: i32, %arg2: memref<10000x128xf32, #tpu.memory_space<hbm>>, %arg3: memref<81920xi32, #tpu.memory_space<hbm>>, %arg4: memref<81920x128xf32, #tpu.memory_space<hbm>>, %arg5: memref<640xi32, #tpu.memory_space<vmem>>, %arg6: memref<640x128xf32, #tpu.memory_space<vmem>>, %arg7: memref<!tpu.dma_semaphore, #tpu.memory_space<semaphore_mem>>) attributes {dimension_semantics = [#tpu.dimension_semantics<core_parallel>, #tpu.dimension_semantics<subcore_parallel>], iteration_bounds = array<i64: 2, 16>, scalar_prefetch = 0 : i64, scratch_operands = 3 : i64, tpu.core_type = #tpu.core_type<sc_vector_subcore>, window_params = [{transform_indices = #map}, {transform_indices = #map1}, {transform_indices = #map}]} {
    %mul3A = arith.constant 2 : i32
    %mul3A_0 = arith.muli %arg1, %mul3A : i32
    %add3A = arith.addi %mul3A_0, %arg0 : i32
    %mul3A_1 = arith.constant 2560 : i32
    %mul3A_2 = arith.muli %add3A, %mul3A_1 : i32
    %add3A_3 = arith.constant 0 : i32
    %add3A_4 = arith.addi %mul3A_2, %add3A_3 : i32
    "tpu.region"() ({
      %run_scoped3A = tpu.sem_alloc : memref<!tpu.dma_semaphore, #tpu.memory_space<semaphore_mem>>
      %dma_start3A_33 = tpu.memref_slice %arg3[%add3A_4] : memref<81920xi32, #tpu.memory_space<hbm>> -> memref<640xi32, #tpu.memory_space<hbm>>
      %dma_start3A_34 = tpu.memref_slice %arg3[%add3A_4] : memref<81920xi32, #tpu.memory_space<hbm>> -> memref<640xi32, #tpu.memory_space<hbm>>
      tpu.enqueue_dma source(%dma_start3A_34 : memref<640xi32, #tpu.memory_space<hbm>>) target(%arg5 : memref<640xi32, #tpu.memory_space<vmem>>) target_semaphore(%run_scoped3A : memref<!tpu.dma_semaphore, #tpu.memory_space<semaphore_mem>>)
      %dma_wait3A_35 = tpu.memref_slice %arg3[%add3A_4] : memref<81920xi32, #tpu.memory_space<hbm>> -> memref<640xi32, #tpu.memory_space<hbm>>
      %dma_wait3A_36 = tpu.memref_slice %arg3[%add3A_4] : memref<81920xi32, #tpu.memory_space<hbm>> -> memref<640xi32, #tpu.memory_space<hbm>>
      tpu.wait_dma2 semaphore(%run_scoped3A : memref<!tpu.dma_semaphore, #tpu.memory_space<semaphore_mem>>) src(%dma_wait3A_36 : memref<640xi32, #tpu.memory_space<hbm>>) dst(%arg5 : memref<640xi32, #tpu.memory_space<vmem>>)
      tpu.yield
    }) : () -> ()
    %dma_start3A = arith.constant 0 : i32
    %dma_start3A_5 = arith.constant 0 : i32
    %dma_start3A_6 = tpu.memref_slice %arg2[%dma_start3A, %dma_start3A_5] : memref<10000x128xf32, #tpu.memory_space<hbm>> -> memref<10000x128xf32, #tpu.memory_space<hbm>>
    tpu.enqueue_indirect_dma source(%dma_start3A_6 : memref<10000x128xf32, #tpu.memory_space<hbm>>) target(%arg6 : memref<640x128xf32, #tpu.memory_space<vmem>>) offsets(%arg5 : memref<640xi32, #tpu.memory_space<vmem>>) semaphore(%arg7 : memref<!tpu.dma_semaphore, #tpu.memory_space<semaphore_mem>>)
    %dma_wait3A = arith.constant 0 : i32
    %dma_wait3A_7 = arith.constant 0 : i32
    %dma_wait3A_8 = tpu.memref_slice %arg2[%dma_wait3A, %dma_wait3A_7] : memref<10000x128xf32, #tpu.memory_space<hbm>> -> memref<10000x128xf32, #tpu.memory_space<hbm>>
    tpu.wait_indirect_dma semaphore(%arg7 : memref<!tpu.dma_semaphore, #tpu.memory_space<semaphore_mem>>) src(%dma_wait3A_8 : memref<10000x128xf32, #tpu.memory_space<hbm>>) dst(%arg6 : memref<640x128xf32, #tpu.memory_space<vmem>>)
    "tpu.region"() ({
      %run_scoped3A = tpu.sem_alloc : memref<!tpu.dma_semaphore, #tpu.memory_space<semaphore_mem>>
      %dma_start3A_33 = arith.constant 0 : i32
      %dma_start3A_34 = tpu.memref_slice %arg4[%add3A_4, %dma_start3A_33] : memref<81920x128xf32, #tpu.memory_space<hbm>> -> memref<640x128xf32, #tpu.memory_space<hbm>>
      %dma_start3A_35 = arith.constant 0 : i32
      %dma_start3A_36 = tpu.memref_slice %arg4[%add3A_4, %dma_start3A_35] : memref<81920x128xf32, #tpu.memory_space<hbm>> -> memref<640x128xf32, #tpu.memory_space<hbm>>
      tpu.enqueue_dma source(%arg6 : memref<640x128xf32, #tpu.memory_space<vmem>>) target(%dma_start3A_36 : memref<640x128xf32, #tpu.memory_space<hbm>>) target_semaphore(%run_scoped3A : memref<!tpu.dma_semaphore, #tpu.memory_space<semaphore_mem>>)
      %dma_wait3A_37 = arith.constant 0 : i32
      %dma_wait3A_38 = tpu.memref_slice %arg4[%add3A_4, %dma_wait3A_37] : memref<81920x128xf32, #tpu.memory_space<hbm>> -> memref<640x128xf32, #tpu.memory_space<hbm>>
      %dma_wait3A_39 = arith.constant 0 : i32
      %dma_wait3A_40 = tpu.memref_slice %arg4[%add3A_4, %dma_wait3A_39] : memref<81920x128xf32, #tpu.memory_space<hbm>> -> memref<640x128xf32, #tpu.memory_space<hbm>>
      tpu.wait_dma2 semaphore(%run_scoped3A : memref<!tpu.dma_semaphore, #tpu.memory_space<semaphore_mem>>) src(%arg6 : memref<640x128xf32, #tpu.memory_space<vmem>>) dst(%dma_wait3A_40 : memref<640x128xf32, #tpu.memory_space<hbm>>)
      tpu.yield
    }) : () -> ()
    %add3A_9 = arith.constant 640 : i32
    %add3A_10 = arith.addi %mul3A_2, %add3A_9 : i32
    "tpu.region"() ({
      %run_scoped3A = tpu.sem_alloc : memref<!tpu.dma_semaphore, #tpu.memory_space<semaphore_mem>>
      %dma_start3A_33 = tpu.memref_slice %arg3[%add3A_10] : memref<81920xi32, #tpu.memory_space<hbm>> -> memref<640xi32, #tpu.memory_space<hbm>>
      %dma_start3A_34 = tpu.memref_slice %arg3[%add3A_10] : memref<81920xi32, #tpu.memory_space<hbm>> -> memref<640xi32, #tpu.memory_space<hbm>>
      tpu.enqueue_dma source(%dma_start3A_34 : memref<640xi32, #tpu.memory_space<hbm>>) target(%arg5 : memref<640xi32, #tpu.memory_space<vmem>>) target_semaphore(%run_scoped3A : memref<!tpu.dma_semaphore, #tpu.memory_space<semaphore_mem>>)
      %dma_wait3A_35 = tpu.memref_slice %arg3[%add3A_10] : memref<81920xi32, #tpu.memory_space<hbm>> -> memref<640xi32, #tpu.memory_space<hbm>>
      %dma_wait3A_36 = tpu.memref_slice %arg3[%add3A_10] : memref<81920xi32, #tpu.memory_space<hbm>> -> memref<640xi32, #tpu.memory_space<hbm>>
      tpu.wait_dma2 semaphore(%run_scoped3A : memref<!tpu.dma_semaphore, #tpu.memory_space<semaphore_mem>>) src(%dma_wait3A_36 : memref<640xi32, #tpu.memory_space<hbm>>) dst(%arg5 : memref<640xi32, #tpu.memory_space<vmem>>)
      tpu.yield
    }) : () -> ()
    %dma_start3A_11 = arith.constant 0 : i32
    %dma_start3A_12 = arith.constant 0 : i32
    %dma_start3A_13 = tpu.memref_slice %arg2[%dma_start3A_11, %dma_start3A_12] : memref<10000x128xf32, #tpu.memory_space<hbm>> -> memref<10000x128xf32, #tpu.memory_space<hbm>>
    tpu.enqueue_indirect_dma source(%dma_start3A_13 : memref<10000x128xf32, #tpu.memory_space<hbm>>) target(%arg6 : memref<640x128xf32, #tpu.memory_space<vmem>>) offsets(%arg5 : memref<640xi32, #tpu.memory_space<vmem>>) semaphore(%arg7 : memref<!tpu.dma_semaphore, #tpu.memory_space<semaphore_mem>>)
    %dma_wait3A_14 = arith.constant 0 : i32
    %dma_wait3A_15 = arith.constant 0 : i32
    %dma_wait3A_16 = tpu.memref_slice %arg2[%dma_wait3A_14, %dma_wait3A_15] : memref<10000x128xf32, #tpu.memory_space<hbm>> -> memref<10000x128xf32, #tpu.memory_space<hbm>>
    tpu.wait_indirect_dma semaphore(%arg7 : memref<!tpu.dma_semaphore, #tpu.memory_space<semaphore_mem>>) src(%dma_wait3A_16 : memref<10000x128xf32, #tpu.memory_space<hbm>>) dst(%arg6 : memref<640x128xf32, #tpu.memory_space<vmem>>)
    "tpu.region"() ({
      %run_scoped3A = tpu.sem_alloc : memref<!tpu.dma_semaphore, #tpu.memory_space<semaphore_mem>>
      %dma_start3A_33 = arith.constant 0 : i32
      %dma_start3A_34 = tpu.memref_slice %arg4[%add3A_10, %dma_start3A_33] : memref<81920x128xf32, #tpu.memory_space<hbm>> -> memref<640x128xf32, #tpu.memory_space<hbm>>
      %dma_start3A_35 = arith.constant 0 : i32
      %dma_start3A_36 = tpu.memref_slice %arg4[%add3A_10, %dma_start3A_35] : memref<81920x128xf32, #tpu.memory_space<hbm>> -> memref<640x128xf32, #tpu.memory_space<hbm>>
      tpu.enqueue_dma source(%arg6 : memref<640x128xf32, #tpu.memory_space<vmem>>) target(%dma_start3A_36 : memref<640x128xf32, #tpu.memory_space<hbm>>) target_semaphore(%run_scoped3A : memref<!tpu.dma_semaphore, #tpu.memory_space<semaphore_mem>>)
      %dma_wait3A_37 = arith.constant 0 : i32
      %dma_wait3A_38 = tpu.memref_slice %arg4[%add3A_10, %dma_wait3A_37] : memref<81920x128xf32, #tpu.memory_space<hbm>> -> memref<640x128xf32, #tpu.memory_space<hbm>>
      %dma_wait3A_39 = arith.constant 0 : i32
      %dma_wait3A_40 = tpu.memref_slice %arg4[%add3A_10, %dma_wait3A_39] : memref<81920x128xf32, #tpu.memory_space<hbm>> -> memref<640x128xf32, #tpu.memory_space<hbm>>
      tpu.wait_dma2 semaphore(%run_scoped3A : memref<!tpu.dma_semaphore, #tpu.memory_space<semaphore_mem>>) src(%arg6 : memref<640x128xf32, #tpu.memory_space<vmem>>) dst(%dma_wait3A_40 : memref<640x128xf32, #tpu.memory_space<hbm>>)
      tpu.yield
    }) : () -> ()
    %add3A_17 = arith.constant 1280 : i32
    %add3A_18 = arith.addi %mul3A_2, %add3A_17 : i32
    "tpu.region"() ({
      %run_scoped3A = tpu.sem_alloc : memref<!tpu.dma_semaphore, #tpu.memory_space<semaphore_mem>>
      %dma_start3A_33 = tpu.memref_slice %arg3[%add3A_18] : memref<81920xi32, #tpu.memory_space<hbm>> -> memref<640xi32, #tpu.memory_space<hbm>>
      %dma_start3A_34 = tpu.memref_slice %arg3[%add3A_18] : memref<81920xi32, #tpu.memory_space<hbm>> -> memref<640xi32, #tpu.memory_space<hbm>>
      tpu.enqueue_dma source(%dma_start3A_34 : memref<640xi32, #tpu.memory_space<hbm>>) target(%arg5 : memref<640xi32, #tpu.memory_space<vmem>>) target_semaphore(%run_scoped3A : memref<!tpu.dma_semaphore, #tpu.memory_space<semaphore_mem>>)
      %dma_wait3A_35 = tpu.memref_slice %arg3[%add3A_18] : memref<81920xi32, #tpu.memory_space<hbm>> -> memref<640xi32, #tpu.memory_space<hbm>>
      %dma_wait3A_36 = tpu.memref_slice %arg3[%add3A_18] : memref<81920xi32, #tpu.memory_space<hbm>> -> memref<640xi32, #tpu.memory_space<hbm>>
      tpu.wait_dma2 semaphore(%run_scoped3A : memref<!tpu.dma_semaphore, #tpu.memory_space<semaphore_mem>>) src(%dma_wait3A_36 : memref<640xi32, #tpu.memory_space<hbm>>) dst(%arg5 : memref<640xi32, #tpu.memory_space<vmem>>)
      tpu.yield
    }) : () -> ()
    %dma_start3A_19 = arith.constant 0 : i32
    %dma_start3A_20 = arith.constant 0 : i32
    %dma_start3A_21 = tpu.memref_slice %arg2[%dma_start3A_19, %dma_start3A_20] : memref<10000x128xf32, #tpu.memory_space<hbm>> -> memref<10000x128xf32, #tpu.memory_space<hbm>>
    tpu.enqueue_indirect_dma source(%dma_start3A_21 : memref<10000x128xf32, #tpu.memory_space<hbm>>) target(%arg6 : memref<640x128xf32, #tpu.memory_space<vmem>>) offsets(%arg5 : memref<640xi32, #tpu.memory_space<vmem>>) semaphore(%arg7 : memref<!tpu.dma_semaphore, #tpu.memory_space<semaphore_mem>>)
    %dma_wait3A_22 = arith.constant 0 : i32
    %dma_wait3A_23 = arith.constant 0 : i32
    %dma_wait3A_24 = tpu.memref_slice %arg2[%dma_wait3A_22, %dma_wait3A_23] : memref<10000x128xf32, #tpu.memory_space<hbm>> -> memref<10000x128xf32, #tpu.memory_space<hbm>>
    tpu.wait_indirect_dma semaphore(%arg7 : memref<!tpu.dma_semaphore, #tpu.memory_space<semaphore_mem>>) src(%dma_wait3A_24 : memref<10000x128xf32, #tpu.memory_space<hbm>>) dst(%arg6 : memref<640x128xf32, #tpu.memory_space<vmem>>)
    "tpu.region"() ({
      %run_scoped3A = tpu.sem_alloc : memref<!tpu.dma_semaphore, #tpu.memory_space<semaphore_mem>>
      %dma_start3A_33 = arith.constant 0 : i32
      %dma_start3A_34 = tpu.memref_slice %arg4[%add3A_18, %dma_start3A_33] : memref<81920x128xf32, #tpu.memory_space<hbm>> -> memref<640x128xf32, #tpu.memory_space<hbm>>
      %dma_start3A_35 = arith.constant 0 : i32
      %dma_start3A_36 = tpu.memref_slice %arg4[%add3A_18, %dma_start3A_35] : memref<81920x128xf32, #tpu.memory_space<hbm>> -> memref<640x128xf32, #tpu.memory_space<hbm>>
      tpu.enqueue_dma source(%arg6 : memref<640x128xf32, #tpu.memory_space<vmem>>) target(%dma_start3A_36 : memref<640x128xf32, #tpu.memory_space<hbm>>) target_semaphore(%run_scoped3A : memref<!tpu.dma_semaphore, #tpu.memory_space<semaphore_mem>>)
      %dma_wait3A_37 = arith.constant 0 : i32
      %dma_wait3A_38 = tpu.memref_slice %arg4[%add3A_18, %dma_wait3A_37] : memref<81920x128xf32, #tpu.memory_space<hbm>> -> memref<640x128xf32, #tpu.memory_space<hbm>>
      %dma_wait3A_39 = arith.constant 0 : i32
      %dma_wait3A_40 = tpu.memref_slice %arg4[%add3A_18, %dma_wait3A_39] : memref<81920x128xf32, #tpu.memory_space<hbm>> -> memref<640x128xf32, #tpu.memory_space<hbm>>
      tpu.wait_dma2 semaphore(%run_scoped3A : memref<!tpu.dma_semaphore, #tpu.memory_space<semaphore_mem>>) src(%arg6 : memref<640x128xf32, #tpu.memory_space<vmem>>) dst(%dma_wait3A_40 : memref<640x128xf32, #tpu.memory_space<hbm>>)
      tpu.yield
    }) : () -> ()
    %add3A_25 = arith.constant 1920 : i32
    %add3A_26 = arith.addi %mul3A_2, %add3A_25 : i32
    "tpu.region"() ({
      %run_scoped3A = tpu.sem_alloc : memref<!tpu.dma_semaphore, #tpu.memory_space<semaphore_mem>>
      %dma_start3A_33 = tpu.memref_slice %arg3[%add3A_26] : memref<81920xi32, #tpu.memory_space<hbm>> -> memref<640xi32, #tpu.memory_space<hbm>>
      %dma_start3A_34 = tpu.memref_slice %arg3[%add3A_26] : memref<81920xi32, #tpu.memory_space<hbm>> -> memref<640xi32, #tpu.memory_space<hbm>>
      tpu.enqueue_dma source(%dma_start3A_34 : memref<640xi32, #tpu.memory_space<hbm>>) target(%arg5 : memref<640xi32, #tpu.memory_space<vmem>>) target_semaphore(%run_scoped3A : memref<!tpu.dma_semaphore, #tpu.memory_space<semaphore_mem>>)
      %dma_wait3A_35 = tpu.memref_slice %arg3[%add3A_26] : memref<81920xi32, #tpu.memory_space<hbm>> -> memref<640xi32, #tpu.memory_space<hbm>>
      %dma_wait3A_36 = tpu.memref_slice %arg3[%add3A_26] : memref<81920xi32, #tpu.memory_space<hbm>> -> memref<640xi32, #tpu.memory_space<hbm>>
      tpu.wait_dma2 semaphore(%run_scoped3A : memref<!tpu.dma_semaphore, #tpu.memory_space<semaphore_mem>>) src(%dma_wait3A_36 : memref<640xi32, #tpu.memory_space<hbm>>) dst(%arg5 : memref<640xi32, #tpu.memory_space<vmem>>)
      tpu.yield
    }) : () -> ()
    %dma_start3A_27 = arith.constant 0 : i32
    %dma_start3A_28 = arith.constant 0 : i32
    %dma_start3A_29 = tpu.memref_slice %arg2[%dma_start3A_27, %dma_start3A_28] : memref<10000x128xf32, #tpu.memory_space<hbm>> -> memref<10000x128xf32, #tpu.memory_space<hbm>>
    tpu.enqueue_indirect_dma source(%dma_start3A_29 : memref<10000x128xf32, #tpu.memory_space<hbm>>) target(%arg6 : memref<640x128xf32, #tpu.memory_space<vmem>>) offsets(%arg5 : memref<640xi32, #tpu.memory_space<vmem>>) semaphore(%arg7 : memref<!tpu.dma_semaphore, #tpu.memory_space<semaphore_mem>>)
    %dma_wait3A_30 = arith.constant 0 : i32
    %dma_wait3A_31 = arith.constant 0 : i32
    %dma_wait3A_32 = tpu.memref_slice %arg2[%dma_wait3A_30, %dma_wait3A_31] : memref<10000x128xf32, #tpu.memory_space<hbm>> -> memref<10000x128xf32, #tpu.memory_space<hbm>>
    tpu.wait_indirect_dma semaphore(%arg7 : memref<!tpu.dma_semaphore, #tpu.memory_space<semaphore_mem>>) src(%dma_wait3A_32 : memref<10000x128xf32, #tpu.memory_space<hbm>>) dst(%arg6 : memref<640x128xf32, #tpu.memory_space<vmem>>)
    "tpu.region"() ({
      %run_scoped3A = tpu.sem_alloc : memref<!tpu.dma_semaphore, #tpu.memory_space<semaphore_mem>>
      %dma_start3A_33 = arith.constant 0 : i32
      %dma_start3A_34 = tpu.memref_slice %arg4[%add3A_26, %dma_start3A_33] : memref<81920x128xf32, #tpu.memory_space<hbm>> -> memref<640x128xf32, #tpu.memory_space<hbm>>
      %dma_start3A_35 = arith.constant 0 : i32
      %dma_start3A_36 = tpu.memref_slice %arg4[%add3A_26, %dma_start3A_35] : memref<81920x128xf32, #tpu.memory_space<hbm>> -> memref<640x128xf32, #tpu.memory_space<hbm>>
      tpu.enqueue_dma source(%arg6 : memref<640x128xf32, #tpu.memory_space<vmem>>) target(%dma_start3A_36 : memref<640x128xf32, #tpu.memory_space<hbm>>) target_semaphore(%run_scoped3A : memref<!tpu.dma_semaphore, #tpu.memory_space<semaphore_mem>>)
      %dma_wait3A_37 = arith.constant 0 : i32
      %dma_wait3A_38 = tpu.memref_slice %arg4[%add3A_26, %dma_wait3A_37] : memref<81920x128xf32, #tpu.memory_space<hbm>> -> memref<640x128xf32, #tpu.memory_space<hbm>>
      %dma_wait3A_39 = arith.constant 0 : i32
      %dma_wait3A_40 = tpu.memref_slice %arg4[%add3A_26, %dma_wait3A_39] : memref<81920x128xf32, #tpu.memory_space<hbm>> -> memref<640x128xf32, #tpu.memory_space<hbm>>
      tpu.wait_dma2 semaphore(%run_scoped3A : memref<!tpu.dma_semaphore, #tpu.memory_space<semaphore_mem>>) src(%arg6 : memref<640x128xf32, #tpu.memory_space<vmem>>) dst(%dma_wait3A_40 : memref<640x128xf32, #tpu.memory_space<hbm>>)
      tpu.yield
    }) : () -> ()
    return
  }
}

#map = affine_map<(d0, d1) -> (0)>
module attributes {stable_mosaic.version = 14 : i64} {
  func.func @body(%arg0: i32, %arg1: i32, %arg2: memref<40000xf32, #tpu.memory_space<hbm>>, %arg3: memref<81920xi32, #tpu.memory_space<hbm>>, %arg4: memref<81920xf32, #tpu.memory_space<hbm>>, %arg5: memref<81920xf32, #tpu.memory_space<hbm>>, %arg6: memref<81920xf32, #tpu.memory_space<hbm>>, %arg7: memref<81920xf32, #tpu.memory_space<hbm>>, %arg8: memref<40000xf32, #tpu.memory_space<vmem>>, %arg9: memref<2560xi32, #tpu.memory_space<vmem>>, %arg10: memref<2560xf32, #tpu.memory_space<vmem>>, %arg11: memref<2560xf32, #tpu.memory_space<vmem>>, %arg12: memref<2560xf32, #tpu.memory_space<vmem>>, %arg13: memref<2560xf32, #tpu.memory_space<vmem>>) attributes {dimension_semantics = [#tpu.dimension_semantics<core_parallel>, #tpu.dimension_semantics<subcore_parallel>], iteration_bounds = array<i64: 2, 16>, scalar_prefetch = 0 : i64, scratch_operands = 6 : i64, tpu.core_type = #tpu.core_type<sc_vector_subcore>, window_params = [{transform_indices = #map}, {transform_indices = #map}, {transform_indices = #map}, {transform_indices = #map}, {transform_indices = #map}, {transform_indices = #map}]} {
    %mul3A = arith.constant 2 : i32
    %mul3A_0 = arith.muli %arg1, %mul3A : i32
    %add3A = arith.addi %mul3A_0, %arg0 : i32
    %mul3A_1 = arith.constant 2560 : i32
    %mul3A_2 = arith.muli %add3A, %mul3A_1 : i32
    "tpu.region"() ({
      %run_scoped3A = tpu.sem_alloc : memref<!tpu.dma_semaphore, #tpu.memory_space<semaphore_mem>>
      tpu.enqueue_dma source(%arg2 : memref<40000xf32, #tpu.memory_space<hbm>>) target(%arg8 : memref<40000xf32, #tpu.memory_space<vmem>>) target_semaphore(%run_scoped3A : memref<!tpu.dma_semaphore, #tpu.memory_space<semaphore_mem>>)
      tpu.wait_dma2 semaphore(%run_scoped3A : memref<!tpu.dma_semaphore, #tpu.memory_space<semaphore_mem>>) src(%arg2 : memref<40000xf32, #tpu.memory_space<hbm>>) dst(%arg8 : memref<40000xf32, #tpu.memory_space<vmem>>)
      tpu.yield
    }) : () -> ()
    "tpu.region"() ({
      %run_scoped3A = tpu.sem_alloc : memref<!tpu.dma_semaphore, #tpu.memory_space<semaphore_mem>>
      %dma_start3A = tpu.memref_slice %arg3[%mul3A_2] : memref<81920xi32, #tpu.memory_space<hbm>> -> memref<2560xi32, #tpu.memory_space<hbm>>
      %dma_start3A_8 = tpu.memref_slice %arg3[%mul3A_2] : memref<81920xi32, #tpu.memory_space<hbm>> -> memref<2560xi32, #tpu.memory_space<hbm>>
      tpu.enqueue_dma source(%dma_start3A_8 : memref<2560xi32, #tpu.memory_space<hbm>>) target(%arg9 : memref<2560xi32, #tpu.memory_space<vmem>>) target_semaphore(%run_scoped3A : memref<!tpu.dma_semaphore, #tpu.memory_space<semaphore_mem>>)
      %dma_wait3A = tpu.memref_slice %arg3[%mul3A_2] : memref<81920xi32, #tpu.memory_space<hbm>> -> memref<2560xi32, #tpu.memory_space<hbm>>
      %dma_wait3A_9 = tpu.memref_slice %arg3[%mul3A_2] : memref<81920xi32, #tpu.memory_space<hbm>> -> memref<2560xi32, #tpu.memory_space<hbm>>
      tpu.wait_dma2 semaphore(%run_scoped3A : memref<!tpu.dma_semaphore, #tpu.memory_space<semaphore_mem>>) src(%dma_wait3A_9 : memref<2560xi32, #tpu.memory_space<hbm>>) dst(%arg9 : memref<2560xi32, #tpu.memory_space<vmem>>)
      tpu.yield
    }) : () -> ()
    %scan3A = arith.constant 0 : i32
    %scan3A_3 = arith.constant 0 : i32
    %scan3A_4 = arith.constant 160 : i32
    %scan3A_5 = arith.addi %scan3A_3, %scan3A_4 : i32
    %scan3A_6 = arith.constant 1 : i32
    scf.for %scan3A_8 = %scan3A_3 to %scan3A_5 step %scan3A_6  : i32 {
      %mul3A_9 = arith.constant 16 : i32
      %mul3A_10 = arith.muli %scan3A_8, %mul3A_9 : i32
      %multiple_of3A = tpu.assume_multiple %mul3A_10, 16 : i32
      %get3A = arith.index_cast %multiple_of3A : i32 to index
      %get3A_11 = tpu.vector_load %arg9[%get3A] {strides = array<i32>} : memref<2560xi32, #tpu.memory_space<vmem>>, vector<16xi32>,
      %add3A_12 = arith.constant 0 : i32
      %add3A_13 = vector.broadcast %add3A_12 : i32 to vector<16xi32>
      %add3A_14 = arith.addi %get3A_11, %add3A_13 : vector<16xi32>
      %gather3A = tpu.vector_load_idx %arg8[%add3A_14] : memref<40000xf32, #tpu.memory_space<vmem>>[vector<16xi32>], vector<16xf32>,
      %swap3A = arith.index_cast %multiple_of3A : i32 to index
      %swap3A_15 = tpu.vector_load %arg10[%swap3A] {strides = array<i32>} : memref<2560xf32, #tpu.memory_space<vmem>>, vector<16xf32>,
      tpu.vector_store %arg10[%swap3A], %gather3A {strides = array<i32>} : memref<2560xf32, #tpu.memory_space<vmem>>, vector<16xf32>,
      %add3A_16 = arith.constant 10000 : i32
      %add3A_17 = vector.broadcast %add3A_16 : i32 to vector<16xi32>
      %add3A_18 = arith.addi %get3A_11, %add3A_17 : vector<16xi32>
      %gather3A_19 = tpu.vector_load_idx %arg8[%add3A_18] : memref<40000xf32, #tpu.memory_space<vmem>>[vector<16xi32>], vector<16xf32>,
      %swap3A_20 = arith.index_cast %multiple_of3A : i32 to index
      %swap3A_21 = tpu.vector_load %arg11[%swap3A_20] {strides = array<i32>} : memref<2560xf32, #tpu.memory_space<vmem>>, vector<16xf32>,
      tpu.vector_store %arg11[%swap3A_20], %gather3A_19 {strides = array<i32>} : memref<2560xf32, #tpu.memory_space<vmem>>, vector<16xf32>,
      %add3A_22 = arith.constant 20000 : i32
      %add3A_23 = vector.broadcast %add3A_22 : i32 to vector<16xi32>
      %add3A_24 = arith.addi %get3A_11, %add3A_23 : vector<16xi32>
      %gather3A_25 = tpu.vector_load_idx %arg8[%add3A_24] : memref<40000xf32, #tpu.memory_space<vmem>>[vector<16xi32>], vector<16xf32>,
      %swap3A_26 = arith.index_cast %multiple_of3A : i32 to index
      %swap3A_27 = tpu.vector_load %arg12[%swap3A_26] {strides = array<i32>} : memref<2560xf32, #tpu.memory_space<vmem>>, vector<16xf32>,
      tpu.vector_store %arg12[%swap3A_26], %gather3A_25 {strides = array<i32>} : memref<2560xf32, #tpu.memory_space<vmem>>, vector<16xf32>,
      %add3A_28 = arith.constant 30000 : i32
      %add3A_29 = vector.broadcast %add3A_28 : i32 to vector<16xi32>
      %add3A_30 = arith.addi %get3A_11, %add3A_29 : vector<16xi32>
      %gather3A_31 = tpu.vector_load_idx %arg8[%add3A_30] : memref<40000xf32, #tpu.memory_space<vmem>>[vector<16xi32>], vector<16xf32>,
      %swap3A_32 = arith.index_cast %multiple_of3A : i32 to index
      %swap3A_33 = tpu.vector_load %arg13[%swap3A_32] {strides = array<i32>} : memref<2560xf32, #tpu.memory_space<vmem>>, vector<16xf32>,
      tpu.vector_store %arg13[%swap3A_32], %gather3A_31 {strides = array<i32>} : memref<2560xf32, #tpu.memory_space<vmem>>, vector<16xf32>,
    }
    %scan3A_7 = arith.constant 160 : i32
    "tpu.region"() ({
      %run_scoped3A = tpu.sem_alloc : memref<!tpu.dma_semaphore, #tpu.memory_space<semaphore_mem>>
      %dma_start3A = tpu.memref_slice %arg4[%mul3A_2] : memref<81920xf32, #tpu.memory_space<hbm>> -> memref<2560xf32, #tpu.memory_space<hbm>>
      %dma_start3A_8 = tpu.memref_slice %arg4[%mul3A_2] : memref<81920xf32, #tpu.memory_space<hbm>> -> memref<2560xf32, #tpu.memory_space<hbm>>
      tpu.enqueue_dma source(%arg10 : memref<2560xf32, #tpu.memory_space<vmem>>) target(%dma_start3A_8 : memref<2560xf32, #tpu.memory_space<hbm>>) target_semaphore(%run_scoped3A : memref<!tpu.dma_semaphore, #tpu.memory_space<semaphore_mem>>)
      %dma_wait3A = tpu.memref_slice %arg4[%mul3A_2] : memref<81920xf32, #tpu.memory_space<hbm>> -> memref<2560xf32, #tpu.memory_space<hbm>>
      %dma_wait3A_9 = tpu.memref_slice %arg4[%mul3A_2] : memref<81920xf32, #tpu.memory_space<hbm>> -> memref<2560xf32, #tpu.memory_space<hbm>>
      tpu.wait_dma2 semaphore(%run_scoped3A : memref<!tpu.dma_semaphore, #tpu.memory_space<semaphore_mem>>) src(%arg10 : memref<2560xf32, #tpu.memory_space<vmem>>) dst(%dma_wait3A_9 : memref<2560xf32, #tpu.memory_space<hbm>>)
      tpu.yield
    }) : () -> ()
    "tpu.region"() ({
      %run_scoped3A = tpu.sem_alloc : memref<!tpu.dma_semaphore, #tpu.memory_space<semaphore_mem>>
      %dma_start3A = tpu.memref_slice %arg5[%mul3A_2] : memref<81920xf32, #tpu.memory_space<hbm>> -> memref<2560xf32, #tpu.memory_space<hbm>>
      %dma_start3A_8 = tpu.memref_slice %arg5[%mul3A_2] : memref<81920xf32, #tpu.memory_space<hbm>> -> memref<2560xf32, #tpu.memory_space<hbm>>
      tpu.enqueue_dma source(%arg11 : memref<2560xf32, #tpu.memory_space<vmem>>) target(%dma_start3A_8 : memref<2560xf32, #tpu.memory_space<hbm>>) target_semaphore(%run_scoped3A : memref<!tpu.dma_semaphore, #tpu.memory_space<semaphore_mem>>)
      %dma_wait3A = tpu.memref_slice %arg5[%mul3A_2] : memref<81920xf32, #tpu.memory_space<hbm>> -> memref<2560xf32, #tpu.memory_space<hbm>>
      %dma_wait3A_9 = tpu.memref_slice %arg5[%mul3A_2] : memref<81920xf32, #tpu.memory_space<hbm>> -> memref<2560xf32, #tpu.memory_space<hbm>>
      tpu.wait_dma2 semaphore(%run_scoped3A : memref<!tpu.dma_semaphore, #tpu.memory_space<semaphore_mem>>) src(%arg11 : memref<2560xf32, #tpu.memory_space<vmem>>) dst(%dma_wait3A_9 : memref<2560xf32, #tpu.memory_space<hbm>>)
      tpu.yield
    }) : () -> ()
    "tpu.region"() ({
      %run_scoped3A = tpu.sem_alloc : memref<!tpu.dma_semaphore, #tpu.memory_space<semaphore_mem>>
      %dma_start3A = tpu.memref_slice %arg6[%mul3A_2] : memref<81920xf32, #tpu.memory_space<hbm>> -> memref<2560xf32, #tpu.memory_space<hbm>>
      %dma_start3A_8 = tpu.memref_slice %arg6[%mul3A_2] : memref<81920xf32, #tpu.memory_space<hbm>> -> memref<2560xf32, #tpu.memory_space<hbm>>
      tpu.enqueue_dma source(%arg12 : memref<2560xf32, #tpu.memory_space<vmem>>) target(%dma_start3A_8 : memref<2560xf32, #tpu.memory_space<hbm>>) target_semaphore(%run_scoped3A : memref<!tpu.dma_semaphore, #tpu.memory_space<semaphore_mem>>)
      %dma_wait3A = tpu.memref_slice %arg6[%mul3A_2] : memref<81920xf32, #tpu.memory_space<hbm>> -> memref<2560xf32, #tpu.memory_space<hbm>>
      %dma_wait3A_9 = tpu.memref_slice %arg6[%mul3A_2] : memref<81920xf32, #tpu.memory_space<hbm>> -> memref<2560xf32, #tpu.memory_space<hbm>>
      tpu.wait_dma2 semaphore(%run_scoped3A : memref<!tpu.dma_semaphore, #tpu.memory_space<semaphore_mem>>) src(%arg12 : memref<2560xf32, #tpu.memory_space<vmem>>) dst(%dma_wait3A_9 : memref<2560xf32, #tpu.memory_space<hbm>>)
      tpu.yield
    }) : () -> ()
    "tpu.region"() ({
      %run_scoped3A = tpu.sem_alloc : memref<!tpu.dma_semaphore, #tpu.memory_space<semaphore_mem>>
      %dma_start3A = tpu.memref_slice %arg7[%mul3A_2] : memref<81920xf32, #tpu.memory_space<hbm>> -> memref<2560xf32, #tpu.memory_space<hbm>>
      %dma_start3A_8 = tpu.memref_slice %arg7[%mul3A_2] : memref<81920xf32, #tpu.memory_space<hbm>> -> memref<2560xf32, #tpu.memory_space<hbm>>
      tpu.enqueue_dma source(%arg13 : memref<2560xf32, #tpu.memory_space<vmem>>) target(%dma_start3A_8 : memref<2560xf32, #tpu.memory_space<hbm>>) target_semaphore(%run_scoped3A : memref<!tpu.dma_semaphore, #tpu.memory_space<semaphore_mem>>)
      %dma_wait3A = tpu.memref_slice %arg7[%mul3A_2] : memref<81920xf32, #tpu.memory_space<hbm>> -> memref<2560xf32, #tpu.memory_space<hbm>>
      %dma_wait3A_9 = tpu.memref_slice %arg7[%mul3A_2] : memref<81920xf32, #tpu.memory_space<hbm>> -> memref<2560xf32, #tpu.memory_space<hbm>>
      tpu.wait_dma2 semaphore(%run_scoped3A : memref<!tpu.dma_semaphore, #tpu.memory_space<semaphore_mem>>) src(%arg13 : memref<2560xf32, #tpu.memory_space<vmem>>) dst(%dma_wait3A_9 : memref<2560xf32, #tpu.memory_space<hbm>>)
      tpu.yield
    }) : () -> ()
    return
  }
}

#map = affine_map<(d0, d1) -> (0)>
module attributes {stable_mosaic.version = 14 : i64} {
  func.func @body(%arg0: i32, %arg1: i32, %arg2: memref<40000xf32, #tpu.memory_space<hbm>>, %arg3: memref<320000xi32, #tpu.memory_space<hbm>>, %arg4: memref<320000xf32, #tpu.memory_space<hbm>>, %arg5: memref<320000xf32, #tpu.memory_space<hbm>>, %arg6: memref<320000xf32, #tpu.memory_space<hbm>>, %arg7: memref<320000xf32, #tpu.memory_space<hbm>>, %arg8: memref<40000xf32, #tpu.memory_space<vmem>>, %arg9: memref<10000xi32, #tpu.memory_space<vmem>>, %arg10: memref<10000xf32, #tpu.memory_space<vmem>>, %arg11: memref<10000xf32, #tpu.memory_space<vmem>>, %arg12: memref<10000xf32, #tpu.memory_space<vmem>>, %arg13: memref<10000xf32, #tpu.memory_space<vmem>>) attributes {dimension_semantics = [#tpu.dimension_semantics<core_parallel>, #tpu.dimension_semantics<subcore_parallel>], iteration_bounds = array<i64: 2, 16>, scalar_prefetch = 0 : i64, scratch_operands = 6 : i64, tpu.core_type = #tpu.core_type<sc_vector_subcore>, window_params = [{transform_indices = #map}, {transform_indices = #map}, {transform_indices = #map}, {transform_indices = #map}, {transform_indices = #map}, {transform_indices = #map}]} {
    %mul3A = arith.constant 2 : i32
    %mul3A_0 = arith.muli %arg1, %mul3A : i32
    %add3A = arith.addi %mul3A_0, %arg0 : i32
    %mul3A_1 = arith.constant 10000 : i32
    %mul3A_2 = arith.muli %add3A, %mul3A_1 : i32
    "tpu.region"() ({
      %run_scoped3A = tpu.sem_alloc : memref<!tpu.dma_semaphore, #tpu.memory_space<semaphore_mem>>
      tpu.enqueue_dma source(%arg2 : memref<40000xf32, #tpu.memory_space<hbm>>) target(%arg8 : memref<40000xf32, #tpu.memory_space<vmem>>) target_semaphore(%run_scoped3A : memref<!tpu.dma_semaphore, #tpu.memory_space<semaphore_mem>>)
      tpu.wait_dma2 semaphore(%run_scoped3A : memref<!tpu.dma_semaphore, #tpu.memory_space<semaphore_mem>>) src(%arg2 : memref<40000xf32, #tpu.memory_space<hbm>>) dst(%arg8 : memref<40000xf32, #tpu.memory_space<vmem>>)
      tpu.yield
    }) : () -> ()
    "tpu.region"() ({
      %run_scoped3A = tpu.sem_alloc : memref<!tpu.dma_semaphore, #tpu.memory_space<semaphore_mem>>
      %dma_start3A = tpu.memref_slice %arg3[%mul3A_2] : memref<320000xi32, #tpu.memory_space<hbm>> -> memref<10000xi32, #tpu.memory_space<hbm>>
      %dma_start3A_8 = tpu.memref_slice %arg3[%mul3A_2] : memref<320000xi32, #tpu.memory_space<hbm>> -> memref<10000xi32, #tpu.memory_space<hbm>>
      tpu.enqueue_dma source(%dma_start3A_8 : memref<10000xi32, #tpu.memory_space<hbm>>) target(%arg9 : memref<10000xi32, #tpu.memory_space<vmem>>) target_semaphore(%run_scoped3A : memref<!tpu.dma_semaphore, #tpu.memory_space<semaphore_mem>>)
      %dma_wait3A = tpu.memref_slice %arg3[%mul3A_2] : memref<320000xi32, #tpu.memory_space<hbm>> -> memref<10000xi32, #tpu.memory_space<hbm>>
      %dma_wait3A_9 = tpu.memref_slice %arg3[%mul3A_2] : memref<320000xi32, #tpu.memory_space<hbm>> -> memref<10000xi32, #tpu.memory_space<hbm>>
      tpu.wait_dma2 semaphore(%run_scoped3A : memref<!tpu.dma_semaphore, #tpu.memory_space<semaphore_mem>>) src(%dma_wait3A_9 : memref<10000xi32, #tpu.memory_space<hbm>>) dst(%arg9 : memref<10000xi32, #tpu.memory_space<vmem>>)
      tpu.yield
    }) : () -> ()
    %scan3A = arith.constant 0 : i32
    %scan3A_3 = arith.constant 0 : i32
    %scan3A_4 = arith.constant 625 : i32
    %scan3A_5 = arith.addi %scan3A_3, %scan3A_4 : i32
    %scan3A_6 = arith.constant 1 : i32
    scf.for %scan3A_8 = %scan3A_3 to %scan3A_5 step %scan3A_6  : i32 {
      %mul3A_9 = arith.constant 16 : i32
      %mul3A_10 = arith.muli %scan3A_8, %mul3A_9 : i32
      %multiple_of3A = tpu.assume_multiple %mul3A_10, 16 : i32
      %get3A = arith.index_cast %multiple_of3A : i32 to index
      %get3A_11 = tpu.vector_load %arg9[%get3A] {strides = array<i32>} : memref<10000xi32, #tpu.memory_space<vmem>>, vector<16xi32>,
      %add3A_12 = arith.constant 0 : i32
      %add3A_13 = vector.broadcast %add3A_12 : i32 to vector<16xi32>
      %add3A_14 = arith.addi %get3A_11, %add3A_13 : vector<16xi32>
      %gather3A = tpu.vector_load_idx %arg8[%add3A_14] : memref<40000xf32, #tpu.memory_space<vmem>>[vector<16xi32>], vector<16xf32>,
      %swap3A = arith.index_cast %multiple_of3A : i32 to index
      %swap3A_15 = tpu.vector_load %arg10[%swap3A] {strides = array<i32>} : memref<10000xf32, #tpu.memory_space<vmem>>, vector<16xf32>,
      tpu.vector_store %arg10[%swap3A], %gather3A {strides = array<i32>} : memref<10000xf32, #tpu.memory_space<vmem>>, vector<16xf32>,
      %add3A_16 = arith.constant 10000 : i32
      %add3A_17 = vector.broadcast %add3A_16 : i32 to vector<16xi32>
      %add3A_18 = arith.addi %get3A_11, %add3A_17 : vector<16xi32>
      %gather3A_19 = tpu.vector_load_idx %arg8[%add3A_18] : memref<40000xf32, #tpu.memory_space<vmem>>[vector<16xi32>], vector<16xf32>,
      %swap3A_20 = arith.index_cast %multiple_of3A : i32 to index
      %swap3A_21 = tpu.vector_load %arg11[%swap3A_20] {strides = array<i32>} : memref<10000xf32, #tpu.memory_space<vmem>>, vector<16xf32>,
      tpu.vector_store %arg11[%swap3A_20], %gather3A_19 {strides = array<i32>} : memref<10000xf32, #tpu.memory_space<vmem>>, vector<16xf32>,
      %add3A_22 = arith.constant 20000 : i32
      %add3A_23 = vector.broadcast %add3A_22 : i32 to vector<16xi32>
      %add3A_24 = arith.addi %get3A_11, %add3A_23 : vector<16xi32>
      %gather3A_25 = tpu.vector_load_idx %arg8[%add3A_24] : memref<40000xf32, #tpu.memory_space<vmem>>[vector<16xi32>], vector<16xf32>,
      %swap3A_26 = arith.index_cast %multiple_of3A : i32 to index
      %swap3A_27 = tpu.vector_load %arg12[%swap3A_26] {strides = array<i32>} : memref<10000xf32, #tpu.memory_space<vmem>>, vector<16xf32>,
      tpu.vector_store %arg12[%swap3A_26], %gather3A_25 {strides = array<i32>} : memref<10000xf32, #tpu.memory_space<vmem>>, vector<16xf32>,
      %add3A_28 = arith.constant 30000 : i32
      %add3A_29 = vector.broadcast %add3A_28 : i32 to vector<16xi32>
      %add3A_30 = arith.addi %get3A_11, %add3A_29 : vector<16xi32>
      %gather3A_31 = tpu.vector_load_idx %arg8[%add3A_30] : memref<40000xf32, #tpu.memory_space<vmem>>[vector<16xi32>], vector<16xf32>,
      %swap3A_32 = arith.index_cast %multiple_of3A : i32 to index
      %swap3A_33 = tpu.vector_load %arg13[%swap3A_32] {strides = array<i32>} : memref<10000xf32, #tpu.memory_space<vmem>>, vector<16xf32>,
      tpu.vector_store %arg13[%swap3A_32], %gather3A_31 {strides = array<i32>} : memref<10000xf32, #tpu.memory_space<vmem>>, vector<16xf32>,
    }
    %scan3A_7 = arith.constant 625 : i32
    "tpu.region"() ({
      %run_scoped3A = tpu.sem_alloc : memref<!tpu.dma_semaphore, #tpu.memory_space<semaphore_mem>>
      %dma_start3A = tpu.memref_slice %arg4[%mul3A_2] : memref<320000xf32, #tpu.memory_space<hbm>> -> memref<10000xf32, #tpu.memory_space<hbm>>
      %dma_start3A_8 = tpu.memref_slice %arg4[%mul3A_2] : memref<320000xf32, #tpu.memory_space<hbm>> -> memref<10000xf32, #tpu.memory_space<hbm>>
      tpu.enqueue_dma source(%arg10 : memref<10000xf32, #tpu.memory_space<vmem>>) target(%dma_start3A_8 : memref<10000xf32, #tpu.memory_space<hbm>>) target_semaphore(%run_scoped3A : memref<!tpu.dma_semaphore, #tpu.memory_space<semaphore_mem>>)
      %dma_wait3A = tpu.memref_slice %arg4[%mul3A_2] : memref<320000xf32, #tpu.memory_space<hbm>> -> memref<10000xf32, #tpu.memory_space<hbm>>
      %dma_wait3A_9 = tpu.memref_slice %arg4[%mul3A_2] : memref<320000xf32, #tpu.memory_space<hbm>> -> memref<10000xf32, #tpu.memory_space<hbm>>
      tpu.wait_dma2 semaphore(%run_scoped3A : memref<!tpu.dma_semaphore, #tpu.memory_space<semaphore_mem>>) src(%arg10 : memref<10000xf32, #tpu.memory_space<vmem>>) dst(%dma_wait3A_9 : memref<10000xf32, #tpu.memory_space<hbm>>)
      tpu.yield
    }) : () -> ()
    "tpu.region"() ({
      %run_scoped3A = tpu.sem_alloc : memref<!tpu.dma_semaphore, #tpu.memory_space<semaphore_mem>>
      %dma_start3A = tpu.memref_slice %arg5[%mul3A_2] : memref<320000xf32, #tpu.memory_space<hbm>> -> memref<10000xf32, #tpu.memory_space<hbm>>
      %dma_start3A_8 = tpu.memref_slice %arg5[%mul3A_2] : memref<320000xf32, #tpu.memory_space<hbm>> -> memref<10000xf32, #tpu.memory_space<hbm>>
      tpu.enqueue_dma source(%arg11 : memref<10000xf32, #tpu.memory_space<vmem>>) target(%dma_start3A_8 : memref<10000xf32, #tpu.memory_space<hbm>>) target_semaphore(%run_scoped3A : memref<!tpu.dma_semaphore, #tpu.memory_space<semaphore_mem>>)
      %dma_wait3A = tpu.memref_slice %arg5[%mul3A_2] : memref<320000xf32, #tpu.memory_space<hbm>> -> memref<10000xf32, #tpu.memory_space<hbm>>
      %dma_wait3A_9 = tpu.memref_slice %arg5[%mul3A_2] : memref<320000xf32, #tpu.memory_space<hbm>> -> memref<10000xf32, #tpu.memory_space<hbm>>
      tpu.wait_dma2 semaphore(%run_scoped3A : memref<!tpu.dma_semaphore, #tpu.memory_space<semaphore_mem>>) src(%arg11 : memref<10000xf32, #tpu.memory_space<vmem>>) dst(%dma_wait3A_9 : memref<10000xf32, #tpu.memory_space<hbm>>)
      tpu.yield
    }) : () -> ()
    "tpu.region"() ({
      %run_scoped3A = tpu.sem_alloc : memref<!tpu.dma_semaphore, #tpu.memory_space<semaphore_mem>>
      %dma_start3A = tpu.memref_slice %arg6[%mul3A_2] : memref<320000xf32, #tpu.memory_space<hbm>> -> memref<10000xf32, #tpu.memory_space<hbm>>
      %dma_start3A_8 = tpu.memref_slice %arg6[%mul3A_2] : memref<320000xf32, #tpu.memory_space<hbm>> -> memref<10000xf32, #tpu.memory_space<hbm>>
      tpu.enqueue_dma source(%arg12 : memref<10000xf32, #tpu.memory_space<vmem>>) target(%dma_start3A_8 : memref<10000xf32, #tpu.memory_space<hbm>>) target_semaphore(%run_scoped3A : memref<!tpu.dma_semaphore, #tpu.memory_space<semaphore_mem>>)
      %dma_wait3A = tpu.memref_slice %arg6[%mul3A_2] : memref<320000xf32, #tpu.memory_space<hbm>> -> memref<10000xf32, #tpu.memory_space<hbm>>
      %dma_wait3A_9 = tpu.memref_slice %arg6[%mul3A_2] : memref<320000xf32, #tpu.memory_space<hbm>> -> memref<10000xf32, #tpu.memory_space<hbm>>
      tpu.wait_dma2 semaphore(%run_scoped3A : memref<!tpu.dma_semaphore, #tpu.memory_space<semaphore_mem>>) src(%arg12 : memref<10000xf32, #tpu.memory_space<vmem>>) dst(%dma_wait3A_9 : memref<10000xf32, #tpu.memory_space<hbm>>)
      tpu.yield
    }) : () -> ()
    "tpu.region"() ({
      %run_scoped3A = tpu.sem_alloc : memref<!tpu.dma_semaphore, #tpu.memory_space<semaphore_mem>>
      %dma_start3A = tpu.memref_slice %arg7[%mul3A_2] : memref<320000xf32, #tpu.memory_space<hbm>> -> memref<10000xf32, #tpu.memory_space<hbm>>
      %dma_start3A_8 = tpu.memref_slice %arg7[%mul3A_2] : memref<320000xf32, #tpu.memory_space<hbm>> -> memref<10000xf32, #tpu.memory_space<hbm>>
      tpu.enqueue_dma source(%arg13 : memref<10000xf32, #tpu.memory_space<vmem>>) target(%dma_start3A_8 : memref<10000xf32, #tpu.memory_space<hbm>>) target_semaphore(%run_scoped3A : memref<!tpu.dma_semaphore, #tpu.memory_space<semaphore_mem>>)
      %dma_wait3A = tpu.memref_slice %arg7[%mul3A_2] : memref<320000xf32, #tpu.memory_space<hbm>> -> memref<10000xf32, #tpu.memory_space<hbm>>
      %dma_wait3A_9 = tpu.memref_slice %arg7[%mul3A_2] : memref<320000xf32, #tpu.memory_space<hbm>> -> memref<10000xf32, #tpu.memory_space<hbm>>
      tpu.wait_dma2 semaphore(%run_scoped3A : memref<!tpu.dma_semaphore, #tpu.memory_space<semaphore_mem>>) src(%arg13 : memref<10000xf32, #tpu.memory_space<vmem>>) dst(%dma_wait3A_9 : memref<10000xf32, #tpu.memory_space<hbm>>)
      tpu.yield
    }) : () -> ()
    return
  }
}

#map = affine_map<(d0, d1) -> (0, 0)>
#map1 = affine_map<(d0, d1) -> (0)>
module attributes {stable_mosaic.version = 14 : i64} {
  func.func @body(%arg0: i32, %arg1: i32, %arg2: memref<2560x256xf32, #tpu.memory_space<hbm>>, %arg3: memref<25600xi32, #tpu.memory_space<hbm>>, %arg4: memref<25600x256xf32, #tpu.memory_space<hbm>>, %arg5: memref<400xi32, #tpu.memory_space<vmem>>, %arg6: memref<400x256xf32, #tpu.memory_space<vmem>>, %arg7: memref<!tpu.dma_semaphore, #tpu.memory_space<semaphore_mem>>) attributes {dimension_semantics = [#tpu.dimension_semantics<core_parallel>, #tpu.dimension_semantics<subcore_parallel>], iteration_bounds = array<i64: 2, 16>, scalar_prefetch = 0 : i64, scratch_operands = 3 : i64, tpu.core_type = #tpu.core_type<sc_vector_subcore>, window_params = [{transform_indices = #map}, {transform_indices = #map1}, {transform_indices = #map}]} {
    %mul3A = arith.constant 2 : i32
    %mul3A_0 = arith.muli %arg1, %mul3A : i32
    %add3A = arith.addi %mul3A_0, %arg0 : i32
    %mul3A_1 = arith.constant 800 : i32
    %mul3A_2 = arith.muli %add3A, %mul3A_1 : i32
    %add3A_3 = arith.constant 0 : i32
    %add3A_4 = arith.addi %mul3A_2, %add3A_3 : i32
    "tpu.region"() ({
      %run_scoped3A = tpu.sem_alloc : memref<!tpu.dma_semaphore, #tpu.memory_space<semaphore_mem>>
      %dma_start3A_17 = tpu.memref_slice %arg3[%add3A_4] : memref<25600xi32, #tpu.memory_space<hbm>> -> memref<400xi32, #tpu.memory_space<hbm>>
      %dma_start3A_18 = tpu.memref_slice %arg3[%add3A_4] : memref<25600xi32, #tpu.memory_space<hbm>> -> memref<400xi32, #tpu.memory_space<hbm>>
      tpu.enqueue_dma source(%dma_start3A_18 : memref<400xi32, #tpu.memory_space<hbm>>) target(%arg5 : memref<400xi32, #tpu.memory_space<vmem>>) target_semaphore(%run_scoped3A : memref<!tpu.dma_semaphore, #tpu.memory_space<semaphore_mem>>)
      %dma_wait3A_19 = tpu.memref_slice %arg3[%add3A_4] : memref<25600xi32, #tpu.memory_space<hbm>> -> memref<400xi32, #tpu.memory_space<hbm>>
      %dma_wait3A_20 = tpu.memref_slice %arg3[%add3A_4] : memref<25600xi32, #tpu.memory_space<hbm>> -> memref<400xi32, #tpu.memory_space<hbm>>
      tpu.wait_dma2 semaphore(%run_scoped3A : memref<!tpu.dma_semaphore, #tpu.memory_space<semaphore_mem>>) src(%dma_wait3A_20 : memref<400xi32, #tpu.memory_space<hbm>>) dst(%arg5 : memref<400xi32, #tpu.memory_space<vmem>>)
      tpu.yield
    }) : () -> ()
    %dma_start3A = arith.constant 0 : i32
    %dma_start3A_5 = arith.constant 0 : i32
    %dma_start3A_6 = tpu.memref_slice %arg2[%dma_start3A, %dma_start3A_5] : memref<2560x256xf32, #tpu.memory_space<hbm>> -> memref<2560x256xf32, #tpu.memory_space<hbm>>
    tpu.enqueue_indirect_dma source(%dma_start3A_6 : memref<2560x256xf32, #tpu.memory_space<hbm>>) target(%arg6 : memref<400x256xf32, #tpu.memory_space<vmem>>) offsets(%arg5 : memref<400xi32, #tpu.memory_space<vmem>>) semaphore(%arg7 : memref<!tpu.dma_semaphore, #tpu.memory_space<semaphore_mem>>)
    %dma_wait3A = arith.constant 0 : i32
    %dma_wait3A_7 = arith.constant 0 : i32
    %dma_wait3A_8 = tpu.memref_slice %arg2[%dma_wait3A, %dma_wait3A_7] : memref<2560x256xf32, #tpu.memory_space<hbm>> -> memref<2560x256xf32, #tpu.memory_space<hbm>>
    tpu.wait_indirect_dma semaphore(%arg7 : memref<!tpu.dma_semaphore, #tpu.memory_space<semaphore_mem>>) src(%dma_wait3A_8 : memref<2560x256xf32, #tpu.memory_space<hbm>>) dst(%arg6 : memref<400x256xf32, #tpu.memory_space<vmem>>)
    "tpu.region"() ({
      %run_scoped3A = tpu.sem_alloc : memref<!tpu.dma_semaphore, #tpu.memory_space<semaphore_mem>>
      %dma_start3A_17 = arith.constant 0 : i32
      %dma_start3A_18 = tpu.memref_slice %arg4[%add3A_4, %dma_start3A_17] : memref<25600x256xf32, #tpu.memory_space<hbm>> -> memref<400x256xf32, #tpu.memory_space<hbm>>
      %dma_start3A_19 = arith.constant 0 : i32
      %dma_start3A_20 = tpu.memref_slice %arg4[%add3A_4, %dma_start3A_19] : memref<25600x256xf32, #tpu.memory_space<hbm>> -> memref<400x256xf32, #tpu.memory_space<hbm>>
      tpu.enqueue_dma source(%arg6 : memref<400x256xf32, #tpu.memory_space<vmem>>) target(%dma_start3A_20 : memref<400x256xf32, #tpu.memory_space<hbm>>) target_semaphore(%run_scoped3A : memref<!tpu.dma_semaphore, #tpu.memory_space<semaphore_mem>>)
      %dma_wait3A_21 = arith.constant 0 : i32
      %dma_wait3A_22 = tpu.memref_slice %arg4[%add3A_4, %dma_wait3A_21] : memref<25600x256xf32, #tpu.memory_space<hbm>> -> memref<400x256xf32, #tpu.memory_space<hbm>>
      %dma_wait3A_23 = arith.constant 0 : i32
      %dma_wait3A_24 = tpu.memref_slice %arg4[%add3A_4, %dma_wait3A_23] : memref<25600x256xf32, #tpu.memory_space<hbm>> -> memref<400x256xf32, #tpu.memory_space<hbm>>
      tpu.wait_dma2 semaphore(%run_scoped3A : memref<!tpu.dma_semaphore, #tpu.memory_space<semaphore_mem>>) src(%arg6 : memref<400x256xf32, #tpu.memory_space<vmem>>) dst(%dma_wait3A_24 : memref<400x256xf32, #tpu.memory_space<hbm>>)
      tpu.yield
    }) : () -> ()
    %add3A_9 = arith.constant 400 : i32
    %add3A_10 = arith.addi %mul3A_2, %add3A_9 : i32
    "tpu.region"() ({
      %run_scoped3A = tpu.sem_alloc : memref<!tpu.dma_semaphore, #tpu.memory_space<semaphore_mem>>
      %dma_start3A_17 = tpu.memref_slice %arg3[%add3A_10] : memref<25600xi32, #tpu.memory_space<hbm>> -> memref<400xi32, #tpu.memory_space<hbm>>
      %dma_start3A_18 = tpu.memref_slice %arg3[%add3A_10] : memref<25600xi32, #tpu.memory_space<hbm>> -> memref<400xi32, #tpu.memory_space<hbm>>
      tpu.enqueue_dma source(%dma_start3A_18 : memref<400xi32, #tpu.memory_space<hbm>>) target(%arg5 : memref<400xi32, #tpu.memory_space<vmem>>) target_semaphore(%run_scoped3A : memref<!tpu.dma_semaphore, #tpu.memory_space<semaphore_mem>>)
      %dma_wait3A_19 = tpu.memref_slice %arg3[%add3A_10] : memref<25600xi32, #tpu.memory_space<hbm>> -> memref<400xi32, #tpu.memory_space<hbm>>
      %dma_wait3A_20 = tpu.memref_slice %arg3[%add3A_10] : memref<25600xi32, #tpu.memory_space<hbm>> -> memref<400xi32, #tpu.memory_space<hbm>>
      tpu.wait_dma2 semaphore(%run_scoped3A : memref<!tpu.dma_semaphore, #tpu.memory_space<semaphore_mem>>) src(%dma_wait3A_20 : memref<400xi32, #tpu.memory_space<hbm>>) dst(%arg5 : memref<400xi32, #tpu.memory_space<vmem>>)
      tpu.yield
    }) : () -> ()
    %dma_start3A_11 = arith.constant 0 : i32
    %dma_start3A_12 = arith.constant 0 : i32
    %dma_start3A_13 = tpu.memref_slice %arg2[%dma_start3A_11, %dma_start3A_12] : memref<2560x256xf32, #tpu.memory_space<hbm>> -> memref<2560x256xf32, #tpu.memory_space<hbm>>
    tpu.enqueue_indirect_dma source(%dma_start3A_13 : memref<2560x256xf32, #tpu.memory_space<hbm>>) target(%arg6 : memref<400x256xf32, #tpu.memory_space<vmem>>) offsets(%arg5 : memref<400xi32, #tpu.memory_space<vmem>>) semaphore(%arg7 : memref<!tpu.dma_semaphore, #tpu.memory_space<semaphore_mem>>)
    %dma_wait3A_14 = arith.constant 0 : i32
    %dma_wait3A_15 = arith.constant 0 : i32
    %dma_wait3A_16 = tpu.memref_slice %arg2[%dma_wait3A_14, %dma_wait3A_15] : memref<2560x256xf32, #tpu.memory_space<hbm>> -> memref<2560x256xf32, #tpu.memory_space<hbm>>
    tpu.wait_indirect_dma semaphore(%arg7 : memref<!tpu.dma_semaphore, #tpu.memory_space<semaphore_mem>>) src(%dma_wait3A_16 : memref<2560x256xf32, #tpu.memory_space<hbm>>) dst(%arg6 : memref<400x256xf32, #tpu.memory_space<vmem>>)
    "tpu.region"() ({
      %run_scoped3A = tpu.sem_alloc : memref<!tpu.dma_semaphore, #tpu.memory_space<semaphore_mem>>
      %dma_start3A_17 = arith.constant 0 : i32
      %dma_start3A_18 = tpu.memref_slice %arg4[%add3A_10, %dma_start3A_17] : memref<25600x256xf32, #tpu.memory_space<hbm>> -> memref<400x256xf32, #tpu.memory_space<hbm>>
      %dma_start3A_19 = arith.constant 0 : i32
      %dma_start3A_20 = tpu.memref_slice %arg4[%add3A_10, %dma_start3A_19] : memref<25600x256xf32, #tpu.memory_space<hbm>> -> memref<400x256xf32, #tpu.memory_space<hbm>>
      tpu.enqueue_dma source(%arg6 : memref<400x256xf32, #tpu.memory_space<vmem>>) target(%dma_start3A_20 : memref<400x256xf32, #tpu.memory_space<hbm>>) target_semaphore(%run_scoped3A : memref<!tpu.dma_semaphore, #tpu.memory_space<semaphore_mem>>)
      %dma_wait3A_21 = arith.constant 0 : i32
      %dma_wait3A_22 = tpu.memref_slice %arg4[%add3A_10, %dma_wait3A_21] : memref<25600x256xf32, #tpu.memory_space<hbm>> -> memref<400x256xf32, #tpu.memory_space<hbm>>
      %dma_wait3A_23 = arith.constant 0 : i32
      %dma_wait3A_24 = tpu.memref_slice %arg4[%add3A_10, %dma_wait3A_23] : memref<25600x256xf32, #tpu.memory_space<hbm>> -> memref<400x256xf32, #tpu.memory_space<hbm>>
      tpu.wait_dma2 semaphore(%run_scoped3A : memref<!tpu.dma_semaphore, #tpu.memory_space<semaphore_mem>>) src(%arg6 : memref<400x256xf32, #tpu.memory_space<vmem>>) dst(%dma_wait3A_24 : memref<400x256xf32, #tpu.memory_space<hbm>>)
      tpu.yield
    }) : () -> ()
    return
  }
}

#map = affine_map<(d0, d1) -> (0, 0)>
#map1 = affine_map<(d0, d1) -> (0)>
module attributes {stable_mosaic.version = 14 : i64} {
  func.func @body(%arg0: i32, %arg1: i32, %arg2: memref<2560x128xf32, #tpu.memory_space<hbm>>, %arg3: memref<10240xi32, #tpu.memory_space<hbm>>, %arg4: memref<10240x128xf32, #tpu.memory_space<hbm>>, %arg5: memref<320xi32, #tpu.memory_space<vmem>>, %arg6: memref<320x128xf32, #tpu.memory_space<vmem>>, %arg7: memref<!tpu.dma_semaphore, #tpu.memory_space<semaphore_mem>>) attributes {dimension_semantics = [#tpu.dimension_semantics<core_parallel>, #tpu.dimension_semantics<subcore_parallel>], iteration_bounds = array<i64: 2, 16>, scalar_prefetch = 0 : i64, scratch_operands = 3 : i64, tpu.core_type = #tpu.core_type<sc_vector_subcore>, window_params = [{transform_indices = #map}, {transform_indices = #map1}, {transform_indices = #map}]} {
    %mul3A = arith.constant 2 : i32
    %mul3A_0 = arith.muli %arg1, %mul3A : i32
    %add3A = arith.addi %mul3A_0, %arg0 : i32
    %mul3A_1 = arith.constant 320 : i32
    %mul3A_2 = arith.muli %add3A, %mul3A_1 : i32
    %add3A_3 = arith.constant 0 : i32
    %add3A_4 = arith.addi %mul3A_2, %add3A_3 : i32
    "tpu.region"() ({
      %run_scoped3A = tpu.sem_alloc : memref<!tpu.dma_semaphore, #tpu.memory_space<semaphore_mem>>
      %dma_start3A_9 = tpu.memref_slice %arg3[%add3A_4] : memref<10240xi32, #tpu.memory_space<hbm>> -> memref<320xi32, #tpu.memory_space<hbm>>
      %dma_start3A_10 = tpu.memref_slice %arg3[%add3A_4] : memref<10240xi32, #tpu.memory_space<hbm>> -> memref<320xi32, #tpu.memory_space<hbm>>
      tpu.enqueue_dma source(%dma_start3A_10 : memref<320xi32, #tpu.memory_space<hbm>>) target(%arg5 : memref<320xi32, #tpu.memory_space<vmem>>) target_semaphore(%run_scoped3A : memref<!tpu.dma_semaphore, #tpu.memory_space<semaphore_mem>>)
      %dma_wait3A_11 = tpu.memref_slice %arg3[%add3A_4] : memref<10240xi32, #tpu.memory_space<hbm>> -> memref<320xi32, #tpu.memory_space<hbm>>
      %dma_wait3A_12 = tpu.memref_slice %arg3[%add3A_4] : memref<10240xi32, #tpu.memory_space<hbm>> -> memref<320xi32, #tpu.memory_space<hbm>>
      tpu.wait_dma2 semaphore(%run_scoped3A : memref<!tpu.dma_semaphore, #tpu.memory_space<semaphore_mem>>) src(%dma_wait3A_12 : memref<320xi32, #tpu.memory_space<hbm>>) dst(%arg5 : memref<320xi32, #tpu.memory_space<vmem>>)
      tpu.yield
    }) : () -> ()
    %dma_start3A = arith.constant 0 : i32
    %dma_start3A_5 = arith.constant 0 : i32
    %dma_start3A_6 = tpu.memref_slice %arg2[%dma_start3A, %dma_start3A_5] : memref<2560x128xf32, #tpu.memory_space<hbm>> -> memref<2560x128xf32, #tpu.memory_space<hbm>>
    tpu.enqueue_indirect_dma source(%dma_start3A_6 : memref<2560x128xf32, #tpu.memory_space<hbm>>) target(%arg6 : memref<320x128xf32, #tpu.memory_space<vmem>>) offsets(%arg5 : memref<320xi32, #tpu.memory_space<vmem>>) semaphore(%arg7 : memref<!tpu.dma_semaphore, #tpu.memory_space<semaphore_mem>>)
    %dma_wait3A = arith.constant 0 : i32
    %dma_wait3A_7 = arith.constant 0 : i32
    %dma_wait3A_8 = tpu.memref_slice %arg2[%dma_wait3A, %dma_wait3A_7] : memref<2560x128xf32, #tpu.memory_space<hbm>> -> memref<2560x128xf32, #tpu.memory_space<hbm>>
    tpu.wait_indirect_dma semaphore(%arg7 : memref<!tpu.dma_semaphore, #tpu.memory_space<semaphore_mem>>) src(%dma_wait3A_8 : memref<2560x128xf32, #tpu.memory_space<hbm>>) dst(%arg6 : memref<320x128xf32, #tpu.memory_space<vmem>>)
    "tpu.region"() ({
      %run_scoped3A = tpu.sem_alloc : memref<!tpu.dma_semaphore, #tpu.memory_space<semaphore_mem>>
      %dma_start3A_9 = arith.constant 0 : i32
      %dma_start3A_10 = tpu.memref_slice %arg4[%add3A_4, %dma_start3A_9] : memref<10240x128xf32, #tpu.memory_space<hbm>> -> memref<320x128xf32, #tpu.memory_space<hbm>>
      %dma_start3A_11 = arith.constant 0 : i32
      %dma_start3A_12 = tpu.memref_slice %arg4[%add3A_4, %dma_start3A_11] : memref<10240x128xf32, #tpu.memory_space<hbm>> -> memref<320x128xf32, #tpu.memory_space<hbm>>
      tpu.enqueue_dma source(%arg6 : memref<320x128xf32, #tpu.memory_space<vmem>>) target(%dma_start3A_12 : memref<320x128xf32, #tpu.memory_space<hbm>>) target_semaphore(%run_scoped3A : memref<!tpu.dma_semaphore, #tpu.memory_space<semaphore_mem>>)
      %dma_wait3A_13 = arith.constant 0 : i32
      %dma_wait3A_14 = tpu.memref_slice %arg4[%add3A_4, %dma_wait3A_13] : memref<10240x128xf32, #tpu.memory_space<hbm>> -> memref<320x128xf32, #tpu.memory_space<hbm>>
      %dma_wait3A_15 = arith.constant 0 : i32
      %dma_wait3A_16 = tpu.memref_slice %arg4[%add3A_4, %dma_wait3A_15] : memref<10240x128xf32, #tpu.memory_space<hbm>> -> memref<320x128xf32, #tpu.memory_space<hbm>>
      tpu.wait_dma2 semaphore(%run_scoped3A : memref<!tpu.dma_semaphore, #tpu.memory_space<semaphore_mem>>) src(%arg6 : memref<320x128xf32, #tpu.memory_space<vmem>>) dst(%dma_wait3A_16 : memref<320x128xf32, #tpu.memory_space<hbm>>)
      tpu.yield
    }) : () -> ()
    return
  }
}

module attributes {stable_mosaic.version = 14 : i64} {
  func.func @body(%arg0: i32, %arg1: memref<1000x32xf32, #tpu.memory_space<vmem>>, %arg2: memref<1000x32xf32, #tpu.memory_space<vmem>>, %arg3: memref<1000x32xf32, #tpu.memory_space<vmem>>, %arg4: memref<1000x32xf32, #tpu.memory_space<vmem>>, %arg5: memref<1000x3xf32, #tpu.memory_space<vmem>>, %arg6: memref<8x16xf32, #tpu.memory_space<vmem>>, %arg7: memref<16x128xf32, #tpu.memory_space<vmem>>, %arg8: memref<1000x128xf32, #tpu.memory_space<vmem>>) attributes {dimension_semantics = [#tpu.dimension_semantics<arbitrary>], iteration_bounds = array<i64: 10>, scalar_prefetch = 0 : i64, scratch_operands = 0 : i64, tpu.core_type = #tpu.core_type<tc>, window_params = [{transform_indices = @transform_0, window_bounds = array<i64: 1000, 32>}, {transform_indices = @transform_1, window_bounds = array<i64: 1000, 32>}, {transform_indices = @transform_2, window_bounds = array<i64: 1000, 32>}, {transform_indices = @transform_3, window_bounds = array<i64: 1000, 32>}, {transform_indices = @transform_4, window_bounds = array<i64: 1000, 3>}, {pipeline_mode = #tpu.pipeline_mode<synchronous>, transform_indices = @transform_5, window_bounds = array<i64: 8, 16>}, {pipeline_mode = #tpu.pipeline_mode<synchronous>, transform_indices = @transform_6, window_bounds = array<i64: 16, 128>}, {transform_indices = @transform_7, window_bounds = array<i64: 1000, 128>}]} {
    %get3A = arith.constant 0 : index
    %get3A_0 = arith.constant 0 : index
    %get3A_1 = vector.load %arg1[%get3A, %get3A_0] : memref<1000x32xf32, #tpu.memory_space<vmem>>, vector<1000x32xf32>
    %get3A_2 = arith.constant 0 : index
    %get3A_3 = arith.constant 0 : index
    %get3A_4 = vector.load %arg2[%get3A_2, %get3A_3] : memref<1000x32xf32, #tpu.memory_space<vmem>>, vector<1000x32xf32>
    %get3A_5 = arith.constant 0 : index
    %get3A_6 = arith.constant 0 : index
    %get3A_7 = vector.load %arg3[%get3A_5, %get3A_6] : memref<1000x32xf32, #tpu.memory_space<vmem>>, vector<1000x32xf32>
    %get3A_8 = arith.constant 0 : index
    %get3A_9 = arith.constant 0 : index
    %get3A_10 = vector.load %arg6[%get3A_8, %get3A_9] : memref<8x16xf32, #tpu.memory_space<vmem>>, vector<1x16xf32>
    %broadcast_in_dim3A = vector.shape_cast %get3A_10 : vector<1x16xf32> to vector<1x1x16xf32>
    %get3A_11 = arith.constant 1 : index
    %get3A_12 = arith.constant 0 : index
    %get3A_13 = vector.load %arg6[%get3A_11, %get3A_12] : memref<8x16xf32, #tpu.memory_space<vmem>>, vector<1x16xf32>
    %broadcast_in_dim3A_14 = vector.shape_cast %get3A_13 : vector<1x16xf32> to vector<1x1x16xf32>
    %get3A_15 = arith.constant 2 : index
    %get3A_16 = arith.constant 0 : index
    %get3A_17 = vector.load %arg6[%get3A_15, %get3A_16] : memref<8x16xf32, #tpu.memory_space<vmem>>, vector<1x16xf32>
    %broadcast_in_dim3A_18 = vector.shape_cast %get3A_17 : vector<1x16xf32> to vector<1x1x16xf32>
    %get3A_19 = arith.constant 0 : index
    %get3A_20 = arith.constant 0 : index
    %get3A_21 = vector.load %arg5[%get3A_19, %get3A_20] : memref<1000x3xf32, #tpu.memory_space<vmem>>, vector<1000x1xf32>
    %sub3A = vector.broadcast %get3A_21 : vector<1000x1xf32> to vector<1000x32xf32>
    %sub3A_22 = arith.subf %get3A_1, %sub3A : vector<1000x32xf32>
    %broadcast_in_dim3A_23 = vector.shape_cast %sub3A_22 : vector<1000x32xf32> to vector<1000x32x1xf32>
    %sub3A_24 = vector.broadcast %broadcast_in_dim3A_23 : vector<1000x32x1xf32> to vector<1000x32x16xf32>
    %sub3A_25 = vector.broadcast %broadcast_in_dim3A : vector<1x1x16xf32> to vector<1000x32x16xf32>
    %sub3A_26 = arith.subf %sub3A_24, %sub3A_25 : vector<1000x32x16xf32>
    %get3A_27 = arith.constant 0 : index
    %get3A_28 = arith.constant 1 : index
    %get3A_29 = vector.load %arg5[%get3A_27, %get3A_28] : memref<1000x3xf32, #tpu.memory_space<vmem>>, vector<1000x1xf32>
    %sub3A_30 = vector.broadcast %get3A_29 : vector<1000x1xf32> to vector<1000x32xf32>
    %sub3A_31 = arith.subf %get3A_4, %sub3A_30 : vector<1000x32xf32>
    %broadcast_in_dim3A_32 = vector.shape_cast %sub3A_31 : vector<1000x32xf32> to vector<1000x32x1xf32>
    %sub3A_33 = vector.broadcast %broadcast_in_dim3A_32 : vector<1000x32x1xf32> to vector<1000x32x16xf32>
    %sub3A_34 = vector.broadcast %broadcast_in_dim3A_14 : vector<1x1x16xf32> to vector<1000x32x16xf32>
    %sub3A_35 = arith.subf %sub3A_33, %sub3A_34 : vector<1000x32x16xf32>
    %get3A_36 = arith.constant 0 : index
    %get3A_37 = arith.constant 2 : index
    %get3A_38 = vector.load %arg5[%get3A_36, %get3A_37] : memref<1000x3xf32, #tpu.memory_space<vmem>>, vector<1000x1xf32>
    %sub3A_39 = vector.broadcast %get3A_38 : vector<1000x1xf32> to vector<1000x32xf32>
    %sub3A_40 = arith.subf %get3A_7, %sub3A_39 : vector<1000x32xf32>
    %broadcast_in_dim3A_41 = vector.shape_cast %sub3A_40 : vector<1000x32xf32> to vector<1000x32x1xf32>
    %sub3A_42 = vector.broadcast %broadcast_in_dim3A_41 : vector<1000x32x1xf32> to vector<1000x32x16xf32>
    %sub3A_43 = vector.broadcast %broadcast_in_dim3A_18 : vector<1x1x16xf32> to vector<1000x32x16xf32>
    %sub3A_44 = arith.subf %sub3A_42, %sub3A_43 : vector<1000x32x16xf32>
    %mul3A = arith.mulf %sub3A_26, %sub3A_26 : vector<1000x32x16xf32>
    %mul3A_45 = arith.mulf %sub3A_35, %sub3A_35 : vector<1000x32x16xf32>
    %add3A = arith.addf %mul3A, %mul3A_45 : vector<1000x32x16xf32>
    %mul3A_46 = arith.mulf %sub3A_44, %sub3A_44 : vector<1000x32x16xf32>
    %add3A_47 = arith.addf %add3A, %mul3A_46 : vector<1000x32x16xf32>
    %sqrt3A = math.sqrt %add3A_47 : vector<1000x32x16xf32>
    %mul3A_48 = arith.constant 1.600000e+01 : f32
    %mul3A_49 = vector.broadcast %mul3A_48 : f32 to vector<1000x32x16xf32>
    %mul3A_50 = arith.mulf %sqrt3A, %mul3A_49 : vector<1000x32x16xf32>
    %sub3A_51 = arith.constant 1.000000e+00 : f32
    %sub3A_52 = vector.broadcast %sub3A_51 : f32 to vector<1000x32x16xf32>
    %sub3A_53 = arith.subf %sub3A_52, %mul3A_50 : vector<1000x32x16xf32>
    %max3A = arith.constant 0.000000e+00 : f32
    %max3A_54 = vector.broadcast %max3A : f32 to vector<1000x32x16xf32>
    %max3A_55 = arith.maximumf %max3A_54, %sub3A_53 : vector<1000x32x16xf32>
    %get3A_56 = arith.constant 0 : index
    %get3A_57 = arith.constant 0 : index
    %get3A_58 = vector.load %arg4[%get3A_56, %get3A_57] : memref<1000x32xf32, #tpu.memory_space<vmem>>, vector<1000x32xf32>
    %broadcast_in_dim3A_59 = vector.shape_cast %get3A_58 : vector<1000x32xf32> to vector<1000x32x1xf32>
    %mul3A_60 = vector.broadcast %broadcast_in_dim3A_59 : vector<1000x32x1xf32> to vector<1000x32x16xf32>
    %mul3A_61 = arith.mulf %max3A_55, %mul3A_60 : vector<1000x32x16xf32>
    %reduce_sum3A = arith.constant dense<0.000000e+00> : vector<1000x16xf32>
    %reduce_sum3A_62 = vector.multi_reduction <add>, %mul3A_61, %reduce_sum3A [1] : vector<1000x32x16xf32> to vector<1000x16xf32>
    %get3A_63 = arith.constant 0 : index
    %get3A_64 = arith.constant 0 : index
    %get3A_65 = vector.load %arg7[%get3A_63, %get3A_64] : memref<16x128xf32, #tpu.memory_space<vmem>>, vector<16x128xf32>
    %dot_general3A = arith.constant dense<0.000000e+00> : vector<1000x128xf32>
    %dot_general3A_66 = tpu.matmul %reduce_sum3A_62, %get3A_65, %dot_general3A {dimension_numbers = #tpu.dot_dimension_numbers<[1], [0], [0], [1], [0, 0, 1, 1], [], []>, transpose_lhs_hint = false} : vector<1000x16xf32>, vector<16x128xf32>, vector<1000x128xf32> -> vector<1000x128xf32>
    %max3A_67 = arith.constant 0.000000e+00 : f32
    %max3A_68 = vector.broadcast %max3A_67 : f32 to vector<1000x128xf32>
    %max3A_69 = arith.maximumf %dot_general3A_66, %max3A_68 : vector<1000x128xf32>
    %swap3A = arith.constant 0 : index
    %swap3A_70 = arith.constant 0 : index
    %swap3A_71 = vector.load %arg8[%swap3A, %swap3A_70] : memref<1000x128xf32, #tpu.memory_space<vmem>>, vector<1000x128xf32>
    tpu.vector_store %arg8[%swap3A, %swap3A_70], %max3A_69 {strides = array<i32>} : memref<1000x128xf32, #tpu.memory_space<vmem>>, vector<1000x128xf32>,
    return
  }
  func.func @transform_0(%arg0: i32) -> (i32, i32) {
    %c0_i32 = arith.constant 0 : i32
    %c0_i32_0 = arith.constant 0 : i32
    return %arg0, %c0_i32 : i32, i32
  }
  func.func @transform_1(%arg0: i32) -> (i32, i32) {
    %c0_i32 = arith.constant 0 : i32
    %c0_i32_0 = arith.constant 0 : i32
    return %arg0, %c0_i32 : i32, i32
  }
  func.func @transform_2(%arg0: i32) -> (i32, i32) {
    %c0_i32 = arith.constant 0 : i32
    %c0_i32_0 = arith.constant 0 : i32
    return %arg0, %c0_i32 : i32, i32
  }
  func.func @transform_3(%arg0: i32) -> (i32, i32) {
    %c0_i32 = arith.constant 0 : i32
    %c0_i32_0 = arith.constant 0 : i32
    return %arg0, %c0_i32 : i32, i32
  }
  func.func @transform_4(%arg0: i32) -> (i32, i32) {
    %c0_i32 = arith.constant 0 : i32
    %c0_i32_0 = arith.constant 0 : i32
    return %arg0, %c0_i32 : i32, i32
  }
  func.func @transform_5(%arg0: i32) -> (i32, i32) {
    %c0_i32 = arith.constant 0 : i32
    %c0_i32_0 = arith.constant 0 : i32
    %c0_i32_1 = arith.constant 0 : i32
    return %c0_i32, %c0_i32_0 : i32, i32
  }
  func.func @transform_6(%arg0: i32) -> (i32, i32) {
    %c0_i32 = arith.constant 0 : i32
    %c0_i32_0 = arith.constant 0 : i32
    %c0_i32_1 = arith.constant 0 : i32
    return %c0_i32, %c0_i32_0 : i32, i32
  }
  func.func @transform_7(%arg0: i32) -> (i32, i32) {
    %c0_i32 = arith.constant 0 : i32
    %c0_i32_0 = arith.constant 0 : i32
    return %arg0, %c0_i32 : i32, i32
  }
}

module attributes {stable_mosaic.version = 14 : i64} {
  func.func @body(%arg0: i32, %arg1: memref<320x32x128xf32, #tpu.memory_space<vmem>>, %arg2: memref<320x32xf32, #tpu.memory_space<vmem>>, %arg3: memref<320x32xf32, #tpu.memory_space<vmem>>, %arg4: memref<320x32xf32, #tpu.memory_space<vmem>>, %arg5: memref<320x3xf32, #tpu.memory_space<vmem>>, %arg6: memref<8x16xf32, #tpu.memory_space<vmem>>, %arg7: memref<15x128x256xf32, #tpu.memory_space<vmem>>, %arg8: memref<256x256xf32, #tpu.memory_space<vmem>>, %arg9: memref<8x256xf32, #tpu.memory_space<vmem>>, %arg10: memref<256x256xf32, #tpu.memory_space<vmem>>, %arg11: memref<320x256xf32, #tpu.memory_space<vmem>>, %arg12: memref<320x256xf32, #tpu.memory_space<vmem>>) attributes {dimension_semantics = [#tpu.dimension_semantics<arbitrary>], iteration_bounds = array<i64: 8>, scalar_prefetch = 0 : i64, scratch_operands = 0 : i64, tpu.core_type = #tpu.core_type<tc>, window_params = [{transform_indices = @transform_0, window_bounds = array<i64: 320, 32, 128>}, {transform_indices = @transform_1, window_bounds = array<i64: 320, 32>}, {transform_indices = @transform_2, window_bounds = array<i64: 320, 32>}, {transform_indices = @transform_3, window_bounds = array<i64: 320, 32>}, {transform_indices = @transform_4, window_bounds = array<i64: 320, 3>}, {pipeline_mode = #tpu.pipeline_mode<synchronous>, transform_indices = @transform_5, window_bounds = array<i64: 8, 16>}, {pipeline_mode = #tpu.pipeline_mode<synchronous>, transform_indices = @transform_6, window_bounds = array<i64: 15, 128, 256>}, {pipeline_mode = #tpu.pipeline_mode<synchronous>, transform_indices = @transform_7, window_bounds = array<i64: 256, 256>}, {pipeline_mode = #tpu.pipeline_mode<synchronous>, transform_indices = @transform_8, window_bounds = array<i64: 8, 256>}, {pipeline_mode = #tpu.pipeline_mode<synchronous>, transform_indices = @transform_9, window_bounds = array<i64: 256, 256>}, {transform_indices = @transform_10, window_bounds = array<i64: 320, 256>}, {transform_indices = @transform_11, window_bounds = array<i64: 320, 256>}]} {
    %get3A = arith.constant 0 : index
    %get3A_0 = arith.constant 0 : index
    %get3A_1 = vector.load %arg2[%get3A, %get3A_0] : memref<320x32xf32, #tpu.memory_space<vmem>>, vector<320x32xf32>
    %get3A_2 = arith.constant 0 : index
    %get3A_3 = arith.constant 0 : index
    %get3A_4 = vector.load %arg3[%get3A_2, %get3A_3] : memref<320x32xf32, #tpu.memory_space<vmem>>, vector<320x32xf32>
    %get3A_5 = arith.constant 0 : index
    %get3A_6 = arith.constant 0 : index
    %get3A_7 = vector.load %arg4[%get3A_5, %get3A_6] : memref<320x32xf32, #tpu.memory_space<vmem>>, vector<320x32xf32>
    %get3A_8 = arith.constant 0 : index
    %get3A_9 = arith.constant 0 : index
    %get3A_10 = vector.load %arg6[%get3A_8, %get3A_9] : memref<8x16xf32, #tpu.memory_space<vmem>>, vector<1x16xf32>
    %broadcast_in_dim3A = vector.shape_cast %get3A_10 : vector<1x16xf32> to vector<1x1x16xf32>
    %get3A_11 = arith.constant 1 : index
    %get3A_12 = arith.constant 0 : index
    %get3A_13 = vector.load %arg6[%get3A_11, %get3A_12] : memref<8x16xf32, #tpu.memory_space<vmem>>, vector<1x16xf32>
    %broadcast_in_dim3A_14 = vector.shape_cast %get3A_13 : vector<1x16xf32> to vector<1x1x16xf32>
    %get3A_15 = arith.constant 2 : index
    %get3A_16 = arith.constant 0 : index
    %get3A_17 = vector.load %arg6[%get3A_15, %get3A_16] : memref<8x16xf32, #tpu.memory_space<vmem>>, vector<1x16xf32>
    %broadcast_in_dim3A_18 = vector.shape_cast %get3A_17 : vector<1x16xf32> to vector<1x1x16xf32>
    %get3A_19 = arith.constant 0 : index
    %get3A_20 = arith.constant 0 : index
    %get3A_21 = vector.load %arg5[%get3A_19, %get3A_20] : memref<320x3xf32, #tpu.memory_space<vmem>>, vector<320x1xf32>
    %sub3A = vector.broadcast %get3A_21 : vector<320x1xf32> to vector<320x32xf32>
    %sub3A_22 = arith.subf %get3A_1, %sub3A : vector<320x32xf32>
    %broadcast_in_dim3A_23 = vector.shape_cast %sub3A_22 : vector<320x32xf32> to vector<320x32x1xf32>
    %sub3A_24 = vector.broadcast %broadcast_in_dim3A_23 : vector<320x32x1xf32> to vector<320x32x16xf32>
    %sub3A_25 = vector.broadcast %broadcast_in_dim3A : vector<1x1x16xf32> to vector<320x32x16xf32>
    %sub3A_26 = arith.subf %sub3A_24, %sub3A_25 : vector<320x32x16xf32>
    %get3A_27 = arith.constant 0 : index
    %get3A_28 = arith.constant 1 : index
    %get3A_29 = vector.load %arg5[%get3A_27, %get3A_28] : memref<320x3xf32, #tpu.memory_space<vmem>>, vector<320x1xf32>
    %sub3A_30 = vector.broadcast %get3A_29 : vector<320x1xf32> to vector<320x32xf32>
    %sub3A_31 = arith.subf %get3A_4, %sub3A_30 : vector<320x32xf32>
    %broadcast_in_dim3A_32 = vector.shape_cast %sub3A_31 : vector<320x32xf32> to vector<320x32x1xf32>
    %sub3A_33 = vector.broadcast %broadcast_in_dim3A_32 : vector<320x32x1xf32> to vector<320x32x16xf32>
    %sub3A_34 = vector.broadcast %broadcast_in_dim3A_14 : vector<1x1x16xf32> to vector<320x32x16xf32>
    %sub3A_35 = arith.subf %sub3A_33, %sub3A_34 : vector<320x32x16xf32>
    %get3A_36 = arith.constant 0 : index
    %get3A_37 = arith.constant 2 : index
    %get3A_38 = vector.load %arg5[%get3A_36, %get3A_37] : memref<320x3xf32, #tpu.memory_space<vmem>>, vector<320x1xf32>
    %sub3A_39 = vector.broadcast %get3A_38 : vector<320x1xf32> to vector<320x32xf32>
    %sub3A_40 = arith.subf %get3A_7, %sub3A_39 : vector<320x32xf32>
    %broadcast_in_dim3A_41 = vector.shape_cast %sub3A_40 : vector<320x32xf32> to vector<320x32x1xf32>
    %sub3A_42 = vector.broadcast %broadcast_in_dim3A_41 : vector<320x32x1xf32> to vector<320x32x16xf32>
    %sub3A_43 = vector.broadcast %broadcast_in_dim3A_18 : vector<1x1x16xf32> to vector<320x32x16xf32>
    %sub3A_44 = arith.subf %sub3A_42, %sub3A_43 : vector<320x32x16xf32>
    %mul3A = arith.mulf %sub3A_26, %sub3A_26 : vector<320x32x16xf32>
    %mul3A_45 = arith.mulf %sub3A_35, %sub3A_35 : vector<320x32x16xf32>
    %add3A = arith.addf %mul3A, %mul3A_45 : vector<320x32x16xf32>
    %mul3A_46 = arith.mulf %sub3A_44, %sub3A_44 : vector<320x32x16xf32>
    %add3A_47 = arith.addf %add3A, %mul3A_46 : vector<320x32x16xf32>
    %sqrt3A = math.sqrt %add3A_47 : vector<320x32x16xf32>
    %mul3A_48 = arith.constant 8.000000e+00 : f32
    %mul3A_49 = vector.broadcast %mul3A_48 : f32 to vector<320x32x16xf32>
    %mul3A_50 = arith.mulf %sqrt3A, %mul3A_49 : vector<320x32x16xf32>
    %sub3A_51 = arith.constant 1.000000e+00 : f32
    %sub3A_52 = vector.broadcast %sub3A_51 : f32 to vector<320x32x16xf32>
    %sub3A_53 = arith.subf %sub3A_52, %mul3A_50 : vector<320x32x16xf32>
    %max3A = arith.constant 0.000000e+00 : f32
    %max3A_54 = vector.broadcast %max3A : f32 to vector<320x32x16xf32>
    %max3A_55 = arith.maximumf %max3A_54, %sub3A_53 : vector<320x32x16xf32>
    %get3A_56 = arith.constant 0 : index
    %get3A_57 = arith.constant 0 : index
    %get3A_58 = arith.constant 0 : index
    %get3A_59 = vector.load %arg1[%get3A_56, %get3A_57, %get3A_58] : memref<320x32x128xf32, #tpu.memory_space<vmem>>, vector<320x32x128xf32>
    %broadcast_in_dim3A_60 = arith.constant 0.000000e+00 : f32
    %broadcast_in_dim3A_61 = vector.broadcast %broadcast_in_dim3A_60 : f32 to vector<320x256xf32>
    %slice3A = vector.extract_strided_slice %max3A_55 {offsets = [0, 0, 0], sizes = [320, 32, 1], strides = [1, 1, 1]} : vector<320x32x16xf32> to vector<320x32x1xf32>
    %mul3A_62 = vector.broadcast %slice3A : vector<320x32x1xf32> to vector<320x32x128xf32>
    %mul3A_63 = arith.mulf %get3A_59, %mul3A_62 : vector<320x32x128xf32>
    %reduce_sum3A = arith.constant dense<0.000000e+00> : vector<320x128xf32>
    %reduce_sum3A_64 = vector.multi_reduction <add>, %mul3A_63, %reduce_sum3A [1] : vector<320x32x128xf32> to vector<320x128xf32>
    %get3A_65 = arith.constant 0 : index
    %get3A_66 = arith.constant 0 : index
    %get3A_67 = arith.constant 0 : index
    %get3A_68 = vector.load %arg7[%get3A_65, %get3A_66, %get3A_67] : memref<15x128x256xf32, #tpu.memory_space<vmem>>, vector<1x128x256xf32>
    %get3A_69 = vector.shape_cast %get3A_68 : vector<1x128x256xf32> to vector<128x256xf32>
    %dot_general3A = arith.constant dense<0.000000e+00> : vector<320x256xf32>
    %dot_general3A_70 = tpu.matmul %reduce_sum3A_64, %get3A_69, %dot_general3A {dimension_numbers = #tpu.dot_dimension_numbers<[1], [0], [0], [1], [0, 0, 1, 1], [], []>, transpose_lhs_hint = false} : vector<320x128xf32>, vector<128x256xf32>, vector<320x256xf32> -> vector<320x256xf32>
    %add3A_71 = arith.addf %broadcast_in_dim3A_61, %dot_general3A_70 : vector<320x256xf32>
    %slice3A_72 = vector.extract_strided_slice %max3A_55 {offsets = [0, 0, 1], sizes = [320, 32, 1], strides = [1, 1, 1]} : vector<320x32x16xf32> to vector<320x32x1xf32>
    %mul3A_73 = vector.broadcast %slice3A_72 : vector<320x32x1xf32> to vector<320x32x128xf32>
    %mul3A_74 = arith.mulf %get3A_59, %mul3A_73 : vector<320x32x128xf32>
    %reduce_sum3A_75 = arith.constant dense<0.000000e+00> : vector<320x128xf32>
    %reduce_sum3A_76 = vector.multi_reduction <add>, %mul3A_74, %reduce_sum3A_75 [1] : vector<320x32x128xf32> to vector<320x128xf32>
    %get3A_77 = arith.constant 1 : index
    %get3A_78 = arith.constant 0 : index
    %get3A_79 = arith.constant 0 : index
    %get3A_80 = vector.load %arg7[%get3A_77, %get3A_78, %get3A_79] : memref<15x128x256xf32, #tpu.memory_space<vmem>>, vector<1x128x256xf32>
    %get3A_81 = vector.shape_cast %get3A_80 : vector<1x128x256xf32> to vector<128x256xf32>
    %dot_general3A_82 = arith.constant dense<0.000000e+00> : vector<320x256xf32>
    %dot_general3A_83 = tpu.matmul %reduce_sum3A_76, %get3A_81, %dot_general3A_82 {dimension_numbers = #tpu.dot_dimension_numbers<[1], [0], [0], [1], [0, 0, 1, 1], [], []>, transpose_lhs_hint = false} : vector<320x128xf32>, vector<128x256xf32>, vector<320x256xf32> -> vector<320x256xf32>
    %add3A_84 = arith.addf %add3A_71, %dot_general3A_83 : vector<320x256xf32>
    %slice3A_85 = vector.extract_strided_slice %max3A_55 {offsets = [0, 0, 2], sizes = [320, 32, 1], strides = [1, 1, 1]} : vector<320x32x16xf32> to vector<320x32x1xf32>
    %mul3A_86 = vector.broadcast %slice3A_85 : vector<320x32x1xf32> to vector<320x32x128xf32>
    %mul3A_87 = arith.mulf %get3A_59, %mul3A_86 : vector<320x32x128xf32>
    %reduce_sum3A_88 = arith.constant dense<0.000000e+00> : vector<320x128xf32>
    %reduce_sum3A_89 = vector.multi_reduction <add>, %mul3A_87, %reduce_sum3A_88 [1] : vector<320x32x128xf32> to vector<320x128xf32>
    %get3A_90 = arith.constant 2 : index
    %get3A_91 = arith.constant 0 : index
    %get3A_92 = arith.constant 0 : index
    %get3A_93 = vector.load %arg7[%get3A_90, %get3A_91, %get3A_92] : memref<15x128x256xf32, #tpu.memory_space<vmem>>, vector<1x128x256xf32>
    %get3A_94 = vector.shape_cast %get3A_93 : vector<1x128x256xf32> to vector<128x256xf32>
    %dot_general3A_95 = arith.constant dense<0.000000e+00> : vector<320x256xf32>
    %dot_general3A_96 = tpu.matmul %reduce_sum3A_89, %get3A_94, %dot_general3A_95 {dimension_numbers = #tpu.dot_dimension_numbers<[1], [0], [0], [1], [0, 0, 1, 1], [], []>, transpose_lhs_hint = false} : vector<320x128xf32>, vector<128x256xf32>, vector<320x256xf32> -> vector<320x256xf32>
    %add3A_97 = arith.addf %add3A_84, %dot_general3A_96 : vector<320x256xf32>
    %slice3A_98 = vector.extract_strided_slice %max3A_55 {offsets = [0, 0, 3], sizes = [320, 32, 1], strides = [1, 1, 1]} : vector<320x32x16xf32> to vector<320x32x1xf32>
    %mul3A_99 = vector.broadcast %slice3A_98 : vector<320x32x1xf32> to vector<320x32x128xf32>
    %mul3A_100 = arith.mulf %get3A_59, %mul3A_99 : vector<320x32x128xf32>
    %reduce_sum3A_101 = arith.constant dense<0.000000e+00> : vector<320x128xf32>
    %reduce_sum3A_102 = vector.multi_reduction <add>, %mul3A_100, %reduce_sum3A_101 [1] : vector<320x32x128xf32> to vector<320x128xf32>
    %get3A_103 = arith.constant 3 : index
    %get3A_104 = arith.constant 0 : index
    %get3A_105 = arith.constant 0 : index
    %get3A_106 = vector.load %arg7[%get3A_103, %get3A_104, %get3A_105] : memref<15x128x256xf32, #tpu.memory_space<vmem>>, vector<1x128x256xf32>
    %get3A_107 = vector.shape_cast %get3A_106 : vector<1x128x256xf32> to vector<128x256xf32>
    %dot_general3A_108 = arith.constant dense<0.000000e+00> : vector<320x256xf32>
    %dot_general3A_109 = tpu.matmul %reduce_sum3A_102, %get3A_107, %dot_general3A_108 {dimension_numbers = #tpu.dot_dimension_numbers<[1], [0], [0], [1], [0, 0, 1, 1], [], []>, transpose_lhs_hint = false} : vector<320x128xf32>, vector<128x256xf32>, vector<320x256xf32> -> vector<320x256xf32>
    %add3A_110 = arith.addf %add3A_97, %dot_general3A_109 : vector<320x256xf32>
    %slice3A_111 = vector.extract_strided_slice %max3A_55 {offsets = [0, 0, 4], sizes = [320, 32, 1], strides = [1, 1, 1]} : vector<320x32x16xf32> to vector<320x32x1xf32>
    %mul3A_112 = vector.broadcast %slice3A_111 : vector<320x32x1xf32> to vector<320x32x128xf32>
    %mul3A_113 = arith.mulf %get3A_59, %mul3A_112 : vector<320x32x128xf32>
    %reduce_sum3A_114 = arith.constant dense<0.000000e+00> : vector<320x128xf32>
    %reduce_sum3A_115 = vector.multi_reduction <add>, %mul3A_113, %reduce_sum3A_114 [1] : vector<320x32x128xf32> to vector<320x128xf32>
    %get3A_116 = arith.constant 4 : index
    %get3A_117 = arith.constant 0 : index
    %get3A_118 = arith.constant 0 : index
    %get3A_119 = vector.load %arg7[%get3A_116, %get3A_117, %get3A_118] : memref<15x128x256xf32, #tpu.memory_space<vmem>>, vector<1x128x256xf32>
    %get3A_120 = vector.shape_cast %get3A_119 : vector<1x128x256xf32> to vector<128x256xf32>
    %dot_general3A_121 = arith.constant dense<0.000000e+00> : vector<320x256xf32>
    %dot_general3A_122 = tpu.matmul %reduce_sum3A_115, %get3A_120, %dot_general3A_121 {dimension_numbers = #tpu.dot_dimension_numbers<[1], [0], [0], [1], [0, 0, 1, 1], [], []>, transpose_lhs_hint = false} : vector<320x128xf32>, vector<128x256xf32>, vector<320x256xf32> -> vector<320x256xf32>
    %add3A_123 = arith.addf %add3A_110, %dot_general3A_122 : vector<320x256xf32>
    %slice3A_124 = vector.extract_strided_slice %max3A_55 {offsets = [0, 0, 5], sizes = [320, 32, 1], strides = [1, 1, 1]} : vector<320x32x16xf32> to vector<320x32x1xf32>
    %mul3A_125 = vector.broadcast %slice3A_124 : vector<320x32x1xf32> to vector<320x32x128xf32>
    %mul3A_126 = arith.mulf %get3A_59, %mul3A_125 : vector<320x32x128xf32>
    %reduce_sum3A_127 = arith.constant dense<0.000000e+00> : vector<320x128xf32>
    %reduce_sum3A_128 = vector.multi_reduction <add>, %mul3A_126, %reduce_sum3A_127 [1] : vector<320x32x128xf32> to vector<320x128xf32>
    %get3A_129 = arith.constant 5 : index
    %get3A_130 = arith.constant 0 : index
    %get3A_131 = arith.constant 0 : index
    %get3A_132 = vector.load %arg7[%get3A_129, %get3A_130, %get3A_131] : memref<15x128x256xf32, #tpu.memory_space<vmem>>, vector<1x128x256xf32>
    %get3A_133 = vector.shape_cast %get3A_132 : vector<1x128x256xf32> to vector<128x256xf32>
    %dot_general3A_134 = arith.constant dense<0.000000e+00> : vector<320x256xf32>
    %dot_general3A_135 = tpu.matmul %reduce_sum3A_128, %get3A_133, %dot_general3A_134 {dimension_numbers = #tpu.dot_dimension_numbers<[1], [0], [0], [1], [0, 0, 1, 1], [], []>, transpose_lhs_hint = false} : vector<320x128xf32>, vector<128x256xf32>, vector<320x256xf32> -> vector<320x256xf32>
    %add3A_136 = arith.addf %add3A_123, %dot_general3A_135 : vector<320x256xf32>
    %slice3A_137 = vector.extract_strided_slice %max3A_55 {offsets = [0, 0, 6], sizes = [320, 32, 1], strides = [1, 1, 1]} : vector<320x32x16xf32> to vector<320x32x1xf32>
    %mul3A_138 = vector.broadcast %slice3A_137 : vector<320x32x1xf32> to vector<320x32x128xf32>
    %mul3A_139 = arith.mulf %get3A_59, %mul3A_138 : vector<320x32x128xf32>
    %reduce_sum3A_140 = arith.constant dense<0.000000e+00> : vector<320x128xf32>
    %reduce_sum3A_141 = vector.multi_reduction <add>, %mul3A_139, %reduce_sum3A_140 [1] : vector<320x32x128xf32> to vector<320x128xf32>
    %get3A_142 = arith.constant 6 : index
    %get3A_143 = arith.constant 0 : index
    %get3A_144 = arith.constant 0 : index
    %get3A_145 = vector.load %arg7[%get3A_142, %get3A_143, %get3A_144] : memref<15x128x256xf32, #tpu.memory_space<vmem>>, vector<1x128x256xf32>
    %get3A_146 = vector.shape_cast %get3A_145 : vector<1x128x256xf32> to vector<128x256xf32>
    %dot_general3A_147 = arith.constant dense<0.000000e+00> : vector<320x256xf32>
    %dot_general3A_148 = tpu.matmul %reduce_sum3A_141, %get3A_146, %dot_general3A_147 {dimension_numbers = #tpu.dot_dimension_numbers<[1], [0], [0], [1], [0, 0, 1, 1], [], []>, transpose_lhs_hint = false} : vector<320x128xf32>, vector<128x256xf32>, vector<320x256xf32> -> vector<320x256xf32>
    %add3A_149 = arith.addf %add3A_136, %dot_general3A_148 : vector<320x256xf32>
    %slice3A_150 = vector.extract_strided_slice %max3A_55 {offsets = [0, 0, 7], sizes = [320, 32, 1], strides = [1, 1, 1]} : vector<320x32x16xf32> to vector<320x32x1xf32>
    %mul3A_151 = vector.broadcast %slice3A_150 : vector<320x32x1xf32> to vector<320x32x128xf32>
    %mul3A_152 = arith.mulf %get3A_59, %mul3A_151 : vector<320x32x128xf32>
    %reduce_sum3A_153 = arith.constant dense<0.000000e+00> : vector<320x128xf32>
    %reduce_sum3A_154 = vector.multi_reduction <add>, %mul3A_152, %reduce_sum3A_153 [1] : vector<320x32x128xf32> to vector<320x128xf32>
    %get3A_155 = arith.constant 7 : index
    %get3A_156 = arith.constant 0 : index
    %get3A_157 = arith.constant 0 : index
    %get3A_158 = vector.load %arg7[%get3A_155, %get3A_156, %get3A_157] : memref<15x128x256xf32, #tpu.memory_space<vmem>>, vector<1x128x256xf32>
    %get3A_159 = vector.shape_cast %get3A_158 : vector<1x128x256xf32> to vector<128x256xf32>
    %dot_general3A_160 = arith.constant dense<0.000000e+00> : vector<320x256xf32>
    %dot_general3A_161 = tpu.matmul %reduce_sum3A_154, %get3A_159, %dot_general3A_160 {dimension_numbers = #tpu.dot_dimension_numbers<[1], [0], [0], [1], [0, 0, 1, 1], [], []>, transpose_lhs_hint = false} : vector<320x128xf32>, vector<128x256xf32>, vector<320x256xf32> -> vector<320x256xf32>
    %add3A_162 = arith.addf %add3A_149, %dot_general3A_161 : vector<320x256xf32>
    %slice3A_163 = vector.extract_strided_slice %max3A_55 {offsets = [0, 0, 8], sizes = [320, 32, 1], strides = [1, 1, 1]} : vector<320x32x16xf32> to vector<320x32x1xf32>
    %mul3A_164 = vector.broadcast %slice3A_163 : vector<320x32x1xf32> to vector<320x32x128xf32>
    %mul3A_165 = arith.mulf %get3A_59, %mul3A_164 : vector<320x32x128xf32>
    %reduce_sum3A_166 = arith.constant dense<0.000000e+00> : vector<320x128xf32>
    %reduce_sum3A_167 = vector.multi_reduction <add>, %mul3A_165, %reduce_sum3A_166 [1] : vector<320x32x128xf32> to vector<320x128xf32>
    %get3A_168 = arith.constant 8 : index
    %get3A_169 = arith.constant 0 : index
    %get3A_170 = arith.constant 0 : index
    %get3A_171 = vector.load %arg7[%get3A_168, %get3A_169, %get3A_170] : memref<15x128x256xf32, #tpu.memory_space<vmem>>, vector<1x128x256xf32>
    %get3A_172 = vector.shape_cast %get3A_171 : vector<1x128x256xf32> to vector<128x256xf32>
    %dot_general3A_173 = arith.constant dense<0.000000e+00> : vector<320x256xf32>
    %dot_general3A_174 = tpu.matmul %reduce_sum3A_167, %get3A_172, %dot_general3A_173 {dimension_numbers = #tpu.dot_dimension_numbers<[1], [0], [0], [1], [0, 0, 1, 1], [], []>, transpose_lhs_hint = false} : vector<320x128xf32>, vector<128x256xf32>, vector<320x256xf32> -> vector<320x256xf32>
    %add3A_175 = arith.addf %add3A_162, %dot_general3A_174 : vector<320x256xf32>
    %slice3A_176 = vector.extract_strided_slice %max3A_55 {offsets = [0, 0, 9], sizes = [320, 32, 1], strides = [1, 1, 1]} : vector<320x32x16xf32> to vector<320x32x1xf32>
    %mul3A_177 = vector.broadcast %slice3A_176 : vector<320x32x1xf32> to vector<320x32x128xf32>
    %mul3A_178 = arith.mulf %get3A_59, %mul3A_177 : vector<320x32x128xf32>
    %reduce_sum3A_179 = arith.constant dense<0.000000e+00> : vector<320x128xf32>
    %reduce_sum3A_180 = vector.multi_reduction <add>, %mul3A_178, %reduce_sum3A_179 [1] : vector<320x32x128xf32> to vector<320x128xf32>
    %get3A_181 = arith.constant 9 : index
    %get3A_182 = arith.constant 0 : index
    %get3A_183 = arith.constant 0 : index
    %get3A_184 = vector.load %arg7[%get3A_181, %get3A_182, %get3A_183] : memref<15x128x256xf32, #tpu.memory_space<vmem>>, vector<1x128x256xf32>
    %get3A_185 = vector.shape_cast %get3A_184 : vector<1x128x256xf32> to vector<128x256xf32>
    %dot_general3A_186 = arith.constant dense<0.000000e+00> : vector<320x256xf32>
    %dot_general3A_187 = tpu.matmul %reduce_sum3A_180, %get3A_185, %dot_general3A_186 {dimension_numbers = #tpu.dot_dimension_numbers<[1], [0], [0], [1], [0, 0, 1, 1], [], []>, transpose_lhs_hint = false} : vector<320x128xf32>, vector<128x256xf32>, vector<320x256xf32> -> vector<320x256xf32>
    %add3A_188 = arith.addf %add3A_175, %dot_general3A_187 : vector<320x256xf32>
    %slice3A_189 = vector.extract_strided_slice %max3A_55 {offsets = [0, 0, 10], sizes = [320, 32, 1], strides = [1, 1, 1]} : vector<320x32x16xf32> to vector<320x32x1xf32>
    %mul3A_190 = vector.broadcast %slice3A_189 : vector<320x32x1xf32> to vector<320x32x128xf32>
    %mul3A_191 = arith.mulf %get3A_59, %mul3A_190 : vector<320x32x128xf32>
    %reduce_sum3A_192 = arith.constant dense<0.000000e+00> : vector<320x128xf32>
    %reduce_sum3A_193 = vector.multi_reduction <add>, %mul3A_191, %reduce_sum3A_192 [1] : vector<320x32x128xf32> to vector<320x128xf32>
    %get3A_194 = arith.constant 10 : index
    %get3A_195 = arith.constant 0 : index
    %get3A_196 = arith.constant 0 : index
    %get3A_197 = vector.load %arg7[%get3A_194, %get3A_195, %get3A_196] : memref<15x128x256xf32, #tpu.memory_space<vmem>>, vector<1x128x256xf32>
    %get3A_198 = vector.shape_cast %get3A_197 : vector<1x128x256xf32> to vector<128x256xf32>
    %dot_general3A_199 = arith.constant dense<0.000000e+00> : vector<320x256xf32>
    %dot_general3A_200 = tpu.matmul %reduce_sum3A_193, %get3A_198, %dot_general3A_199 {dimension_numbers = #tpu.dot_dimension_numbers<[1], [0], [0], [1], [0, 0, 1, 1], [], []>, transpose_lhs_hint = false} : vector<320x128xf32>, vector<128x256xf32>, vector<320x256xf32> -> vector<320x256xf32>
    %add3A_201 = arith.addf %add3A_188, %dot_general3A_200 : vector<320x256xf32>
    %slice3A_202 = vector.extract_strided_slice %max3A_55 {offsets = [0, 0, 11], sizes = [320, 32, 1], strides = [1, 1, 1]} : vector<320x32x16xf32> to vector<320x32x1xf32>
    %mul3A_203 = vector.broadcast %slice3A_202 : vector<320x32x1xf32> to vector<320x32x128xf32>
    %mul3A_204 = arith.mulf %get3A_59, %mul3A_203 : vector<320x32x128xf32>
    %reduce_sum3A_205 = arith.constant dense<0.000000e+00> : vector<320x128xf32>
    %reduce_sum3A_206 = vector.multi_reduction <add>, %mul3A_204, %reduce_sum3A_205 [1] : vector<320x32x128xf32> to vector<320x128xf32>
    %get3A_207 = arith.constant 11 : index
    %get3A_208 = arith.constant 0 : index
    %get3A_209 = arith.constant 0 : index
    %get3A_210 = vector.load %arg7[%get3A_207, %get3A_208, %get3A_209] : memref<15x128x256xf32, #tpu.memory_space<vmem>>, vector<1x128x256xf32>
    %get3A_211 = vector.shape_cast %get3A_210 : vector<1x128x256xf32> to vector<128x256xf32>
    %dot_general3A_212 = arith.constant dense<0.000000e+00> : vector<320x256xf32>
    %dot_general3A_213 = tpu.matmul %reduce_sum3A_206, %get3A_211, %dot_general3A_212 {dimension_numbers = #tpu.dot_dimension_numbers<[1], [0], [0], [1], [0, 0, 1, 1], [], []>, transpose_lhs_hint = false} : vector<320x128xf32>, vector<128x256xf32>, vector<320x256xf32> -> vector<320x256xf32>
    %add3A_214 = arith.addf %add3A_201, %dot_general3A_213 : vector<320x256xf32>
    %slice3A_215 = vector.extract_strided_slice %max3A_55 {offsets = [0, 0, 12], sizes = [320, 32, 1], strides = [1, 1, 1]} : vector<320x32x16xf32> to vector<320x32x1xf32>
    %mul3A_216 = vector.broadcast %slice3A_215 : vector<320x32x1xf32> to vector<320x32x128xf32>
    %mul3A_217 = arith.mulf %get3A_59, %mul3A_216 : vector<320x32x128xf32>
    %reduce_sum3A_218 = arith.constant dense<0.000000e+00> : vector<320x128xf32>
    %reduce_sum3A_219 = vector.multi_reduction <add>, %mul3A_217, %reduce_sum3A_218 [1] : vector<320x32x128xf32> to vector<320x128xf32>
    %get3A_220 = arith.constant 12 : index
    %get3A_221 = arith.constant 0 : index
    %get3A_222 = arith.constant 0 : index
    %get3A_223 = vector.load %arg7[%get3A_220, %get3A_221, %get3A_222] : memref<15x128x256xf32, #tpu.memory_space<vmem>>, vector<1x128x256xf32>
    %get3A_224 = vector.shape_cast %get3A_223 : vector<1x128x256xf32> to vector<128x256xf32>
    %dot_general3A_225 = arith.constant dense<0.000000e+00> : vector<320x256xf32>
    %dot_general3A_226 = tpu.matmul %reduce_sum3A_219, %get3A_224, %dot_general3A_225 {dimension_numbers = #tpu.dot_dimension_numbers<[1], [0], [0], [1], [0, 0, 1, 1], [], []>, transpose_lhs_hint = false} : vector<320x128xf32>, vector<128x256xf32>, vector<320x256xf32> -> vector<320x256xf32>
    %add3A_227 = arith.addf %add3A_214, %dot_general3A_226 : vector<320x256xf32>
    %slice3A_228 = vector.extract_strided_slice %max3A_55 {offsets = [0, 0, 13], sizes = [320, 32, 1], strides = [1, 1, 1]} : vector<320x32x16xf32> to vector<320x32x1xf32>
    %mul3A_229 = vector.broadcast %slice3A_228 : vector<320x32x1xf32> to vector<320x32x128xf32>
    %mul3A_230 = arith.mulf %get3A_59, %mul3A_229 : vector<320x32x128xf32>
    %reduce_sum3A_231 = arith.constant dense<0.000000e+00> : vector<320x128xf32>
    %reduce_sum3A_232 = vector.multi_reduction <add>, %mul3A_230, %reduce_sum3A_231 [1] : vector<320x32x128xf32> to vector<320x128xf32>
    %get3A_233 = arith.constant 13 : index
    %get3A_234 = arith.constant 0 : index
    %get3A_235 = arith.constant 0 : index
    %get3A_236 = vector.load %arg7[%get3A_233, %get3A_234, %get3A_235] : memref<15x128x256xf32, #tpu.memory_space<vmem>>, vector<1x128x256xf32>
    %get3A_237 = vector.shape_cast %get3A_236 : vector<1x128x256xf32> to vector<128x256xf32>
    %dot_general3A_238 = arith.constant dense<0.000000e+00> : vector<320x256xf32>
    %dot_general3A_239 = tpu.matmul %reduce_sum3A_232, %get3A_237, %dot_general3A_238 {dimension_numbers = #tpu.dot_dimension_numbers<[1], [0], [0], [1], [0, 0, 1, 1], [], []>, transpose_lhs_hint = false} : vector<320x128xf32>, vector<128x256xf32>, vector<320x256xf32> -> vector<320x256xf32>
    %add3A_240 = arith.addf %add3A_227, %dot_general3A_239 : vector<320x256xf32>
    %slice3A_241 = vector.extract_strided_slice %max3A_55 {offsets = [0, 0, 14], sizes = [320, 32, 1], strides = [1, 1, 1]} : vector<320x32x16xf32> to vector<320x32x1xf32>
    %mul3A_242 = vector.broadcast %slice3A_241 : vector<320x32x1xf32> to vector<320x32x128xf32>
    %mul3A_243 = arith.mulf %get3A_59, %mul3A_242 : vector<320x32x128xf32>
    %reduce_sum3A_244 = arith.constant dense<0.000000e+00> : vector<320x128xf32>
    %reduce_sum3A_245 = vector.multi_reduction <add>, %mul3A_243, %reduce_sum3A_244 [1] : vector<320x32x128xf32> to vector<320x128xf32>
    %get3A_246 = arith.constant 14 : index
    %get3A_247 = arith.constant 0 : index
    %get3A_248 = arith.constant 0 : index
    %get3A_249 = vector.load %arg7[%get3A_246, %get3A_247, %get3A_248] : memref<15x128x256xf32, #tpu.memory_space<vmem>>, vector<1x128x256xf32>
    %get3A_250 = vector.shape_cast %get3A_249 : vector<1x128x256xf32> to vector<128x256xf32>
    %dot_general3A_251 = arith.constant dense<0.000000e+00> : vector<320x256xf32>
    %dot_general3A_252 = tpu.matmul %reduce_sum3A_245, %get3A_250, %dot_general3A_251 {dimension_numbers = #tpu.dot_dimension_numbers<[1], [0], [0], [1], [0, 0, 1, 1], [], []>, transpose_lhs_hint = false} : vector<320x128xf32>, vector<128x256xf32>, vector<320x256xf32> -> vector<320x256xf32>
    %add3A_253 = arith.addf %add3A_240, %dot_general3A_252 : vector<320x256xf32>
    %max3A_254 = arith.constant 0.000000e+00 : f32
    %max3A_255 = vector.broadcast %max3A_254 : f32 to vector<320x256xf32>
    %max3A_256 = arith.maximumf %add3A_253, %max3A_255 : vector<320x256xf32>
    %get3A_257 = arith.constant 0 : index
    %get3A_258 = arith.constant 0 : index
    %get3A_259 = vector.load %arg8[%get3A_257, %get3A_258] : memref<256x256xf32, #tpu.memory_space<vmem>>, vector<256x256xf32>
    %dot_general3A_260 = arith.constant dense<0.000000e+00> : vector<320x256xf32>
    %dot_general3A_261 = tpu.matmul %max3A_256, %get3A_259, %dot_general3A_260 {dimension_numbers = #tpu.dot_dimension_numbers<[1], [0], [0], [1], [0, 0, 1, 1], [], []>, transpose_lhs_hint = false} : vector<320x256xf32>, vector<256x256xf32>, vector<320x256xf32> -> vector<320x256xf32>
    %get3A_262 = arith.constant 0 : index
    %get3A_263 = arith.constant 0 : index
    %get3A_264 = vector.load %arg9[%get3A_262, %get3A_263] : memref<8x256xf32, #tpu.memory_space<vmem>>, vector<1x256xf32>
    %add3A_265 = vector.broadcast %get3A_264 : vector<1x256xf32> to vector<320x256xf32>
    %add3A_266 = arith.addf %dot_general3A_261, %add3A_265 : vector<320x256xf32>
    %swap3A = arith.constant 0 : index
    %swap3A_267 = arith.constant 0 : index
    %swap3A_268 = vector.load %arg11[%swap3A, %swap3A_267] : memref<320x256xf32, #tpu.memory_space<vmem>>, vector<320x256xf32>
    tpu.vector_store %arg11[%swap3A, %swap3A_267], %add3A_266 {strides = array<i32>} : memref<320x256xf32, #tpu.memory_space<vmem>>, vector<320x256xf32>,
    %get3A_269 = arith.constant 0 : index
    %get3A_270 = arith.constant 0 : index
    %get3A_271 = vector.load %arg10[%get3A_269, %get3A_270] : memref<256x256xf32, #tpu.memory_space<vmem>>, vector<256x256xf32>
    %dot_general3A_272 = arith.constant dense<0.000000e+00> : vector<320x256xf32>
    %dot_general3A_273 = tpu.matmul %add3A_266, %get3A_271, %dot_general3A_272 {dimension_numbers = #tpu.dot_dimension_numbers<[1], [0], [0], [1], [0, 0, 1, 1], [], []>, transpose_lhs_hint = false} : vector<320x256xf32>, vector<256x256xf32>, vector<320x256xf32> -> vector<320x256xf32>
    %swap3A_274 = arith.constant 0 : index
    %swap3A_275 = arith.constant 0 : index
    %swap3A_276 = vector.load %arg12[%swap3A_274, %swap3A_275] : memref<320x256xf32, #tpu.memory_space<vmem>>, vector<320x256xf32>
    tpu.vector_store %arg12[%swap3A_274, %swap3A_275], %dot_general3A_273 {strides = array<i32>} : memref<320x256xf32, #tpu.memory_space<vmem>>, vector<320x256xf32>,
    return
  }
  func.func @transform_0(%arg0: i32) -> (i32, i32, i32) {
    %c0_i32 = arith.constant 0 : i32
    %c0_i32_0 = arith.constant 0 : i32
    %c0_i32_1 = arith.constant 0 : i32
    return %arg0, %c0_i32, %c0_i32_0 : i32, i32, i32
  }
  func.func @transform_1(%arg0: i32) -> (i32, i32) {
    %c0_i32 = arith.constant 0 : i32
    %c0_i32_0 = arith.constant 0 : i32
    return %arg0, %c0_i32 : i32, i32
  }
  func.func @transform_2(%arg0: i32) -> (i32, i32) {
    %c0_i32 = arith.constant 0 : i32
    %c0_i32_0 = arith.constant 0 : i32
    return %arg0, %c0_i32 : i32, i32
  }
  func.func @transform_3(%arg0: i32) -> (i32, i32) {
    %c0_i32 = arith.constant 0 : i32
    %c0_i32_0 = arith.constant 0 : i32
    return %arg0, %c0_i32 : i32, i32
  }
  func.func @transform_4(%arg0: i32) -> (i32, i32) {
    %c0_i32 = arith.constant 0 : i32
    %c0_i32_0 = arith.constant 0 : i32
    return %arg0, %c0_i32 : i32, i32
  }
  func.func @transform_5(%arg0: i32) -> (i32, i32) {
    %c0_i32 = arith.constant 0 : i32
    %c0_i32_0 = arith.constant 0 : i32
    %c0_i32_1 = arith.constant 0 : i32
    return %c0_i32, %c0_i32_0 : i32, i32
  }
  func.func @transform_6(%arg0: i32) -> (i32, i32, i32) {
    %c0_i32 = arith.constant 0 : i32
    %c0_i32_0 = arith.constant 0 : i32
    %c0_i32_1 = arith.constant 0 : i32
    %c0_i32_2 = arith.constant 0 : i32
    return %c0_i32, %c0_i32_0, %c0_i32_1 : i32, i32, i32
  }
  func.func @transform_7(%arg0: i32) -> (i32, i32) {
    %c0_i32 = arith.constant 0 : i32
    %c0_i32_0 = arith.constant 0 : i32
    %c0_i32_1 = arith.constant 0 : i32
    return %c0_i32, %c0_i32_0 : i32, i32
  }
  func.func @transform_8(%arg0: i32) -> (i32, i32) {
    %c0_i32 = arith.constant 0 : i32
    %c0_i32_0 = arith.constant 0 : i32
    %c0_i32_1 = arith.constant 0 : i32
    return %c0_i32, %c0_i32_0 : i32, i32
  }
  func.func @transform_9(%arg0: i32) -> (i32, i32) {
    %c0_i32 = arith.constant 0 : i32
    %c0_i32_0 = arith.constant 0 : i32
    %c0_i32_1 = arith.constant 0 : i32
    return %c0_i32, %c0_i32_0 : i32, i32
  }
  func.func @transform_10(%arg0: i32) -> (i32, i32) {
    %c0_i32 = arith.constant 0 : i32
    %c0_i32_0 = arith.constant 0 : i32
    return %arg0, %c0_i32 : i32, i32
  }
  func.func @transform_11(%arg0: i32) -> (i32, i32) {
    %c0_i32 = arith.constant 0 : i32
    %c0_i32_0 = arith.constant 0 : i32
    return %arg0, %c0_i32 : i32, i32
  }
}

module attributes {stable_mosaic.version = 14 : i64} {
  func.func @body(%arg0: i32, %arg1: memref<512x256xf32, #tpu.memory_space<vmem>>, %arg2: memref<512x256xf32, #tpu.memory_space<vmem>>, %arg3: memref<512x10x256xf32, #tpu.memory_space<vmem>>, %arg4: memref<256x256xf32, #tpu.memory_space<vmem>>, %arg5: memref<8x256xf32, #tpu.memory_space<vmem>>, %arg6: memref<256x256xf32, #tpu.memory_space<vmem>>, %arg7: memref<8x256xf32, #tpu.memory_space<vmem>>, %arg8: memref<256x16xf32, #tpu.memory_space<vmem>>, %arg9: memref<8x16xf32, #tpu.memory_space<vmem>>, %arg10: memref<256x128xf32, #tpu.memory_space<vmem>>, %arg11: memref<8x128xf32, #tpu.memory_space<vmem>>, %arg12: memref<8x128xf32, #tpu.memory_space<vmem>>, %arg13: memref<512x128xf32, #tpu.memory_space<vmem>>) attributes {dimension_semantics = [#tpu.dimension_semantics<arbitrary>], iteration_bounds = array<i64: 5>, scalar_prefetch = 0 : i64, scratch_operands = 0 : i64, tpu.core_type = #tpu.core_type<tc>, window_params = [{transform_indices = @transform_0, window_bounds = array<i64: 512, 256>}, {transform_indices = @transform_1, window_bounds = array<i64: 512, 256>}, {transform_indices = @transform_2, window_bounds = array<i64: 512, 10, 256>}, {pipeline_mode = #tpu.pipeline_mode<synchronous>, transform_indices = @transform_3, window_bounds = array<i64: 256, 256>}, {pipeline_mode = #tpu.pipeline_mode<synchronous>, transform_indices = @transform_4, window_bounds = array<i64: 8, 256>}, {pipeline_mode = #tpu.pipeline_mode<synchronous>, transform_indices = @transform_5, window_bounds = array<i64: 256, 256>}, {pipeline_mode = #tpu.pipeline_mode<synchronous>, transform_indices = @transform_6, window_bounds = array<i64: 8, 256>}, {pipeline_mode = #tpu.pipeline_mode<synchronous>, transform_indices = @transform_7, window_bounds = array<i64: 256, 16>}, {pipeline_mode = #tpu.pipeline_mode<synchronous>, transform_indices = @transform_8, window_bounds = array<i64: 8, 16>}, {pipeline_mode = #tpu.pipeline_mode<synchronous>, transform_indices = @transform_9, window_bounds = array<i64: 256, 128>}, {pipeline_mode = #tpu.pipeline_mode<synchronous>, transform_indices = @transform_10, window_bounds = array<i64: 8, 128>}, {pipeline_mode = #tpu.pipeline_mode<synchronous>, transform_indices = @transform_11, window_bounds = array<i64: 8, 128>}, {transform_indices = @transform_12, window_bounds = array<i64: 512, 128>}]} {
    %get3A = arith.constant 0 : index
    %get3A_0 = arith.constant 0 : index
    %get3A_1 = vector.load %arg1[%get3A, %get3A_0] : memref<512x256xf32, #tpu.memory_space<vmem>>, vector<512x256xf32>
    %get3A_2 = arith.constant 0 : index
    %get3A_3 = arith.constant 0 : index
    %get3A_4 = vector.load %arg2[%get3A_2, %get3A_3] : memref<512x256xf32, #tpu.memory_space<vmem>>, vector<512x256xf32>
    %get3A_5 = arith.constant 0 : index
    %get3A_6 = arith.constant 0 : index
    %get3A_7 = vector.load %arg4[%get3A_5, %get3A_6] : memref<256x256xf32, #tpu.memory_space<vmem>>, vector<256x256xf32>
    %dot_general3A = arith.constant dense<0.000000e+00> : vector<512x256xf32>
    %dot_general3A_8 = tpu.matmul %get3A_1, %get3A_7, %dot_general3A {dimension_numbers = #tpu.dot_dimension_numbers<[1], [0], [0], [1], [0, 0, 1, 1], [], []>, transpose_lhs_hint = false} : vector<512x256xf32>, vector<256x256xf32>, vector<512x256xf32> -> vector<512x256xf32>
    %get3A_9 = arith.constant 0 : index
    %get3A_10 = arith.constant 0 : index
    %get3A_11 = vector.load %arg5[%get3A_9, %get3A_10] : memref<8x256xf32, #tpu.memory_space<vmem>>, vector<1x256xf32>
    %add3A = vector.broadcast %get3A_11 : vector<1x256xf32> to vector<512x256xf32>
    %add3A_12 = arith.addf %dot_general3A_8, %add3A : vector<512x256xf32>
    %sub3A = arith.subf %add3A_12, %get3A_4 : vector<512x256xf32>
    %broadcast_in_dim3A = arith.constant 0.000000e+00 : f32
    %broadcast_in_dim3A_13 = vector.broadcast %broadcast_in_dim3A : f32 to vector<512x256xf32>
    %get3A_14 = arith.constant 0 : index
    %get3A_15 = arith.constant 0 : index
    %get3A_16 = arith.constant 0 : index
    %get3A_17 = vector.load %arg3[%get3A_14, %get3A_15, %get3A_16] : memref<512x10x256xf32, #tpu.memory_space<vmem>>, vector<512x1x256xf32>
    %get3A_18 = vector.shape_cast %get3A_17 : vector<512x1x256xf32> to vector<512x256xf32>
    %add3A_19 = arith.addf %sub3A, %get3A_18 : vector<512x256xf32>
    %max3A = arith.constant 0.000000e+00 : f32
    %max3A_20 = vector.broadcast %max3A : f32 to vector<512x256xf32>
    %max3A_21 = arith.maximumf %add3A_19, %max3A_20 : vector<512x256xf32>
    %max3A_22 = arith.maximumf %broadcast_in_dim3A_13, %max3A_21 : vector<512x256xf32>
    %get3A_23 = arith.constant 0 : index
    %get3A_24 = arith.constant 1 : index
    %get3A_25 = arith.constant 0 : index
    %get3A_26 = vector.load %arg3[%get3A_23, %get3A_24, %get3A_25] : memref<512x10x256xf32, #tpu.memory_space<vmem>>, vector<512x1x256xf32>
    %get3A_27 = vector.shape_cast %get3A_26 : vector<512x1x256xf32> to vector<512x256xf32>
    %add3A_28 = arith.addf %sub3A, %get3A_27 : vector<512x256xf32>
    %max3A_29 = arith.constant 0.000000e+00 : f32
    %max3A_30 = vector.broadcast %max3A_29 : f32 to vector<512x256xf32>
    %max3A_31 = arith.maximumf %add3A_28, %max3A_30 : vector<512x256xf32>
    %max3A_32 = arith.maximumf %max3A_22, %max3A_31 : vector<512x256xf32>
    %get3A_33 = arith.constant 0 : index
    %get3A_34 = arith.constant 2 : index
    %get3A_35 = arith.constant 0 : index
    %get3A_36 = vector.load %arg3[%get3A_33, %get3A_34, %get3A_35] : memref<512x10x256xf32, #tpu.memory_space<vmem>>, vector<512x1x256xf32>
    %get3A_37 = vector.shape_cast %get3A_36 : vector<512x1x256xf32> to vector<512x256xf32>
    %add3A_38 = arith.addf %sub3A, %get3A_37 : vector<512x256xf32>
    %max3A_39 = arith.constant 0.000000e+00 : f32
    %max3A_40 = vector.broadcast %max3A_39 : f32 to vector<512x256xf32>
    %max3A_41 = arith.maximumf %add3A_38, %max3A_40 : vector<512x256xf32>
    %max3A_42 = arith.maximumf %max3A_32, %max3A_41 : vector<512x256xf32>
    %get3A_43 = arith.constant 0 : index
    %get3A_44 = arith.constant 3 : index
    %get3A_45 = arith.constant 0 : index
    %get3A_46 = vector.load %arg3[%get3A_43, %get3A_44, %get3A_45] : memref<512x10x256xf32, #tpu.memory_space<vmem>>, vector<512x1x256xf32>
    %get3A_47 = vector.shape_cast %get3A_46 : vector<512x1x256xf32> to vector<512x256xf32>
    %add3A_48 = arith.addf %sub3A, %get3A_47 : vector<512x256xf32>
    %max3A_49 = arith.constant 0.000000e+00 : f32
    %max3A_50 = vector.broadcast %max3A_49 : f32 to vector<512x256xf32>
    %max3A_51 = arith.maximumf %add3A_48, %max3A_50 : vector<512x256xf32>
    %max3A_52 = arith.maximumf %max3A_42, %max3A_51 : vector<512x256xf32>
    %get3A_53 = arith.constant 0 : index
    %get3A_54 = arith.constant 4 : index
    %get3A_55 = arith.constant 0 : index
    %get3A_56 = vector.load %arg3[%get3A_53, %get3A_54, %get3A_55] : memref<512x10x256xf32, #tpu.memory_space<vmem>>, vector<512x1x256xf32>
    %get3A_57 = vector.shape_cast %get3A_56 : vector<512x1x256xf32> to vector<512x256xf32>
    %add3A_58 = arith.addf %sub3A, %get3A_57 : vector<512x256xf32>
    %max3A_59 = arith.constant 0.000000e+00 : f32
    %max3A_60 = vector.broadcast %max3A_59 : f32 to vector<512x256xf32>
    %max3A_61 = arith.maximumf %add3A_58, %max3A_60 : vector<512x256xf32>
    %max3A_62 = arith.maximumf %max3A_52, %max3A_61 : vector<512x256xf32>
    %get3A_63 = arith.constant 0 : index
    %get3A_64 = arith.constant 5 : index
    %get3A_65 = arith.constant 0 : index
    %get3A_66 = vector.load %arg3[%get3A_63, %get3A_64, %get3A_65] : memref<512x10x256xf32, #tpu.memory_space<vmem>>, vector<512x1x256xf32>
    %get3A_67 = vector.shape_cast %get3A_66 : vector<512x1x256xf32> to vector<512x256xf32>
    %add3A_68 = arith.addf %sub3A, %get3A_67 : vector<512x256xf32>
    %max3A_69 = arith.constant 0.000000e+00 : f32
    %max3A_70 = vector.broadcast %max3A_69 : f32 to vector<512x256xf32>
    %max3A_71 = arith.maximumf %add3A_68, %max3A_70 : vector<512x256xf32>
    %max3A_72 = arith.maximumf %max3A_62, %max3A_71 : vector<512x256xf32>
    %get3A_73 = arith.constant 0 : index
    %get3A_74 = arith.constant 6 : index
    %get3A_75 = arith.constant 0 : index
    %get3A_76 = vector.load %arg3[%get3A_73, %get3A_74, %get3A_75] : memref<512x10x256xf32, #tpu.memory_space<vmem>>, vector<512x1x256xf32>
    %get3A_77 = vector.shape_cast %get3A_76 : vector<512x1x256xf32> to vector<512x256xf32>
    %add3A_78 = arith.addf %sub3A, %get3A_77 : vector<512x256xf32>
    %max3A_79 = arith.constant 0.000000e+00 : f32
    %max3A_80 = vector.broadcast %max3A_79 : f32 to vector<512x256xf32>
    %max3A_81 = arith.maximumf %add3A_78, %max3A_80 : vector<512x256xf32>
    %max3A_82 = arith.maximumf %max3A_72, %max3A_81 : vector<512x256xf32>
    %get3A_83 = arith.constant 0 : index
    %get3A_84 = arith.constant 7 : index
    %get3A_85 = arith.constant 0 : index
    %get3A_86 = vector.load %arg3[%get3A_83, %get3A_84, %get3A_85] : memref<512x10x256xf32, #tpu.memory_space<vmem>>, vector<512x1x256xf32>
    %get3A_87 = vector.shape_cast %get3A_86 : vector<512x1x256xf32> to vector<512x256xf32>
    %add3A_88 = arith.addf %sub3A, %get3A_87 : vector<512x256xf32>
    %max3A_89 = arith.constant 0.000000e+00 : f32
    %max3A_90 = vector.broadcast %max3A_89 : f32 to vector<512x256xf32>
    %max3A_91 = arith.maximumf %add3A_88, %max3A_90 : vector<512x256xf32>
    %max3A_92 = arith.maximumf %max3A_82, %max3A_91 : vector<512x256xf32>
    %get3A_93 = arith.constant 0 : index
    %get3A_94 = arith.constant 8 : index
    %get3A_95 = arith.constant 0 : index
    %get3A_96 = vector.load %arg3[%get3A_93, %get3A_94, %get3A_95] : memref<512x10x256xf32, #tpu.memory_space<vmem>>, vector<512x1x256xf32>
    %get3A_97 = vector.shape_cast %get3A_96 : vector<512x1x256xf32> to vector<512x256xf32>
    %add3A_98 = arith.addf %sub3A, %get3A_97 : vector<512x256xf32>
    %max3A_99 = arith.constant 0.000000e+00 : f32
    %max3A_100 = vector.broadcast %max3A_99 : f32 to vector<512x256xf32>
    %max3A_101 = arith.maximumf %add3A_98, %max3A_100 : vector<512x256xf32>
    %max3A_102 = arith.maximumf %max3A_92, %max3A_101 : vector<512x256xf32>
    %get3A_103 = arith.constant 0 : index
    %get3A_104 = arith.constant 9 : index
    %get3A_105 = arith.constant 0 : index
    %get3A_106 = vector.load %arg3[%get3A_103, %get3A_104, %get3A_105] : memref<512x10x256xf32, #tpu.memory_space<vmem>>, vector<512x1x256xf32>
    %get3A_107 = vector.shape_cast %get3A_106 : vector<512x1x256xf32> to vector<512x256xf32>
    %add3A_108 = arith.addf %sub3A, %get3A_107 : vector<512x256xf32>
    %max3A_109 = arith.constant 0.000000e+00 : f32
    %max3A_110 = vector.broadcast %max3A_109 : f32 to vector<512x256xf32>
    %max3A_111 = arith.maximumf %add3A_108, %max3A_110 : vector<512x256xf32>
    %max3A_112 = arith.maximumf %max3A_102, %max3A_111 : vector<512x256xf32>
    %add3A_113 = arith.addf %get3A_1, %max3A_112 : vector<512x256xf32>
    %get3A_114 = arith.constant 0 : index
    %get3A_115 = arith.constant 0 : index
    %get3A_116 = vector.load %arg6[%get3A_114, %get3A_115] : memref<256x256xf32, #tpu.memory_space<vmem>>, vector<256x256xf32>
    %dot_general3A_117 = arith.constant dense<0.000000e+00> : vector<512x256xf32>
    %dot_general3A_118 = tpu.matmul %add3A_113, %get3A_116, %dot_general3A_117 {dimension_numbers = #tpu.dot_dimension_numbers<[1], [0], [0], [1], [0, 0, 1, 1], [], []>, transpose_lhs_hint = false} : vector<512x256xf32>, vector<256x256xf32>, vector<512x256xf32> -> vector<512x256xf32>
    %get3A_119 = arith.constant 0 : index
    %get3A_120 = arith.constant 0 : index
    %get3A_121 = vector.load %arg7[%get3A_119, %get3A_120] : memref<8x256xf32, #tpu.memory_space<vmem>>, vector<1x256xf32>
    %add3A_122 = vector.broadcast %get3A_121 : vector<1x256xf32> to vector<512x256xf32>
    %add3A_123 = arith.addf %dot_general3A_118, %add3A_122 : vector<512x256xf32>
    %mul3A = arith.mulf %add3A_123, %add3A_123 : vector<512x256xf32>
    %reduce_sum3A = arith.constant dense<0.000000e+00> : vector<512xf32>
    %reduce_sum3A_124 = vector.multi_reduction <add>, %mul3A, %reduce_sum3A [1] : vector<512x256xf32> to vector<512xf32>
    %broadcast_in_dim3A_125 = vector.shape_cast %reduce_sum3A_124 : vector<512xf32> to vector<512x1xf32>
    %sqrt3A = math.sqrt %broadcast_in_dim3A_125 : vector<512x1xf32>
    %add3A_126 = arith.constant 9.99999993E-9 : f32
    %add3A_127 = vector.broadcast %add3A_126 : f32 to vector<512x1xf32>
    %add3A_128 = arith.addf %sqrt3A, %add3A_127 : vector<512x1xf32>
    %div3A = vector.broadcast %add3A_128 : vector<512x1xf32> to vector<512x256xf32>
    %div3A_129 = arith.divf %add3A_123, %div3A : vector<512x256xf32>
    %get3A_130 = arith.constant 0 : index
    %get3A_131 = arith.constant 0 : index
    %get3A_132 = vector.load %arg8[%get3A_130, %get3A_131] : memref<256x16xf32, #tpu.memory_space<vmem>>, vector<256x16xf32>
    %dot_general3A_133 = arith.constant dense<0.000000e+00> : vector<512x16xf32>
    %dot_general3A_134 = tpu.matmul %add3A_113, %get3A_132, %dot_general3A_133 {dimension_numbers = #tpu.dot_dimension_numbers<[1], [0], [0], [1], [0, 0, 1, 1], [], []>, transpose_lhs_hint = false} : vector<512x256xf32>, vector<256x16xf32>, vector<512x16xf32> -> vector<512x16xf32>
    %slice3A = vector.extract_strided_slice %dot_general3A_134 {offsets = [0, 0], sizes = [512, 1], strides = [1, 1]} : vector<512x16xf32> to vector<512x1xf32>
    %get3A_135 = arith.constant 0 : index
    %get3A_136 = arith.constant 0 : index
    %get3A_137 = vector.load %arg9[%get3A_135, %get3A_136] : memref<8x16xf32, #tpu.memory_space<vmem>>, vector<1x1xf32>
    %add3A_138 = vector.broadcast %get3A_137 : vector<1x1xf32> to vector<512x1xf32>
    %add3A_139 = arith.addf %slice3A, %add3A_138 : vector<512x1xf32>
    %ne3A = arith.cmpf one, %add3A_139, %add3A_139 : vector<512x1xf32>
    %abs3A = math.absf %add3A_139 : vector<512x1xf32>
    %eq3A = arith.constant 0x7F800000 : f32
    %eq3A_140 = vector.broadcast %eq3A : f32 to vector<512x1xf32>
    %eq3A_141 = arith.cmpf oeq, %abs3A, %eq3A_140 : vector<512x1xf32>
    %or3A = arith.ori %ne3A, %eq3A_141 : vector<512x1xi1>
    %jit3A = arith.constant 0.000000e+00 : f32
    %broadcast_in_dim3A_142 = vector.broadcast %jit3A : f32 to vector<512x1xf32>
    %select_n3A = arith.select %or3A, %broadcast_in_dim3A_142, %add3A_139 : vector<512x1xi1>, vector<512x1xf32>
    %get3A_143 = arith.constant 0 : index
    %get3A_144 = arith.constant 0 : index
    %get3A_145 = vector.load %arg10[%get3A_143, %get3A_144] : memref<256x128xf32, #tpu.memory_space<vmem>>, vector<256x128xf32>
    %dot_general3A_146 = arith.constant dense<0.000000e+00> : vector<512x128xf32>
    %dot_general3A_147 = tpu.matmul %div3A_129, %get3A_145, %dot_general3A_146 {dimension_numbers = #tpu.dot_dimension_numbers<[1], [0], [0], [1], [0, 0, 1, 1], [], []>, transpose_lhs_hint = false} : vector<512x256xf32>, vector<256x128xf32>, vector<512x128xf32> -> vector<512x128xf32>
    %get3A_148 = arith.constant 0 : index
    %get3A_149 = arith.constant 0 : index
    %get3A_150 = vector.load %arg11[%get3A_148, %get3A_149] : memref<8x128xf32, #tpu.memory_space<vmem>>, vector<1x128xf32>
    %mul3A_151 = vector.broadcast %select_n3A : vector<512x1xf32> to vector<512x128xf32>
    %mul3A_152 = vector.broadcast %get3A_150 : vector<1x128xf32> to vector<512x128xf32>
    %mul3A_153 = arith.mulf %mul3A_151, %mul3A_152 : vector<512x128xf32>
    %add3A_154 = arith.addf %dot_general3A_147, %mul3A_153 : vector<512x128xf32>
    %get3A_155 = arith.constant 0 : index
    %get3A_156 = arith.constant 0 : index
    %get3A_157 = vector.load %arg12[%get3A_155, %get3A_156] : memref<8x128xf32, #tpu.memory_space<vmem>>, vector<1x128xf32>
    %add3A_158 = vector.broadcast %get3A_157 : vector<1x128xf32> to vector<512x128xf32>
    %add3A_159 = arith.addf %add3A_154, %add3A_158 : vector<512x128xf32>
    %swap3A = arith.constant 0 : index
    %swap3A_160 = arith.constant 0 : index
    %swap3A_161 = vector.load %arg13[%swap3A, %swap3A_160] : memref<512x128xf32, #tpu.memory_space<vmem>>, vector<512x128xf32>
    tpu.vector_store %arg13[%swap3A, %swap3A_160], %add3A_159 {strides = array<i32>} : memref<512x128xf32, #tpu.memory_space<vmem>>, vector<512x128xf32>,
    return
  }
  func.func @transform_0(%arg0: i32) -> (i32, i32) {
    %c0_i32 = arith.constant 0 : i32
    %c0_i32_0 = arith.constant 0 : i32
    return %arg0, %c0_i32 : i32, i32
  }
  func.func @transform_1(%arg0: i32) -> (i32, i32) {
    %c0_i32 = arith.constant 0 : i32
    %c0_i32_0 = arith.constant 0 : i32
    return %arg0, %c0_i32 : i32, i32
  }
  func.func @transform_2(%arg0: i32) -> (i32, i32, i32) {
    %c0_i32 = arith.constant 0 : i32
    %c0_i32_0 = arith.constant 0 : i32
    %c0_i32_1 = arith.constant 0 : i32
    return %arg0, %c0_i32, %c0_i32_0 : i32, i32, i32
  }
  func.func @transform_3(%arg0: i32) -> (i32, i32) {
    %c0_i32 = arith.constant 0 : i32
    %c0_i32_0 = arith.constant 0 : i32
    %c0_i32_1 = arith.constant 0 : i32
    return %c0_i32, %c0_i32_0 : i32, i32
  }
  func.func @transform_4(%arg0: i32) -> (i32, i32) {
    %c0_i32 = arith.constant 0 : i32
    %c0_i32_0 = arith.constant 0 : i32
    %c0_i32_1 = arith.constant 0 : i32
    return %c0_i32, %c0_i32_0 : i32, i32
  }
  func.func @transform_5(%arg0: i32) -> (i32, i32) {
    %c0_i32 = arith.constant 0 : i32
    %c0_i32_0 = arith.constant 0 : i32
    %c0_i32_1 = arith.constant 0 : i32
    return %c0_i32, %c0_i32_0 : i32, i32
  }
  func.func @transform_6(%arg0: i32) -> (i32, i32) {
    %c0_i32 = arith.constant 0 : i32
    %c0_i32_0 = arith.constant 0 : i32
    %c0_i32_1 = arith.constant 0 : i32
    return %c0_i32, %c0_i32_0 : i32, i32
  }
  func.func @transform_7(%arg0: i32) -> (i32, i32) {
    %c0_i32 = arith.constant 0 : i32
    %c0_i32_0 = arith.constant 0 : i32
    %c0_i32_1 = arith.constant 0 : i32
    return %c0_i32, %c0_i32_0 : i32, i32
  }
  func.func @transform_8(%arg0: i32) -> (i32, i32) {
    %c0_i32 = arith.constant 0 : i32
    %c0_i32_0 = arith.constant 0 : i32
    %c0_i32_1 = arith.constant 0 : i32
    return %c0_i32, %c0_i32_0 : i32, i32
  }
  func.func @transform_9(%arg0: i32) -> (i32, i32) {
    %c0_i32 = arith.constant 0 : i32
    %c0_i32_0 = arith.constant 0 : i32
    %c0_i32_1 = arith.constant 0 : i32
    return %c0_i32, %c0_i32_0 : i32, i32
  }
  func.func @transform_10(%arg0: i32) -> (i32, i32) {
    %c0_i32 = arith.constant 0 : i32
    %c0_i32_0 = arith.constant 0 : i32
    %c0_i32_1 = arith.constant 0 : i32
    return %c0_i32, %c0_i32_0 : i32, i32
  }
  func.func @transform_11(%arg0: i32) -> (i32, i32) {
    %c0_i32 = arith.constant 0 : i32
    %c0_i32_0 = arith.constant 0 : i32
    %c0_i32_1 = arith.constant 0 : i32
    return %c0_i32, %c0_i32_0 : i32, i32
  }
  func.func @transform_12(%arg0: i32) -> (i32, i32) {
    %c0_i32 = arith.constant 0 : i32
    %c0_i32_0 = arith.constant 0 : i32
    return %arg0, %c0_i32 : i32, i32
  }
}

module attributes {stable_mosaic.version = 14 : i64} {
  func.func @body(%arg0: i32, %arg1: memref<1000x128xf32, #tpu.memory_space<vmem>>, %arg2: memref<1000x128xf32, #tpu.memory_space<vmem>>, %arg3: memref<128x32xf32, #tpu.memory_space<vmem>>, %arg4: memref<8x32xf32, #tpu.memory_space<vmem>>, %arg5: memref<1000x32xf32, #tpu.memory_space<vmem>>) attributes {dimension_semantics = [#tpu.dimension_semantics<arbitrary>], iteration_bounds = array<i64: 10>, scalar_prefetch = 0 : i64, scratch_operands = 0 : i64, tpu.core_type = #tpu.core_type<tc>, window_params = [{transform_indices = @transform_0, window_bounds = array<i64: 1000, 128>}, {transform_indices = @transform_1, window_bounds = array<i64: 1000, 128>}, {pipeline_mode = #tpu.pipeline_mode<synchronous>, transform_indices = @transform_2, window_bounds = array<i64: 128, 32>}, {pipeline_mode = #tpu.pipeline_mode<synchronous>, transform_indices = @transform_3, window_bounds = array<i64: 8, 32>}, {transform_indices = @transform_4, window_bounds = array<i64: 1000, 32>}]} {
    %get3A = arith.constant 0 : index
    %get3A_0 = arith.constant 0 : index
    %get3A_1 = vector.load %arg1[%get3A, %get3A_0] : memref<1000x128xf32, #tpu.memory_space<vmem>>, vector<1000x32xf32>
    %get3A_2 = arith.constant 0 : index
    %get3A_3 = arith.constant 0 : index
    %get3A_4 = vector.load %arg2[%get3A_2, %get3A_3] : memref<1000x128xf32, #tpu.memory_space<vmem>>, vector<1000x128xf32>
    %get3A_5 = arith.constant 0 : index
    %get3A_6 = arith.constant 0 : index
    %get3A_7 = vector.load %arg3[%get3A_5, %get3A_6] : memref<128x32xf32, #tpu.memory_space<vmem>>, vector<128x32xf32>
    %dot_general3A = arith.constant dense<0.000000e+00> : vector<1000x32xf32>
    %dot_general3A_8 = tpu.matmul %get3A_4, %get3A_7, %dot_general3A {dimension_numbers = #tpu.dot_dimension_numbers<[1], [0], [0], [1], [0, 0, 1, 1], [], []>, transpose_lhs_hint = false} : vector<1000x128xf32>, vector<128x32xf32>, vector<1000x32xf32> -> vector<1000x32xf32>
    %add3A = arith.addf %get3A_1, %dot_general3A_8 : vector<1000x32xf32>
    %get3A_9 = arith.constant 0 : index
    %get3A_10 = arith.constant 0 : index
    %get3A_11 = vector.load %arg4[%get3A_9, %get3A_10] : memref<8x32xf32, #tpu.memory_space<vmem>>, vector<1x32xf32>
    %add3A_12 = vector.broadcast %get3A_11 : vector<1x32xf32> to vector<1000x32xf32>
    %add3A_13 = arith.addf %add3A, %add3A_12 : vector<1000x32xf32>
    %max3A = arith.constant 0.000000e+00 : f32
    %max3A_14 = vector.broadcast %max3A : f32 to vector<1000x32xf32>
    %max3A_15 = arith.maximumf %add3A_13, %max3A_14 : vector<1000x32xf32>
    %swap3A = arith.constant 0 : index
    %swap3A_16 = arith.constant 0 : index
    %swap3A_17 = vector.load %arg5[%swap3A, %swap3A_16] : memref<1000x32xf32, #tpu.memory_space<vmem>>, vector<1000x32xf32>
    tpu.vector_store %arg5[%swap3A, %swap3A_16], %max3A_15 {strides = array<i32>} : memref<1000x32xf32, #tpu.memory_space<vmem>>, vector<1000x32xf32>,
    return
  }
  func.func @transform_0(%arg0: i32) -> (i32, i32) {
    %c0_i32 = arith.constant 0 : i32
    %c0_i32_0 = arith.constant 0 : i32
    return %arg0, %c0_i32 : i32, i32
  }
  func.func @transform_1(%arg0: i32) -> (i32, i32) {
    %c0_i32 = arith.constant 0 : i32
    %c0_i32_0 = arith.constant 0 : i32
    return %arg0, %c0_i32 : i32, i32
  }
  func.func @transform_2(%arg0: i32) -> (i32, i32) {
    %c0_i32 = arith.constant 0 : i32
    %c0_i32_0 = arith.constant 0 : i32
    %c0_i32_1 = arith.constant 0 : i32
    return %c0_i32, %c0_i32_0 : i32, i32
  }
  func.func @transform_3(%arg0: i32) -> (i32, i32) {
    %c0_i32 = arith.constant 0 : i32
    %c0_i32_0 = arith.constant 0 : i32
    %c0_i32_1 = arith.constant 0 : i32
    return %c0_i32, %c0_i32_0 : i32, i32
  }
  func.func @transform_4(%arg0: i32) -> (i32, i32) {
    %c0_i32 = arith.constant 0 : i32
    %c0_i32_0 = arith.constant 0 : i32
    return %arg0, %c0_i32 : i32, i32
  }
}

</mosaic_0001>

<sc_bundles>
// kernel: kernel.11.cloned.1.call-start
scs
__scs_entry_jumppad:
0x0: {  	(pc) =	sbr.rel $0x88, $3  }
0x1: {  	(tag) =	ssettag $0x0;
	lr =	simm.s32 $0x1  }
0x2: {  	[smem:$0x3F8C] =	sst lr;
	_ =	strace $0xD0000000  }
0x3: {  	_ = 	snop  }
0x4: {  	_ = 	snop  }
0x5: {  	_ = 	snop  }
0x6: {  	_ = 	snop  }
0x7: {  	_ = 	snop  }
__scs_overlays_trampoline_lowered:
0x8: {  	[smem:$0x3F9B] =	sst s0  }
0x9: {  	[smem:$0x3F9C] =	sst s1  }
0xa: {  	[smem:$0x3F9D] =	sst s2  }
0xb: {  	[smem:$0x3F9E] =	sst s3  }
0xc: {  	[smem:$0x3F9F] =	sst s4  }
0xd: {  	[smem:$0x3FA0] =	sst s5  }
0xe: {  	[smem:$0x3FA1] =	sst s6  }
0xf: {  	[smem:$0x3FA2] =	sst s7  }
0x10: {  	[smem:$0x3FA3] =	sst s8  }
0x11: {  	[smem:$0x3FA4] =	sst s9;
	s0 =	simm.s32 @!p0 $0x0  }
0x12: {  	s1 =	sld [smem:$0x3F8A];
	s0 =	simm.s32 @p0 $0x1  }
0x13: {  	[smem:$0x3FA5] =	sst s0;
	s0 =	simm.s32 @!p1 $0x0  }
0x14: {  	s2 =	sld [smem:$0x3F89];
	s0 =	simm.s32 @p1 $0x1  }
0x15: {  	[smem:$0x3FA6] =	sst s0;
	s0 =	simm.s32 @!p2 $0x0  }
0x16: {  	s3 =	sld [smem:$0x3FDB];
	s0 =	simm.s32 @p2 $0x1  }
0x17: {  	s4 =	simm.s32 $0x1BF5;
	[smem:$0x3FA8] =	sst s0  }
0x18: {  	s0 =	sld [smem:$0x3F8B];
	_ =	swait.ge [sflag:s4], $0x0  }
0x19: {  	s7 =	sld [smem:$0x3F8C]  }
0x1a: {  	s8 =	sadd.s32 $0xFFFFE003, lr  }
0x1b: {  	s9 =	sadd.s32 $0xFFFFFEF7, lr;
	s5 =	simm.s32 $0xFFFFFFFF;
	p2 =	slt.u32 s8, $0xFFFFF086  }
0x1c: {  	p1 =	slt.u32 s9, $0xF7A;
	s5 =	simm.s32 @!p2 $0x0  }
0x1d: {  	s5 =	simm.s32 @p1 $0x1;
	p0 =	seq.s32 s7, s2  }
0x1e: {  	s7 =	smul.u32 @!p0 $0xF7A, s2;
	p2 =	seq.s32 @!p0 s5, $0x0  }
0x1f: {  	s9 =	smul.u32 $0xF7A, s1;
	s8 =	simm.s32 @!p0 $0x1BF5;
	p2 =	por !p2, p0  }
0x20: {  	[sflag:s8] =	ssyncset.s32 @!p0 $0xFFFFF086;
	s6 =	sadd.s32 @!p0 s3, s7;
	s7 =	simm.s32 @!p0 $0x108  }
0x21: {  	s3 =	sadd.s32 s3, s9;
	s6 =	sadd.s32 @!p0 $0x88, s6;
	s7 =	simm.s32 @p2 $0x1082  }
0x22: {  	[simem:s7], [sflag:s8] =	dma.local @!p0 [hbm:s6], $0xF7A  }
0x23: {  	s9 =	sor.u32 $0xD0000000, s2;
	s6 =	simm.s32 $0x108;
	_ =	swait.ge @!p0 [sflag:s8], $0x0  }
0x24: {  	s3 =	sadd.s32 $0x88, s3;
	s6 =	simm.s32 @!p1 $0x1082;
	[sflag:s4] =	ssyncset.s32 $0xFFFFF086  }
0x25: {  	[simem:s6], [sflag:s4] =	dma.local [hbm:s3], $0xF7A  }
0x26: {  	[smem:$0x3F8C] =	sst s1;
	(tag) =	ssettag s2;
	_ =	strace s9  }
0x27: {  	s1 =	sld [smem:$0x3F9C]  }
0x28: {  	s2 =	sld [smem:$0x3F9D]  }
0x29: {  	s4 =	sld [smem:$0x3F9F]  }
0x2a: {  	p0 =	seq.s32 s5, $0x0;
	s5 =	sld [smem:$0x3FA0]  }
0x2b: {  	s6 =	sld [smem:$0x3FA1]  }
0x2c: {  	s7 =	sld [smem:$0x3FA2]  }
0x2d: {  	s3 =	simm.s32 $0x108;
	s8 =	sld [smem:$0x3FA3]  }
0x2e: {  	s3 =	simm.s32 @!p0 $0x1082;
	s9 =	sld [smem:$0x3FA4]  }
0x2f: {  	lr =	sadd.s32 s0, s3;
	s0 =	sld [smem:$0x3F9B]  }
0x30: {  	s3 =	sld [smem:$0x3F9E]  }
0x31: {  	[smem:$0x3FA7] =	sst s10  }
0x32: {  	s10 =	sld [smem:$0x3FA5];
	_ =	sdelay $0x3  }
0x33: {  	p0 =	seq.s32 s10, $0x1;
	s10 =	sld [smem:$0x3FA7];
	_ =	sdelay $0x3  }
0x34: {  	[smem:$0x3FA7] =	sst s10  }
0x35: {  	s10 =	sld [smem:$0x3FA6];
	_ =	sdelay $0x3  }
0x36: {  	p1 =	seq.s32 s10, $0x1;
	s10 =	sld [smem:$0x3FA7];
	_ =	sdelay $0x3  }
0x37: {  	[smem:$0x3FA7] =	sst s10  }
0x38: {  	s10 =	sld [smem:$0x3FA8]  }
0x39: {  	_ = 	snop;
	(pc) =	sbr.ind lr, $3  }
0x3a: {  	_ = 	snop  }
0x3b: {  	_ = 	snop  }
0x3c: {  	p2 =	seq.s32 s10, $0x1;
	s10 =	sld [smem:$0x3FA7]  }
0x3d: {  	_ =	shalt  }
0x3e: {  	_ =	shalt  }
0x3f: {  	_ =	shalt  }
0x40: {  	_ =	shalt  }
0x41: {  	_ =	shalt  }
0x42: {  	_ =	shalt  }
0x43: {  	_ =	shalt  }
0x44: {  	_ =	shalt  }
0x45: {  	_ =	shalt  }
0x46: {  	_ =	shalt  }
0x47: {  	_ =	shalt  }
0x48: {  	_ =	shalt  }
0x49: {  	_ =	shalt  }
0x4a: {  	_ =	shalt  }
0x4b: {  	_ =	shalt  }
0x4c: {  	_ =	shalt  }
0x4d: {  	_ =	shalt  }
0x4e: {  	_ =	shalt  }
0x4f: {  	_ =	shalt  }
0x50: {  	_ =	shalt  }
0x51: {  	_ =	shalt  }
0x52: {  	_ =	shalt  }
0x53: {  	_ =	shalt  }
0x54: {  	_ =	shalt  }
0x55: {  	_ =	shalt  }
0x56: {  	_ =	shalt  }
0x57: {  	_ =	shalt  }
0x58: {  	_ =	shalt  }
0x59: {  	_ =	shalt  }
0x5a: {  	_ =	shalt  }
0x5b: {  	_ =	shalt  }
0x5c: {  	_ =	shalt  }
0x5d: {  	_ =	shalt  }
0x5e: {  	_ =	shalt  }
0x5f: {  	_ =	shalt  }
0x60: {  	_ =	shalt  }
0x61: {  	_ =	shalt  }
0x62: {  	_ =	shalt  }
0x63: {  	_ =	shalt  }
0x64: {  	_ =	shalt  }
0x65: {  	_ =	shalt  }
0x66: {  	_ =	shalt  }
0x67: {  	_ =	shalt  }
0x68: {  	_ =	shalt  }
0x69: {  	_ =	shalt  }
0x6a: {  	_ =	shalt  }
0x6b: {  	_ =	shalt  }
0x6c: {  	_ =	shalt  }
0x6d: {  	_ =	shalt  }
0x6e: {  	_ =	shalt  }
0x6f: {  	_ =	shalt  }
0x70: {  	_ =	shalt  }
0x71: {  	_ =	shalt  }
0x72: {  	_ =	shalt  }
0x73: {  	_ =	shalt  }
0x74: {  	_ =	shalt  }
0x75: {  	_ =	shalt  }
0x76: {  	_ =	shalt  }
0x77: {  	_ =	shalt  }
0x78: {  	_ =	shalt  }
0x79: {  	_ =	shalt  }
0x7a: {  	_ =	shalt  }
0x7b: {  	_ =	shalt  }
0x7c: {  	_ =	shalt  }
0x7d: {  	_ =	shalt  }
0x7e: {  	_ =	shalt  }
0x7f: {  	_ =	shalt  }
0x80: {  	_ =	shalt  }
0x81: {  	_ =	shalt  }
0x82: {  	_ =	shalt  }
0x83: {  	_ =	shalt  }
0x84: {  	_ =	shalt  }
0x85: {  	_ =	shalt  }
0x86: {  	_ =	shalt  }
0x87: {  	_ =	shalt  }
.Lfunc_end0:
.L_simem_size_0:
called_computation_lowered:
.L_overlay_start_0:
0x88: {  	s2 =	sld [smem:$0x3FD9]  }
0x89: {  	s3 =	sld [smem:$0x3FFE];
	_ =	sdelay $0x1  }
0x8a: {  	s1 =	srdreg.scid  }
0x8b: {  	s0 =	sand.u32 $0x1, s1  }
0x8c: {  	s17 =	sshll.u32 s0, $0xA;
	s2 =	sadd.s32 s3, s2  }
0x8d: {  	s2 =	sadd.s32 s2, s17  }
0x8e: {  	[smem:$0x3FB3] =	sst s2  }
0x8f: {  	_ = 	snop  }
0x90: {  	s2 =	sld [smem:$0x3FD0];
	(tm) =	ssettm $0x1  }
0x91: {  	s18 =	sld [smem:$0x3FFB];
	_ =	sdelay $0x3  }
0x92: {  	_ =	strace s18  }
0x93: {  	s3 =	sld [smem:$0x3FFC];
	_ =	sdelay $0x3  }
0x94: {  	_ =	strace s3  }
0x95: {  	s3 =	sld [smem:$0x3FFD];
	_ =	sdelay $0x3  }
0x96: {  	_ =	strace s3  }
0x97: {  	_ =	strace $0x8FFFFFFF  }
0x98: {  	s19 =	sld [smem:$0x3FDB];
	_ =	sdelay $0x1  }
0x99: {  	s4 =	simm.s32 $_scs_section_size  }
0x9a: {  	s5 =	simm.s32 $_size__tile_overlayer_lowered;
	s6 =	simm.s32 $_tile_overlayer_lowered  }
0x9b: {  	s22 =	simm.s32 $0x1BFF;
	s21 =	sshll.u32 s6, $0x1;
	s3 =	sadd.s32 s4, s19  }
0x9c: {  	s7 =	simm.s32 $0x0;
	s20 =	sshll.u32 s5, $0x1;
	s5 =	sadd.s32 s21, s3  }
0x9d: {  	[timem:s7], [sflag:s22] =	dma.local [hbm:s5], s20  }
0x9e: {  	_ =	swait.ge [sflag:s22], s20  }
0x9f: {  	s4 =	ssub.s32 $0x0, s20;
	[sflag:s22] =	ssyncset.done $0x0  }
0xa0: {  	[sflag:s22] =	ssyncadd.s32 s4;
	_ =	sdelay $0x1  }
0xa1: {  	s23 =	simm.s32 $0x1B8B  }
0xa2: {  	_ =	swait.ge [sflag:s23], $0x1  }
0xa3: {  	[sflag:s23] =	ssyncset.done $0x0  }
0xa4: {  	s25 =	simm.s32 $0x1B8E;
	s24 =	sld [smem:$0x3FFE];
	[sflag:s23] =	ssyncadd.s32 $0xFFFFFFFF  }
0xa5: {  	s26 =	simm.s32 $execute0_lowered;
	[smem:$0x3FD2] =	sst s25  }
0xa6: {  	s5 =	sshll.u32 s26, $0x1;
	_ =	strace $0x80000046;
	[dreg:$0x1] =	wrdreg $0xFFFFFFFF  }
0xa7: {  	s28 =	simm.s32 $_size_execute0_lowered;
	s3 =	sadd.s32 s3, s5;
	[dreg:$0x0] =	wrdreg $0x0  }
0xa8: {  	s5 =	sshll.u32 s28, $0x1;
	[dreg:$0x2] =	wrdreg s3  }
0xa9: {  	[dreg:$0x3] =	wrdreg s5  }
0xaa: {  	[dreg:$0x4] =	wrdreg $0xC0  }
0xab: {  	_ =	task [dreg:s7], $0x5FFFF  }
0xac: {  	[dreg:$0x1] =	wrdreg $0xFFFFFFFF  }
0xad: {  	[dreg:$0x0] =	wrdreg $0x60  }
0xae: {  	[dreg:$0x2] =	wrdreg s24  }
0xaf: {  	[dreg:$0x3] =	wrdreg s2  }
0xb0: {  	[dreg:$0x4] =	wrdreg $0xA  }
0xb1: {  	_ =	task.clear_ibuf [dreg:s7], $0x5FFFF;
	_ =	strace $0x90000046  }
0xb2: {  	s29 =	simm.s32 $0xA;
	_ =	strace $0x80000048  }
0xb3: {  	_ =	swait.ge [sflag:s29], $0x1  }
0xb4: {  	[sflag:s29] =	ssyncadd.s32 $0xFFFFFFFF  }
0xb5: {  	_ =	strace $0x90000048  }
0xb6: {  	_ =	sfence  }
0xb7: {  	s30 =	sld [smem:$0x0];
	_ =	sdelay $0x2  }
0xb8: {  	s31 =	sshll.u32 s1, $0xD;
	s1 =	sshrl.u32 s1, $0x2  }
0xb9: {  	s3 =	sand.u32 $0x4000, s31;
	s1 =	sadd.s32 s1, s30  }
0xba: {  	s0 =	sor.u32 s3, s0;
	s1 =	sshll.u32 s1, $0x11  }
0xbb: {  	s0 =	sor.u32 s1, s0  }
0xbc: {  	s0 =	sadd.s32 $0x8F2B, s0  }
0xbd: {  	[sflag:s0] =	ssyncadd.remote.s32 $0x1  }
0xbe: {  	_ =	sfence.sel $0xFFFF  }
0xbf: {  	[dreg:$0x0] =	wrdreg $0xFFFFFFFF;
	(pc) =	sbr.abs _section_cstart, $3  }
0xc0: {  	[dreg:$0x1] =	wrdreg $0xFFFFFFFF  }
0xc1: {  	_ =	task.clear_ibuf [dreg:s7], $0x2FFFF;
	_ =	strace $0x9FFFFFFF  }
0xc2: {  	(tm) =	ssettm $0x7FFFFFFF  }
0xc3: {  	_ =	shalt  }
tec
execute0_lowered:
.L_overlay_start_1:
0x0: {  	(tag) =	ssettag $0x1  }
0x1: {  	s4 =	rddreg [dreg:$0x0]  }
0x2: {  	s1 =	srdreg.scid;
	s0 =	stileid.u32  }
0x3: {  	s5 =	rddreg [dreg:$0x1];
	s2 =	simm.s32 $0x0;
	s11 =	simm.s32 $0x9C80  }
0x4: {  	s12 =	simm.s32 $0xC400;
	s13 =	simm.s32 $0xEB80;
	s14 =	simm.s32 $0x11300  }
0x5: {  	s15 =	simm.s32 $0x13A80;
	s3 =	sand.u32 $0x1, s1;
	s6 =	sshll.u32 s0, $0x1  }
0x6: {  	s16 =	simm.s32 $0x0;
	s1 =	rddreg [dreg:$0x2];
	s6 =	sor.u32 s3, s6  }
0x7: {  	[smem:$0x7FF] =	sst s2;
	s7 =	ssub.s32 $0x2, s3;
	s6 =	smul.u32 $0x4E2, s6  }
0x8: {  	_ =	strace $0x80000047;
	s3 =	sadd.s32 $0x3E00, s4;
	s8 =	sshrl.u32 s7, $0x1  }
0x9: {  	s10 =	ssub.s32 s7, s8;
	s9 =	sadd.s32 s6, s4;
	s4 =	sadd.s32 s5, s6  }
0xa: {  	s5 =	sadd.s32 $0x5200, s9;
	s6 =	sadd.s32 $0xF000, s9;
	s7 =	sadd.s32 $0x18E00, s9  }
0xb: {  	s8 =	sadd.s32 $0x22C00, s9;
	s9 =	smax.u32 s10, $0x1;
	s10 =	simm.s32 $0x1  }
.LBB2_1:
0xc: {  	[tilespmem:s2], [sflag:$0x1] =	stream.linear.gather [hbm4b:s3+s2], $0x9C80, $0x38;
	[tilespmem:$0x16200] =	vst v63  }
0xd: {  	_ =	swait.ge [sflag:s10], $0x9C80  }
0xe: {  	[sflag:s10] =	ssyncset.done $0x0  }
0xf: {  	[sflag:s10] =	ssyncadd.s32 $0xFFFF6380  }
0x10: {  	[tilespmem:s11], [sflag:$0x1] =	stream.linear.gather [hbm4b:s4+s2], $0x2710, $0x38;
	[tilespmem:$0x16200] =	vst v63  }
0x11: {  	_ =	swait.ge [sflag:s10], $0x2710  }
0x12: {  	[sflag:s10] =	ssyncset.done $0x0  }
0x13: {  	s17 =	simm.s32 $0x0;
	[sflag:s10] =	ssyncadd.s32 $0xFFFFD8F0  }
0x14: {  	v1 =	vld [tilespmem:s17+$0x9C80];
	_ =	sdelay $0x7  }
0x15: {  	v0 =	vld.idx.msk [tilespmem:v1+s2+$0x0], $0xffff  }
0x16: {  	v2 =	vadd.s32 $0x2710, v1;
	_ =	sdelay $0x3  }
0x17: {  	[tilespmem:s17+$0xC400] =	vst v0  }
0x18: {  	v0 =	vld.idx.msk [tilespmem:v2+s2+$0x0], $0xffff  }
0x19: {  	v2 =	vadd.s32 $0x4E20, v1;
	_ =	sdelay $0x3  }
0x1a: {  	[tilespmem:s17+$0xEB80] =	vst v0  }
0x1b: {  	v0 =	vld.idx.msk [tilespmem:v2+s2+$0x0], $0xffff  }
0x1c: {  	v1 =	vadd.s32 $0x7530, v1;
	_ =	sdelay $0x2  }
0x1d: {  	s19 =	simm.s32 $0x10;
	s18 =	simm.s32 $0x80  }
.LBB2_2:
0x1e: {  	p0 =	sne.s32 s18, $0x9C00;
	v2 =	vld [tilespmem:s19+$0x9C80];
	[tilespmem:s17+$0x11300] =	vst v0  }
0x1f: {  	v0 =	vld.idx.msk [tilespmem:v1+s2+$0x0], $0xffff;
	_ =	sdelay $0x5  }
0x20: {  	[tilespmem:s17+$0x13A80] =	vst v0;
	s17 =	smov.u32 s19  }
0x21: {  	v0 =	vld.idx.msk [tilespmem:v2+s2+$0x0], $0xffff;
	_ =	sdelay $0x1  }
0x22: {  	v1 =	vadd.s32 $0x2710, v2;
	_ =	sdelay $0x3  }
0x23: {  	[tilespmem:s17+$0xC400] =	vst v0  }
0x24: {  	v0 =	vld.idx.msk [tilespmem:v1+s2+$0x0], $0xffff;
	_ =	sdelay $0x1  }
0x25: {  	v1 =	vadd.s32 $0x4E20, v2;
	_ =	sdelay $0x3  }
0x26: {  	[tilespmem:s17+$0xEB80] =	vst v0  }
0x27: {  	v0 =	vld.idx.msk [tilespmem:v1+s2+$0x0], $0xffff  }
.Ltmp0:
0x28: {  	(pc) =	sbr.rel @p0 .LBB2_2-.Ltmp0, $2  }
0x29: {  	v1 =	vadd.s32 $0x7530, v2;
	_ =	sdelay $0x2  }
0x2a: {  	s19 =	sshra.s32 s18, $0x2;
	s18 =	sadd.s32 $0x40, s18  }
0x2b: {  	_ =	sdelay $0x1  }
0x2c: {  	v2 =	vld [tilespmem:s19+$0x9C80]  }
0x2d: {  	[tilespmem:s17+$0x11300] =	vst v0  }
0x2e: {  	v0 =	vld.idx.msk [tilespmem:v1+s2+$0x0], $0xffff;
	_ =	sdelay $0x4  }
0x2f: {  	[tilespmem:s17+$0x13A80] =	vst v0  }
0x30: {  	v0 =	vld.idx.msk [tilespmem:v2+s2+$0x0], $0xffff  }
0x31: {  	v61 =	vadd.s32 $0x2710, v2;
	_ =	sdelay $0x3  }
0x32: {  	[tilespmem:s19+$0xC400] =	vst v0  }
0x33: {  	v0 =	vld.idx.msk [tilespmem:v61+s2+$0x0], $0xffff  }
0x34: {  	v62 =	vadd.s32 $0x4E20, v2;
	_ =	sdelay $0x3  }
0x35: {  	[tilespmem:s19+$0xEB80] =	vst v0  }
0x36: {  	v0 =	vld.idx.msk [tilespmem:v62+s2+$0x0], $0xffff  }
0x37: {  	v63 =	vadd.s32 $0x7530, v2;
	_ =	sdelay $0x3  }
0x38: {  	[tilespmem:s19+$0x11300] =	vst v0  }
0x39: {  	v0 =	vld.idx.msk [tilespmem:v63+s2+$0x0], $0xffff;
	_ =	sdelay $0x4  }
0x3a: {  	[tilespmem:s19+$0x13A80] =	vst v0  }
0x3b: {  	[hbm4b:s5+s2] =	stream.linear.scatter [tilespmem:s12], [sflag:$0x1], $0x2710, $0x38;
	[tilespmem:$0x16200] =	vst v63  }
0x3c: {  	_ =	swait.ge [sflag:s10], $0x2710  }
0x3d: {  	[sflag:s10] =	ssyncset.done $0x0  }
0x3e: {  	[sflag:s10] =	ssyncadd.s32 $0xFFFFD8F0  }
0x3f: {  	[hbm4b:s6+s2] =	stream.linear.scatter [tilespmem:s13], [sflag:$0x1], $0x2710, $0x38;
	[tilespmem:$0x16200] =	vst v63  }
0x40: {  	_ =	swait.ge [sflag:s10], $0x2710  }
0x41: {  	[sflag:s10] =	ssyncset.done $0x0  }
0x42: {  	[sflag:s10] =	ssyncadd.s32 $0xFFFFD8F0  }
0x43: {  	[hbm4b:s7+s2] =	stream.linear.scatter [tilespmem:s14], [sflag:$0x1], $0x2710, $0x38;
	[tilespmem:$0x16200] =	vst v63  }
0x44: {  	s16 =	sadd.s32 $0x1, s16;
	_ =	swait.ge [sflag:s10], $0x2710  }
0x45: {  	p0 =	sne.s32 s16, s9;
	[sflag:s10] =	ssyncset.done $0x0  }
.Ltmp1:
0x46: {  	[sflag:s10] =	ssyncadd.s32 $0xFFFFD8F0;
	(pc) =	sbr.rel @p0 .LBB2_1-.Ltmp1, $4  }
0x47: {  	[hbm4b:s8+s2] =	stream.linear.scatter [tilespmem:s15], [sflag:$0x1], $0x2710, $0x38;
	[tilespmem:$0x16200] =	vst v63  }
0x48: {  	_ =	swait.ge [sflag:s10], $0x2710  }
0x49: {  	[sflag:s10] =	ssyncset.done $0x0  }
0x4a: {  	[sflag:s10] =	ssyncadd.s32 $0xFFFFD8F0  }
0x4b: {  	_ =	sfence.sel $0x180000  }
0x4c: {  	[bflag:$0x0] =	sbarrier.arrive $0xFFFF  }
0x4d: {  	p0 =	sne.s32 s0, $0x0;
	_ =	strace $0x90000047  }
0x4e: {  	s0 =	sadd.s32 @!p0 $0x100000, s1;
	[bflag:$0x2] =	sbarrier.arrive $0xFFFF  }
0x4f: {  	[sflag:s0] =	ssyncadd.tile.s32 @!p0 $0x1;
	_ =	shalt  }
.Lfunc_end2:
_tile_overlayer_lowered:
.L_overlay_start_2:
0x50: {  	(tag) =	ssettag $0x2  }
0x51: {  	s0 =	rddreg [dreg:$0x0];
	s2 =	stileid.u32  }
0x52: {  	s1 =	rddreg [dreg:$0x1];
	p0 =	sne.s32 s2, $0x0  }
0x53: {  	s3 =	rddreg [dreg:$0x2];
	[bflag:$0x3] =	sbarrier.arrive $0xFFFF;
	s2 =	simm.s32 @!p0 $0x1C01  }
0x54: {  	[timem:s3], [sflag:s2] =	dma.local @!p0 [hbm:s0], s1  }
0x55: {  	s0 =	simm.s32 @!p0 $0x1  }
0x56: {  	_ =	swait.ge @!p0 [sflag:s0], s1  }
0x57: {  	s1 =	ssub.s32 @!p0 $0x0, s1;
	[sflag:s0] =	ssyncset.done @!p0 $0x0  }
0x58: {  	[sflag:s0] =	ssyncadd.s32 @!p0 s1  }
0x59: {  	[bflag:$0x3] =	sbarrier.arrive $0xFFFF  }
0x5a: {  	_ =	shalt  }

// kernel: kernel.14.cloned.1.call-start
scs
__scs_entry_jumppad:
0x0: {  	(pc) =	sbr.rel $0x88, $3  }
0x1: {  	(tag) =	ssettag $0x0;
	lr =	simm.s32 $0x1  }
0x2: {  	[smem:$0x3F8C] =	sst lr;
	_ =	strace $0xD0000000  }
0x3: {  	_ = 	snop  }
0x4: {  	_ = 	snop  }
0x5: {  	_ = 	snop  }
0x6: {  	_ = 	snop  }
0x7: {  	_ = 	snop  }
__scs_overlays_trampoline_lowered:
0x8: {  	[smem:$0x3F9B] =	sst s0  }
0x9: {  	[smem:$0x3F9C] =	sst s1  }
0xa: {  	[smem:$0x3F9D] =	sst s2  }
0xb: {  	[smem:$0x3F9E] =	sst s3  }
0xc: {  	[smem:$0x3F9F] =	sst s4  }
0xd: {  	[smem:$0x3FA0] =	sst s5  }
0xe: {  	[smem:$0x3FA1] =	sst s6  }
0xf: {  	[smem:$0x3FA2] =	sst s7  }
0x10: {  	[smem:$0x3FA3] =	sst s8  }
0x11: {  	[smem:$0x3FA4] =	sst s9;
	s0 =	simm.s32 @!p0 $0x0  }
0x12: {  	s1 =	sld [smem:$0x3F8A];
	s0 =	simm.s32 @p0 $0x1  }
0x13: {  	[smem:$0x3FA5] =	sst s0;
	s0 =	simm.s32 @!p1 $0x0  }
0x14: {  	s2 =	sld [smem:$0x3F89];
	s0 =	simm.s32 @p1 $0x1  }
0x15: {  	[smem:$0x3FA6] =	sst s0;
	s0 =	simm.s32 @!p2 $0x0  }
0x16: {  	s3 =	sld [smem:$0x3FDB];
	s0 =	simm.s32 @p2 $0x1  }
0x17: {  	s4 =	simm.s32 $0x1BF5;
	[smem:$0x3FA8] =	sst s0  }
0x18: {  	s0 =	sld [smem:$0x3F8B];
	_ =	swait.ge [sflag:s4], $0x0  }
0x19: {  	s7 =	sld [smem:$0x3F8C]  }
0x1a: {  	s8 =	sadd.s32 $0xFFFFE003, lr  }
0x1b: {  	s9 =	sadd.s32 $0xFFFFFEF7, lr;
	s5 =	simm.s32 $0xFFFFFFFF;
	p2 =	slt.u32 s8, $0xFFFFF086  }
0x1c: {  	p1 =	slt.u32 s9, $0xF7A;
	s5 =	simm.s32 @!p2 $0x0  }
0x1d: {  	s5 =	simm.s32 @p1 $0x1;
	p0 =	seq.s32 s7, s2  }
0x1e: {  	s7 =	smul.u32 @!p0 $0xF7A, s2;
	p2 =	seq.s32 @!p0 s5, $0x0  }
0x1f: {  	s9 =	smul.u32 $0xF7A, s1;
	s8 =	simm.s32 @!p0 $0x1BF5;
	p2 =	por !p2, p0  }
0x20: {  	[sflag:s8] =	ssyncset.s32 @!p0 $0xFFFFF086;
	s6 =	sadd.s32 @!p0 s3, s7;
	s7 =	simm.s32 @!p0 $0x108  }
0x21: {  	s3 =	sadd.s32 s3, s9;
	s6 =	sadd.s32 @!p0 $0x88, s6;
	s7 =	simm.s32 @p2 $0x1082  }
0x22: {  	[simem:s7], [sflag:s8] =	dma.local @!p0 [hbm:s6], $0xF7A  }
0x23: {  	s9 =	sor.u32 $0xD0000000, s2;
	s6 =	simm.s32 $0x108;
	_ =	swait.ge @!p0 [sflag:s8], $0x0  }
0x24: {  	s3 =	sadd.s32 $0x88, s3;
	s6 =	simm.s32 @!p1 $0x1082;
	[sflag:s4] =	ssyncset.s32 $0xFFFFF086  }
0x25: {  	[simem:s6], [sflag:s4] =	dma.local [hbm:s3], $0xF7A  }
0x26: {  	[smem:$0x3F8C] =	sst s1;
	(tag) =	ssettag s2;
	_ =	strace s9  }
0x27: {  	s1 =	sld [smem:$0x3F9C]  }
0x28: {  	s2 =	sld [smem:$0x3F9D]  }
0x29: {  	s4 =	sld [smem:$0x3F9F]  }
0x2a: {  	p0 =	seq.s32 s5, $0x0;
	s5 =	sld [smem:$0x3FA0]  }
0x2b: {  	s6 =	sld [smem:$0x3FA1]  }
0x2c: {  	s7 =	sld [smem:$0x3FA2]  }
0x2d: {  	s3 =	simm.s32 $0x108;
	s8 =	sld [smem:$0x3FA3]  }
0x2e: {  	s3 =	simm.s32 @!p0 $0x1082;
	s9 =	sld [smem:$0x3FA4]  }
0x2f: {  	lr =	sadd.s32 s0, s3;
	s0 =	sld [smem:$0x3F9B]  }
0x30: {  	s3 =	sld [smem:$0x3F9E]  }
0x31: {  	[smem:$0x3FA7] =	sst s10  }
0x32: {  	s10 =	sld [smem:$0x3FA5];
	_ =	sdelay $0x3  }
0x33: {  	p0 =	seq.s32 s10, $0x1;
	s10 =	sld [smem:$0x3FA7];
	_ =	sdelay $0x3  }
0x34: {  	[smem:$0x3FA7] =	sst s10  }
0x35: {  	s10 =	sld [smem:$0x3FA6];
	_ =	sdelay $0x3  }
0x36: {  	p1 =	seq.s32 s10, $0x1;
	s10 =	sld [smem:$0x3FA7];
	_ =	sdelay $0x3  }
0x37: {  	[smem:$0x3FA7] =	sst s10  }
0x38: {  	s10 =	sld [smem:$0x3FA8]  }
0x39: {  	_ = 	snop;
	(pc) =	sbr.ind lr, $3  }
0x3a: {  	_ = 	snop  }
0x3b: {  	_ = 	snop  }
0x3c: {  	p2 =	seq.s32 s10, $0x1;
	s10 =	sld [smem:$0x3FA7]  }
0x3d: {  	_ =	shalt  }
0x3e: {  	_ =	shalt  }
0x3f: {  	_ =	shalt  }
0x40: {  	_ =	shalt  }
0x41: {  	_ =	shalt  }
0x42: {  	_ =	shalt  }
0x43: {  	_ =	shalt  }
0x44: {  	_ =	shalt  }
0x45: {  	_ =	shalt  }
0x46: {  	_ =	shalt  }
0x47: {  	_ =	shalt  }
0x48: {  	_ =	shalt  }
0x49: {  	_ =	shalt  }
0x4a: {  	_ =	shalt  }
0x4b: {  	_ =	shalt  }
0x4c: {  	_ =	shalt  }
0x4d: {  	_ =	shalt  }
0x4e: {  	_ =	shalt  }
0x4f: {  	_ =	shalt  }
0x50: {  	_ =	shalt  }
0x51: {  	_ =	shalt  }
0x52: {  	_ =	shalt  }
0x53: {  	_ =	shalt  }
0x54: {  	_ =	shalt  }
0x55: {  	_ =	shalt  }
0x56: {  	_ =	shalt  }
0x57: {  	_ =	shalt  }
0x58: {  	_ =	shalt  }
0x59: {  	_ =	shalt  }
0x5a: {  	_ =	shalt  }
0x5b: {  	_ =	shalt  }
0x5c: {  	_ =	shalt  }
0x5d: {  	_ =	shalt  }
0x5e: {  	_ =	shalt  }
0x5f: {  	_ =	shalt  }
0x60: {  	_ =	shalt  }
0x61: {  	_ =	shalt  }
0x62: {  	_ =	shalt  }
0x63: {  	_ =	shalt  }
0x64: {  	_ =	shalt  }
0x65: {  	_ =	shalt  }
0x66: {  	_ =	shalt  }
0x67: {  	_ =	shalt  }
0x68: {  	_ =	shalt  }
0x69: {  	_ =	shalt  }
0x6a: {  	_ =	shalt  }
0x6b: {  	_ =	shalt  }
0x6c: {  	_ =	shalt  }
0x6d: {  	_ =	shalt  }
0x6e: {  	_ =	shalt  }
0x6f: {  	_ =	shalt  }
0x70: {  	_ =	shalt  }
0x71: {  	_ =	shalt  }
0x72: {  	_ =	shalt  }
0x73: {  	_ =	shalt  }
0x74: {  	_ =	shalt  }
0x75: {  	_ =	shalt  }
0x76: {  	_ =	shalt  }
0x77: {  	_ =	shalt  }
0x78: {  	_ =	shalt  }
0x79: {  	_ =	shalt  }
0x7a: {  	_ =	shalt  }
0x7b: {  	_ =	shalt  }
0x7c: {  	_ =	shalt  }
0x7d: {  	_ =	shalt  }
0x7e: {  	_ =	shalt  }
0x7f: {  	_ =	shalt  }
0x80: {  	_ =	shalt  }
0x81: {  	_ =	shalt  }
0x82: {  	_ =	shalt  }
0x83: {  	_ =	shalt  }
0x84: {  	_ =	shalt  }
0x85: {  	_ =	shalt  }
0x86: {  	_ =	shalt  }
0x87: {  	_ =	shalt  }
.Lfunc_end0:
.L_simem_size_0:
called_computation.1_lowered:
.L_overlay_start_0:
0x88: {  	s2 =	sld [smem:$0x3FD9]  }
0x89: {  	s3 =	sld [smem:$0x3FFE];
	_ =	sdelay $0x1  }
0x8a: {  	s1 =	srdreg.scid  }
0x8b: {  	s0 =	sand.u32 $0x1, s1  }
0x8c: {  	s17 =	sshll.u32 s0, $0xA;
	s2 =	sadd.s32 s3, s2  }
0x8d: {  	s2 =	sadd.s32 s2, s17  }
0x8e: {  	[smem:$0x3FB3] =	sst s2  }
0x8f: {  	_ = 	snop  }
0x90: {  	(tm) =	ssettm $0x1  }
0x91: {  	s18 =	sld [smem:$0x3FFB];
	_ =	sdelay $0x3  }
0x92: {  	_ =	strace s18  }
0x93: {  	s2 =	sld [smem:$0x3FFC];
	_ =	sdelay $0x3  }
0x94: {  	_ =	strace s2  }
0x95: {  	s2 =	sld [smem:$0x3FFD];
	_ =	sdelay $0x3  }
0x96: {  	_ =	strace s2  }
0x97: {  	_ =	strace $0x8FFFFFFF  }
0x98: {  	s19 =	sld [smem:$0x3FDB];
	_ =	sdelay $0x1  }
0x99: {  	s20 =	simm.s32 $_scs_section_size  }
0x9a: {  	s4 =	simm.s32 $_size__tile_overlayer_lowered;
	s5 =	simm.s32 $_tile_overlayer_lowered  }
0x9b: {  	s6 =	simm.s32 $0x1BFF;
	s21 =	sshll.u32 s5, $0x1;
	s3 =	sadd.s32 s20, s19  }
0x9c: {  	s22 =	simm.s32 $0x0;
	s4 =	sshll.u32 s4, $0x1;
	s5 =	sadd.s32 s21, s3  }
0x9d: {  	[timem:s22], [sflag:s6] =	dma.local [hbm:s5], s4  }
0x9e: {  	_ =	swait.ge [sflag:s6], s4  }
0x9f: {  	s4 =	ssub.s32 $0x0, s4;
	[sflag:s6] =	ssyncset.done $0x0  }
0xa0: {  	[sflag:s6] =	ssyncadd.s32 s4;
	_ =	sdelay $0x1  }
0xa1: {  	s23 =	simm.s32 $0x1B8B  }
0xa2: {  	_ =	swait.ge [sflag:s23], $0x1  }
0xa3: {  	[sflag:s23] =	ssyncset.done $0x0  }
0xa4: {  	[sflag:s23] =	ssyncadd.s32 $0xFFFFFFFF  }
0xa5: {  	s4 =	sld [smem:$0x0]  }
0xa6: {  	s5 =	sand.u32 $0xFFFFFFFE, s1  }
0xa7: {  	p0 =	sne.s32 s1, s5  }
0xa8: {  	s5 =	sshll.u32 @p0 s5, $0xE  }
0xa9: {  	s5 =	sadd.s32 @p0 $0x11B8D, s5;
	s6 =	sshll.u32 @p0 s4, $0x11  }
0xaa: {  	s5 =	sor.u32 @p0 s6, s5  }
0xab: {  	[sflag:s5] =	ssyncadd.remote.s32 @p0 $0x1;
	_ =	sdelay $0x1  }
0xac: {  	s5 =	simm.s32 @p0 $0x1B8D  }
0xad: {  	_ =	swait.eq @p0 [sflag:s5], $0x1  }
0xae: {  	[sflag:s5] =	ssyncadd.s32 @p0 $0xFFFFFFFF  }
0xaf: {  	s6 =	sshll.u32 @!p0 s1, $0xE  }
0xb0: {  	s6 =	sor.u32 @!p0 $0x4000, s6;
	s5 =	simm.s32 @!p0 $0x1B8D  }
0xb1: {  	s4 =	sshll.u32 @!p0 s4, $0x11;
	s6 =	sadd.s32 @!p0 $0x11B8D, s6;
	_ =	swait.eq @!p0 [sflag:s5], $0x1  }
0xb2: {  	s4 =	sor.u32 @!p0 s4, s6;
	[sflag:s5] =	ssyncadd.s32 @!p0 $0xFFFFFFFF  }
0xb3: {  	s25 =	simm.s32 $0x1B8E;
	s24 =	sld [smem:$0x3FFE];
	[sflag:s4] =	ssyncadd.remote.s32 @!p0 $0x1  }
0xb4: {  	s26 =	simm.s32 $execute0_lowered;
	[smem:$0x3FD2] =	sst s25  }
0xb5: {  	s5 =	sshll.u32 s26, $0x1;
	_ =	strace $0x8000004C;
	[dreg:$0x1] =	wrdreg $0xFFFFFFFF  }
0xb6: {  	s28 =	simm.s32 $_size_execute0_lowered;
	s3 =	sadd.s32 s3, s5;
	[dreg:$0x0] =	wrdreg $0x0  }
0xb7: {  	s5 =	sshll.u32 s28, $0x1;
	[dreg:$0x2] =	wrdreg s3  }
0xb8: {  	[dreg:$0x3] =	wrdreg s5  }
0xb9: {  	[dreg:$0x4] =	wrdreg $0xC0  }
0xba: {  	_ =	task [dreg:s22], $0x5FFFF  }
0xbb: {  	[dreg:$0x1] =	wrdreg $0xFFFFFFFF  }
0xbc: {  	[dreg:$0x0] =	wrdreg $0x60  }
0xbd: {  	[dreg:$0x2] =	wrdreg s24  }
0xbe: {  	[dreg:$0x3] =	wrdreg $0xA  }
0xbf: {  	_ =	task.clear_ibuf [dreg:s22], $0x4FFFF;
	_ =	strace $0x9000004C  }
0xc0: {  	s29 =	simm.s32 $0xA;
	_ =	strace $0x8000004E  }
0xc1: {  	_ =	swait.ge [sflag:s29], $0x1  }
0xc2: {  	[sflag:s29] =	ssyncadd.s32 $0xFFFFFFFF  }
0xc3: {  	_ =	strace $0x9000004E  }
0xc4: {  	_ =	sfence  }
0xc5: {  	s30 =	sld [smem:$0x0];
	_ =	sdelay $0x2  }
0xc6: {  	s31 =	sshll.u32 s1, $0xD;
	s1 =	sshrl.u32 s1, $0x2  }
0xc7: {  	s4 =	sand.u32 $0x4000, s31;
	s1 =	sadd.s32 s1, s30  }
0xc8: {  	s0 =	sor.u32 s4, s0;
	s1 =	sshll.u32 s1, $0x11  }
0xc9: {  	s0 =	sor.u32 s1, s0  }
0xca: {  	s0 =	sadd.s32 $0x8F2B, s0  }
0xcb: {  	[sflag:s0] =	ssyncadd.remote.s32 $0x1  }
0xcc: {  	_ =	sfence.sel $0xFFFF  }
0xcd: {  	[dreg:$0x0] =	wrdreg $0xFFFFFFFF;
	(pc) =	sbr.abs _section_cstart, $3  }
0xce: {  	[dreg:$0x1] =	wrdreg $0xFFFFFFFF  }
0xcf: {  	_ =	task.clear_ibuf [dreg:s22], $0x2FFFF;
	_ =	strace $0x9FFFFFFF  }
0xd0: {  	(tm) =	ssettm $0x7FFFFFFF  }
0xd1: {  	_ =	shalt  }
tec
execute0_lowered:
.L_overlay_start_1:
0x0: {  	(tag) =	ssettag $0x1  }
0x1: {  	s1 =	srdreg.scid;
	s0 =	stileid.u32  }
0x2: {  	s14 =	sand.u32 $0x1, s1;
	s28 =	sshll.u32 s0, $0x1  }
0x3: {  	s8 =	sor.u32 s14, s28  }
0x4: {  	s9 =	rddreg [dreg:$0x0];
	s13 =	smul.u32 $0xA00, s8  }
0x5: {  	s2 =	simm.s32 $0x0;
	s1 =	rddreg [dreg:$0x1]  }
0x6: {  	[smem:$0x7FF] =	sst s2;
	s15 =	sadd.s32 $0x2CA00, s9;
	s3 =	sshrl.u32 s13, $0x3  }
0x7: {  	_ =	strace $0x8000004D;
	s4 =	sadd.s32 s15, s3;
	s3 =	simm.s32 $0x2  }
0x8: {  	[tilespmem:s2], [sflag:$0x2] =	stream.linear.gather [hbm4b:s4+s2], $0x280, $0x38;
	[tilespmem:$0x14280] =	vst v63  }
0x9: {  	_ =	swait.ge [sflag:s3], $0x280  }
0xa: {  	s6 =	simm.s32 $0x280;
	[sflag:s3] =	ssyncset.done $0x0  }
0xb: {  	s7 =	simm.s32 $0x1;
	s5 =	sadd.s32 $0x5200, s9;
	[sflag:s3] =	ssyncadd.s32 $0xFFFFFD80  }
0xc: {  	[tilespmem:s6], [sflag:$0x1] =	stream.indirect.gather [hbm4b:s5+s6], $0x80, s2, s6, $0xb8;
	[tilespmem:$0x14280] =	vst v63  }
0xd: {  	s8 =	smul.u32 $0xA000, s8;
	_ =	swait.ge [sflag:s7], $0x14000  }
0xe: {  	s16 =	sadd.s32 $0x39200, s9;
	[sflag:s7] =	ssyncset.done $0x0  }
0xf: {  	s8 =	sadd.s32 s16, s8;
	[sflag:s7] =	ssyncadd.s32 $0xFFFEC000  }
0x10: {  	[hbm4b:s8+s2] =	stream.linear.scatter [tilespmem:s6], [sflag:$0x2], $0x14000, $0x38;
	[tilespmem:$0x14280] =	vst v63  }
0x11: {  	s10 =	sadd.s32 $0x280, s13;
	_ =	swait.ge [sflag:s3], $0x14000  }
0x12: {  	s29 =	sshrl.u32 s10, $0x3;
	[sflag:s3] =	ssyncset.done $0x0  }
0x13: {  	s9 =	sadd.s32 s15, s29;
	[sflag:s3] =	ssyncadd.s32 $0xFFFEC000  }
0x14: {  	[tilespmem:s2], [sflag:$0x2] =	stream.linear.gather [hbm4b:s9+s2], $0x280, $0x38;
	[tilespmem:$0x14280] =	vst v63  }
0x15: {  	_ =	swait.ge [sflag:s3], $0x280  }
0x16: {  	[sflag:s3] =	ssyncset.done $0x0  }
0x17: {  	[sflag:s3] =	ssyncadd.s32 $0xFFFFFD80  }
0x18: {  	[tilespmem:s6], [sflag:$0x1] =	stream.indirect.gather [hbm4b:s5+s6], $0x80, s2, s6, $0xb8;
	[tilespmem:$0x14280] =	vst v63  }
0x19: {  	_ =	swait.ge [sflag:s7], $0x14000  }
0x1a: {  	s10 =	sshll.u32 s10, $0x4;
	[sflag:s7] =	ssyncset.done $0x0  }
0x1b: {  	s10 =	sadd.s32 s16, s10;
	[sflag:s7] =	ssyncadd.s32 $0xFFFEC000  }
0x1c: {  	[hbm4b:s10+s2] =	stream.linear.scatter [tilespmem:s6], [sflag:$0x2], $0x14000, $0x38;
	[tilespmem:$0x14280] =	vst v63  }
0x1d: {  	s12 =	sadd.s32 $0x500, s13;
	_ =	swait.ge [sflag:s3], $0x14000  }
0x1e: {  	s11 =	sshrl.u32 s12, $0x3;
	[sflag:s3] =	ssyncset.done $0x0  }
0x1f: {  	s11 =	sadd.s32 s15, s11;
	[sflag:s3] =	ssyncadd.s32 $0xFFFEC000  }
0x20: {  	[tilespmem:s2], [sflag:$0x2] =	stream.linear.gather [hbm4b:s11+s2], $0x280, $0x38;
	[tilespmem:$0x14280] =	vst v63  }
0x21: {  	_ =	swait.ge [sflag:s3], $0x280  }
0x22: {  	[sflag:s3] =	ssyncset.done $0x0  }
0x23: {  	[sflag:s3] =	ssyncadd.s32 $0xFFFFFD80  }
0x24: {  	[tilespmem:s6], [sflag:$0x1] =	stream.indirect.gather [hbm4b:s5+s6], $0x80, s2, s6, $0xb8;
	[tilespmem:$0x14280] =	vst v63  }
0x25: {  	_ =	swait.ge [sflag:s7], $0x14000  }
0x26: {  	s12 =	sshll.u32 s12, $0x4;
	[sflag:s7] =	ssyncset.done $0x0  }
0x27: {  	s12 =	sadd.s32 s16, s12;
	[sflag:s7] =	ssyncadd.s32 $0xFFFEC000  }
0x28: {  	[hbm4b:s12+s2] =	stream.linear.scatter [tilespmem:s6], [sflag:$0x2], $0x14000, $0x38;
	[tilespmem:$0x14280] =	vst v63  }
0x29: {  	s17 =	sadd.s32 $0x780, s13;
	_ =	swait.ge [sflag:s3], $0x14000  }
0x2a: {  	s13 =	sshrl.u32 s17, $0x3;
	[sflag:s3] =	ssyncset.done $0x0  }
0x2b: {  	s14 =	ssub.s32 $0x2, s14;
	s13 =	sadd.s32 s15, s13;
	[sflag:s3] =	ssyncadd.s32 $0xFFFEC000  }
0x2c: {  	[tilespmem:s2], [sflag:$0x2] =	stream.linear.gather [hbm4b:s13+s2], $0x280, $0x38;
	[tilespmem:$0x14280] =	vst v63  }
0x2d: {  	s30 =	sshrl.u32 s14, $0x1;
	_ =	swait.ge [sflag:s3], $0x280  }
0x2e: {  	s15 =	ssub.s32 s14, s30;
	[sflag:s3] =	ssyncset.done $0x0  }
0x2f: {  	s15 =	smax.u32 s15, $0x1;
	[sflag:s3] =	ssyncadd.s32 $0xFFFFFD80  }
0x30: {  	[tilespmem:s6], [sflag:$0x1] =	stream.indirect.gather [hbm4b:s5+s6], $0x80, s2, s6, $0xb8;
	[tilespmem:$0x14280] =	vst v63  }
0x31: {  	p0 =	sne.s32 s15, $0x1;
	_ =	swait.ge [sflag:s7], $0x14000  }
.Ltmp0:
0x32: {  	s31 =	sshll.u32 s17, $0x4;
	[sflag:s7] =	ssyncset.done $0x0;
	(pc) =	sbr.rel @!p0 .LBB2_2-.Ltmp0, $4  }
0x33: {  	s14 =	sadd.s32 s16, s31;
	[sflag:s7] =	ssyncadd.s32 $0xFFFEC000  }
0x34: {  	[hbm4b:s14+s2] =	stream.linear.scatter [tilespmem:s6], [sflag:$0x2], $0x14000, $0x38;
	[tilespmem:$0x14280] =	vst v63  }
0x35: {  	_ =	swait.ge [sflag:s3], $0x14000  }
0x36: {  	s15 =	sadd.s32 $0xFFFFFFFF, s15;
	[sflag:s3] =	ssyncset.done $0x0  }
.LBB2_1:
0x37: {  	p0 =	sne.s32 s15, $0x1;
	s15 =	sadd.s32 $0xFFFFFFFF, s15;
	[sflag:s3] =	ssyncadd.s32 $0xFFFEC000  }
0x38: {  	[tilespmem:s2], [sflag:$0x2] =	stream.linear.gather [hbm4b:s4+s2], $0x280, $0x38;
	[tilespmem:$0x14280] =	vst v63  }
0x39: {  	_ =	swait.ge [sflag:s3], $0x280  }
0x3a: {  	[sflag:s3] =	ssyncset.done $0x0  }
0x3b: {  	[sflag:s3] =	ssyncadd.s32 $0xFFFFFD80  }
0x3c: {  	[tilespmem:s6], [sflag:$0x1] =	stream.indirect.gather [hbm4b:s5+s6], $0x80, s2, s6, $0xb8;
	[tilespmem:$0x14280] =	vst v63  }
0x3d: {  	_ =	swait.ge [sflag:s7], $0x14000  }
0x3e: {  	[sflag:s7] =	ssyncset.done $0x0  }
0x3f: {  	[sflag:s7] =	ssyncadd.s32 $0xFFFEC000  }
0x40: {  	[hbm4b:s8+s2] =	stream.linear.scatter [tilespmem:s6], [sflag:$0x2], $0x14000, $0x38;
	[tilespmem:$0x14280] =	vst v63  }
0x41: {  	_ =	swait.ge [sflag:s3], $0x14000  }
0x42: {  	[sflag:s3] =	ssyncset.done $0x0  }
0x43: {  	[sflag:s3] =	ssyncadd.s32 $0xFFFEC000  }
0x44: {  	[tilespmem:s2], [sflag:$0x2] =	stream.linear.gather [hbm4b:s9+s2], $0x280, $0x38;
	[tilespmem:$0x14280] =	vst v63  }
0x45: {  	_ =	swait.ge [sflag:s3], $0x280  }
0x46: {  	[sflag:s3] =	ssyncset.done $0x0  }
0x47: {  	[sflag:s3] =	ssyncadd.s32 $0xFFFFFD80  }
0x48: {  	[tilespmem:s6], [sflag:$0x1] =	stream.indirect.gather [hbm4b:s5+s6], $0x80, s2, s6, $0xb8;
	[tilespmem:$0x14280] =	vst v63  }
0x49: {  	_ =	swait.ge [sflag:s7], $0x14000  }
0x4a: {  	[sflag:s7] =	ssyncset.done $0x0  }
0x4b: {  	[sflag:s7] =	ssyncadd.s32 $0xFFFEC000  }
0x4c: {  	[hbm4b:s10+s2] =	stream.linear.scatter [tilespmem:s6], [sflag:$0x2], $0x14000, $0x38;
	[tilespmem:$0x14280] =	vst v63  }
0x4d: {  	_ =	swait.ge [sflag:s3], $0x14000  }
0x4e: {  	[sflag:s3] =	ssyncset.done $0x0  }
0x4f: {  	[sflag:s3] =	ssyncadd.s32 $0xFFFEC000  }
0x50: {  	[tilespmem:s2], [sflag:$0x2] =	stream.linear.gather [hbm4b:s11+s2], $0x280, $0x38;
	[tilespmem:$0x14280] =	vst v63  }
0x51: {  	_ =	swait.ge [sflag:s3], $0x280  }
0x52: {  	[sflag:s3] =	ssyncset.done $0x0  }
0x53: {  	[sflag:s3] =	ssyncadd.s32 $0xFFFFFD80  }
0x54: {  	[tilespmem:s6], [sflag:$0x1] =	stream.indirect.gather [hbm4b:s5+s6], $0x80, s2, s6, $0xb8;
	[tilespmem:$0x14280] =	vst v63  }
0x55: {  	_ =	swait.ge [sflag:s7], $0x14000  }
0x56: {  	[sflag:s7] =	ssyncset.done $0x0  }
0x57: {  	[sflag:s7] =	ssyncadd.s32 $0xFFFEC000  }
0x58: {  	[hbm4b:s12+s2] =	stream.linear.scatter [tilespmem:s6], [sflag:$0x2], $0x14000, $0x38;
	[tilespmem:$0x14280] =	vst v63  }
0x59: {  	_ =	swait.ge [sflag:s3], $0x14000  }
0x5a: {  	[sflag:s3] =	ssyncset.done $0x0  }
0x5b: {  	[sflag:s3] =	ssyncadd.s32 $0xFFFEC000  }
0x5c: {  	[tilespmem:s2], [sflag:$0x2] =	stream.linear.gather [hbm4b:s13+s2], $0x280, $0x38;
	[tilespmem:$0x14280] =	vst v63  }
0x5d: {  	_ =	swait.ge [sflag:s3], $0x280  }
0x5e: {  	[sflag:s3] =	ssyncset.done $0x0  }
0x5f: {  	[sflag:s3] =	ssyncadd.s32 $0xFFFFFD80  }
0x60: {  	[tilespmem:s6], [sflag:$0x1] =	stream.indirect.gather [hbm4b:s5+s6], $0x80, s2, s6, $0xb8;
	[tilespmem:$0x14280] =	vst v63  }
0x61: {  	_ =	swait.ge [sflag:s7], $0x14000  }
.Ltmp1:
0x62: {  	[sflag:s7] =	ssyncset.done $0x0;
	(pc) =	sbr.rel @p0 .LBB2_1-.Ltmp1, $4  }
0x63: {  	[sflag:s7] =	ssyncadd.s32 $0xFFFEC000  }
0x64: {  	[hbm4b:s14+s2] =	stream.linear.scatter [tilespmem:s6], [sflag:$0x2], $0x14000, $0x38;
	[tilespmem:$0x14280] =	vst v63  }
0x65: {  	_ =	swait.ge [sflag:s3], $0x14000  }
0x66: {  	[sflag:s3] =	ssyncset.done $0x0  }
.LBB2_2:
0x67: {  	[sflag:s3] =	ssyncadd.s32 $0xFFFEC000  }
0x68: {  	_ =	sfence.sel $0x180000  }
0x69: {  	[bflag:$0x0] =	sbarrier.arrive $0xFFFF  }
0x6a: {  	p0 =	sne.s32 s0, $0x0;
	_ =	strace $0x9000004D  }
0x6b: {  	s0 =	sadd.s32 @!p0 $0x100000, s1;
	[bflag:$0x2] =	sbarrier.arrive $0xFFFF  }
0x6c: {  	[sflag:s0] =	ssyncadd.tile.s32 @!p0 $0x1;
	_ =	shalt  }
.Lfunc_end2:
_tile_overlayer_lowered:
.L_overlay_start_2:
0x6d: {  	(tag) =	ssettag $0x2  }
0x6e: {  	s0 =	rddreg [dreg:$0x0];
	s2 =	stileid.u32  }
0x6f: {  	s1 =	rddreg [dreg:$0x1];
	p0 =	sne.s32 s2, $0x0  }
0x70: {  	s3 =	rddreg [dreg:$0x2];
	[bflag:$0x3] =	sbarrier.arrive $0xFFFF;
	s2 =	simm.s32 @!p0 $0x1C02  }
0x71: {  	[timem:s3], [sflag:s2] =	dma.local @!p0 [hbm:s0], s1  }
0x72: {  	s0 =	simm.s32 @!p0 $0x2  }
0x73: {  	_ =	swait.ge @!p0 [sflag:s0], s1  }
0x74: {  	s1 =	ssub.s32 @!p0 $0x0, s1;
	[sflag:s0] =	ssyncset.done @!p0 $0x0  }
0x75: {  	[sflag:s0] =	ssyncadd.s32 @!p0 s1  }
0x76: {  	[bflag:$0x3] =	sbarrier.arrive $0xFFFF  }
0x77: {  	_ =	shalt  }

// kernel: kernel.17.cloned.1.call-start
scs
__scs_entry_jumppad:
0x0: {  	(pc) =	sbr.rel $0x88, $3  }
0x1: {  	(tag) =	ssettag $0x0;
	lr =	simm.s32 $0x1  }
0x2: {  	[smem:$0x3F8C] =	sst lr;
	_ =	strace $0xD0000000  }
0x3: {  	_ = 	snop  }
0x4: {  	_ = 	snop  }
0x5: {  	_ = 	snop  }
0x6: {  	_ = 	snop  }
0x7: {  	_ = 	snop  }
__scs_overlays_trampoline_lowered:
0x8: {  	[smem:$0x3F9B] =	sst s0  }
0x9: {  	[smem:$0x3F9C] =	sst s1  }
0xa: {  	[smem:$0x3F9D] =	sst s2  }
0xb: {  	[smem:$0x3F9E] =	sst s3  }
0xc: {  	[smem:$0x3F9F] =	sst s4  }
0xd: {  	[smem:$0x3FA0] =	sst s5  }
0xe: {  	[smem:$0x3FA1] =	sst s6  }
0xf: {  	[smem:$0x3FA2] =	sst s7  }
0x10: {  	[smem:$0x3FA3] =	sst s8  }
0x11: {  	[smem:$0x3FA4] =	sst s9;
	s0 =	simm.s32 @!p0 $0x0  }
0x12: {  	s1 =	sld [smem:$0x3F8A];
	s0 =	simm.s32 @p0 $0x1  }
0x13: {  	[smem:$0x3FA5] =	sst s0;
	s0 =	simm.s32 @!p1 $0x0  }
0x14: {  	s2 =	sld [smem:$0x3F89];
	s0 =	simm.s32 @p1 $0x1  }
0x15: {  	[smem:$0x3FA6] =	sst s0;
	s0 =	simm.s32 @!p2 $0x0  }
0x16: {  	s3 =	sld [smem:$0x3FDB];
	s0 =	simm.s32 @p2 $0x1  }
0x17: {  	s4 =	simm.s32 $0x1BF5;
	[smem:$0x3FA8] =	sst s0  }
0x18: {  	s0 =	sld [smem:$0x3F8B];
	_ =	swait.ge [sflag:s4], $0x0  }
0x19: {  	s7 =	sld [smem:$0x3F8C]  }
0x1a: {  	s8 =	sadd.s32 $0xFFFFE003, lr  }
0x1b: {  	s9 =	sadd.s32 $0xFFFFFEF7, lr;
	s5 =	simm.s32 $0xFFFFFFFF;
	p2 =	slt.u32 s8, $0xFFFFF086  }
0x1c: {  	p1 =	slt.u32 s9, $0xF7A;
	s5 =	simm.s32 @!p2 $0x0  }
0x1d: {  	s5 =	simm.s32 @p1 $0x1;
	p0 =	seq.s32 s7, s2  }
0x1e: {  	s7 =	smul.u32 @!p0 $0xF7A, s2;
	p2 =	seq.s32 @!p0 s5, $0x0  }
0x1f: {  	s9 =	smul.u32 $0xF7A, s1;
	s8 =	simm.s32 @!p0 $0x1BF5;
	p2 =	por !p2, p0  }
0x20: {  	[sflag:s8] =	ssyncset.s32 @!p0 $0xFFFFF086;
	s6 =	sadd.s32 @!p0 s3, s7;
	s7 =	simm.s32 @!p0 $0x108  }
0x21: {  	s3 =	sadd.s32 s3, s9;
	s6 =	sadd.s32 @!p0 $0x88, s6;
	s7 =	simm.s32 @p2 $0x1082  }
0x22: {  	[simem:s7], [sflag:s8] =	dma.local @!p0 [hbm:s6], $0xF7A  }
0x23: {  	s9 =	sor.u32 $0xD0000000, s2;
	s6 =	simm.s32 $0x108;
	_ =	swait.ge @!p0 [sflag:s8], $0x0  }
0x24: {  	s3 =	sadd.s32 $0x88, s3;
	s6 =	simm.s32 @!p1 $0x1082;
	[sflag:s4] =	ssyncset.s32 $0xFFFFF086  }
0x25: {  	[simem:s6], [sflag:s4] =	dma.local [hbm:s3], $0xF7A  }
0x26: {  	[smem:$0x3F8C] =	sst s1;
	(tag) =	ssettag s2;
	_ =	strace s9  }
0x27: {  	s1 =	sld [smem:$0x3F9C]  }
0x28: {  	s2 =	sld [smem:$0x3F9D]  }
0x29: {  	s4 =	sld [smem:$0x3F9F]  }
0x2a: {  	p0 =	seq.s32 s5, $0x0;
	s5 =	sld [smem:$0x3FA0]  }
0x2b: {  	s6 =	sld [smem:$0x3FA1]  }
0x2c: {  	s7 =	sld [smem:$0x3FA2]  }
0x2d: {  	s3 =	simm.s32 $0x108;
	s8 =	sld [smem:$0x3FA3]  }
0x2e: {  	s3 =	simm.s32 @!p0 $0x1082;
	s9 =	sld [smem:$0x3FA4]  }
0x2f: {  	lr =	sadd.s32 s0, s3;
	s0 =	sld [smem:$0x3F9B]  }
0x30: {  	s3 =	sld [smem:$0x3F9E]  }
0x31: {  	[smem:$0x3FA7] =	sst s10  }
0x32: {  	s10 =	sld [smem:$0x3FA5];
	_ =	sdelay $0x3  }
0x33: {  	p0 =	seq.s32 s10, $0x1;
	s10 =	sld [smem:$0x3FA7];
	_ =	sdelay $0x3  }
0x34: {  	[smem:$0x3FA7] =	sst s10  }
0x35: {  	s10 =	sld [smem:$0x3FA6];
	_ =	sdelay $0x3  }
0x36: {  	p1 =	seq.s32 s10, $0x1;
	s10 =	sld [smem:$0x3FA7];
	_ =	sdelay $0x3  }
0x37: {  	[smem:$0x3FA7] =	sst s10  }
0x38: {  	s10 =	sld [smem:$0x3FA8]  }
0x39: {  	_ = 	snop;
	(pc) =	sbr.ind lr, $3  }
0x3a: {  	_ = 	snop  }
0x3b: {  	_ = 	snop  }
0x3c: {  	p2 =	seq.s32 s10, $0x1;
	s10 =	sld [smem:$0x3FA7]  }
0x3d: {  	_ =	shalt  }
0x3e: {  	_ =	shalt  }
0x3f: {  	_ =	shalt  }
0x40: {  	_ =	shalt  }
0x41: {  	_ =	shalt  }
0x42: {  	_ =	shalt  }
0x43: {  	_ =	shalt  }
0x44: {  	_ =	shalt  }
0x45: {  	_ =	shalt  }
0x46: {  	_ =	shalt  }
0x47: {  	_ =	shalt  }
0x48: {  	_ =	shalt  }
0x49: {  	_ =	shalt  }
0x4a: {  	_ =	shalt  }
0x4b: {  	_ =	shalt  }
0x4c: {  	_ =	shalt  }
0x4d: {  	_ =	shalt  }
0x4e: {  	_ =	shalt  }
0x4f: {  	_ =	shalt  }
0x50: {  	_ =	shalt  }
0x51: {  	_ =	shalt  }
0x52: {  	_ =	shalt  }
0x53: {  	_ =	shalt  }
0x54: {  	_ =	shalt  }
0x55: {  	_ =	shalt  }
0x56: {  	_ =	shalt  }
0x57: {  	_ =	shalt  }
0x58: {  	_ =	shalt  }
0x59: {  	_ =	shalt  }
0x5a: {  	_ =	shalt  }
0x5b: {  	_ =	shalt  }
0x5c: {  	_ =	shalt  }
0x5d: {  	_ =	shalt  }
0x5e: {  	_ =	shalt  }
0x5f: {  	_ =	shalt  }
0x60: {  	_ =	shalt  }
0x61: {  	_ =	shalt  }
0x62: {  	_ =	shalt  }
0x63: {  	_ =	shalt  }
0x64: {  	_ =	shalt  }
0x65: {  	_ =	shalt  }
0x66: {  	_ =	shalt  }
0x67: {  	_ =	shalt  }
0x68: {  	_ =	shalt  }
0x69: {  	_ =	shalt  }
0x6a: {  	_ =	shalt  }
0x6b: {  	_ =	shalt  }
0x6c: {  	_ =	shalt  }
0x6d: {  	_ =	shalt  }
0x6e: {  	_ =	shalt  }
0x6f: {  	_ =	shalt  }
0x70: {  	_ =	shalt  }
0x71: {  	_ =	shalt  }
0x72: {  	_ =	shalt  }
0x73: {  	_ =	shalt  }
0x74: {  	_ =	shalt  }
0x75: {  	_ =	shalt  }
0x76: {  	_ =	shalt  }
0x77: {  	_ =	shalt  }
0x78: {  	_ =	shalt  }
0x79: {  	_ =	shalt  }
0x7a: {  	_ =	shalt  }
0x7b: {  	_ =	shalt  }
0x7c: {  	_ =	shalt  }
0x7d: {  	_ =	shalt  }
0x7e: {  	_ =	shalt  }
0x7f: {  	_ =	shalt  }
0x80: {  	_ =	shalt  }
0x81: {  	_ =	shalt  }
0x82: {  	_ =	shalt  }
0x83: {  	_ =	shalt  }
0x84: {  	_ =	shalt  }
0x85: {  	_ =	shalt  }
0x86: {  	_ =	shalt  }
0x87: {  	_ =	shalt  }
.Lfunc_end0:
.L_simem_size_0:
called_computation.2_lowered:
.L_overlay_start_0:
0x88: {  	s2 =	sld [smem:$0x3FD9]  }
0x89: {  	s3 =	sld [smem:$0x3FFE];
	_ =	sdelay $0x1  }
0x8a: {  	s1 =	srdreg.scid  }
0x8b: {  	s0 =	sand.u32 $0x1, s1  }
0x8c: {  	s17 =	sshll.u32 s0, $0xA;
	s2 =	sadd.s32 s3, s2  }
0x8d: {  	s2 =	sadd.s32 s2, s17  }
0x8e: {  	[smem:$0x3FB3] =	sst s2  }
0x8f: {  	_ = 	snop  }
0x90: {  	(tm) =	ssettm $0x1  }
0x91: {  	s18 =	sld [smem:$0x3FFB];
	_ =	sdelay $0x3  }
0x92: {  	_ =	strace s18  }
0x93: {  	s2 =	sld [smem:$0x3FFC];
	_ =	sdelay $0x3  }
0x94: {  	_ =	strace s2  }
0x95: {  	s2 =	sld [smem:$0x3FFD];
	_ =	sdelay $0x3  }
0x96: {  	_ =	strace s2  }
0x97: {  	_ =	strace $0x8FFFFFFF  }
0x98: {  	s19 =	sld [smem:$0x3FDB];
	_ =	sdelay $0x1  }
0x99: {  	s20 =	simm.s32 $_scs_section_size  }
0x9a: {  	s4 =	simm.s32 $_size__tile_overlayer_lowered;
	s5 =	simm.s32 $_tile_overlayer_lowered  }
0x9b: {  	s6 =	simm.s32 $0x1BFF;
	s21 =	sshll.u32 s5, $0x1;
	s3 =	sadd.s32 s20, s19  }
0x9c: {  	s22 =	simm.s32 $0x0;
	s4 =	sshll.u32 s4, $0x1;
	s5 =	sadd.s32 s21, s3  }
0x9d: {  	[timem:s22], [sflag:s6] =	dma.local [hbm:s5], s4  }
0x9e: {  	_ =	swait.ge [sflag:s6], s4  }
0x9f: {  	s4 =	ssub.s32 $0x0, s4;
	[sflag:s6] =	ssyncset.done $0x0  }
0xa0: {  	[sflag:s6] =	ssyncadd.s32 s4;
	_ =	sdelay $0x1  }
0xa1: {  	s23 =	simm.s32 $0x1B8B  }
0xa2: {  	_ =	swait.ge [sflag:s23], $0x1  }
0xa3: {  	[sflag:s23] =	ssyncset.done $0x0  }
0xa4: {  	[sflag:s23] =	ssyncadd.s32 $0xFFFFFFFF  }
0xa5: {  	s4 =	sld [smem:$0x0]  }
0xa6: {  	s5 =	sand.u32 $0xFFFFFFFE, s1  }
0xa7: {  	p0 =	sne.s32 s1, s5  }
0xa8: {  	s5 =	sshll.u32 @p0 s5, $0xE  }
0xa9: {  	s5 =	sadd.s32 @p0 $0x11B8D, s5;
	s6 =	sshll.u32 @p0 s4, $0x11  }
0xaa: {  	s5 =	sor.u32 @p0 s6, s5  }
0xab: {  	[sflag:s5] =	ssyncadd.remote.s32 @p0 $0x1;
	_ =	sdelay $0x1  }
0xac: {  	s5 =	simm.s32 @p0 $0x1B8D  }
0xad: {  	_ =	swait.eq @p0 [sflag:s5], $0x1  }
0xae: {  	[sflag:s5] =	ssyncadd.s32 @p0 $0xFFFFFFFF  }
0xaf: {  	s6 =	sshll.u32 @!p0 s1, $0xE  }
0xb0: {  	s6 =	sor.u32 @!p0 $0x4000, s6;
	s5 =	simm.s32 @!p0 $0x1B8D  }
0xb1: {  	s4 =	sshll.u32 @!p0 s4, $0x11;
	s6 =	sadd.s32 @!p0 $0x11B8D, s6;
	_ =	swait.eq @!p0 [sflag:s5], $0x1  }
0xb2: {  	s4 =	sor.u32 @!p0 s4, s6;
	[sflag:s5] =	ssyncadd.s32 @!p0 $0xFFFFFFFF  }
0xb3: {  	s25 =	simm.s32 $0x1B8E;
	s24 =	sld [smem:$0x3FFE];
	[sflag:s4] =	ssyncadd.remote.s32 @!p0 $0x1  }
0xb4: {  	s26 =	simm.s32 $execute0_lowered;
	[smem:$0x3FD2] =	sst s25  }
0xb5: {  	s5 =	sshll.u32 s26, $0x1;
	_ =	strace $0x80000049;
	[dreg:$0x1] =	wrdreg $0xFFFFFFFF  }
0xb6: {  	s28 =	simm.s32 $_size_execute0_lowered;
	s3 =	sadd.s32 s3, s5;
	[dreg:$0x0] =	wrdreg $0x0  }
0xb7: {  	s5 =	sshll.u32 s28, $0x1;
	[dreg:$0x2] =	wrdreg s3  }
0xb8: {  	[dreg:$0x3] =	wrdreg s5  }
0xb9: {  	[dreg:$0x4] =	wrdreg $0xC0  }
0xba: {  	_ =	task [dreg:s22], $0x5FFFF  }
0xbb: {  	[dreg:$0x1] =	wrdreg $0xFFFFFFFF  }
0xbc: {  	[dreg:$0x0] =	wrdreg $0x60  }
0xbd: {  	[dreg:$0x2] =	wrdreg s24  }
0xbe: {  	[dreg:$0x3] =	wrdreg $0x9  }
0xbf: {  	_ =	task.clear_ibuf [dreg:s22], $0x4FFFF;
	_ =	strace $0x90000049  }
0xc0: {  	s29 =	simm.s32 $0x9;
	_ =	strace $0x8000004B  }
0xc1: {  	_ =	swait.ge [sflag:s29], $0x1  }
0xc2: {  	[sflag:s29] =	ssyncadd.s32 $0xFFFFFFFF  }
0xc3: {  	_ =	strace $0x9000004B  }
0xc4: {  	_ =	sfence  }
0xc5: {  	s30 =	sld [smem:$0x0];
	_ =	sdelay $0x2  }
0xc6: {  	s31 =	sshll.u32 s1, $0xD;
	s1 =	sshrl.u32 s1, $0x2  }
0xc7: {  	s4 =	sand.u32 $0x4000, s31;
	s1 =	sadd.s32 s1, s30  }
0xc8: {  	s0 =	sor.u32 s4, s0;
	s1 =	sshll.u32 s1, $0x11  }
0xc9: {  	s0 =	sor.u32 s1, s0  }
0xca: {  	s0 =	sadd.s32 $0x8F2B, s0  }
0xcb: {  	[sflag:s0] =	ssyncadd.remote.s32 $0x1  }
0xcc: {  	_ =	sfence.sel $0xFFFF  }
0xcd: {  	[dreg:$0x0] =	wrdreg $0xFFFFFFFF;
	(pc) =	sbr.abs _section_cstart, $3  }
0xce: {  	[dreg:$0x1] =	wrdreg $0xFFFFFFFF  }
0xcf: {  	_ =	task.clear_ibuf [dreg:s22], $0x2FFFF;
	_ =	strace $0x9FFFFFFF  }
0xd0: {  	(tm) =	ssettm $0x7FFFFFFF  }
0xd1: {  	_ =	shalt  }
tec
execute0_lowered:
.L_overlay_start_1:
0x0: {  	(tag) =	ssettag $0x1  }
0x1: {  	s1 =	srdreg.scid;
	s0 =	stileid.u32  }
0x2: {  	s4 =	rddreg [dreg:$0x0];
	s2 =	simm.s32 $0x0;
	s10 =	simm.s32 $0x1  }
0x3: {  	s11 =	simm.s32 $0x9C80;
	s12 =	simm.s32 $0xA680;
	s13 =	simm.s32 $0xB080  }
0x4: {  	s14 =	simm.s32 $0xBA80;
	s3 =	sand.u32 $0x1, s1;
	s30 =	sshll.u32 s0, $0x1  }
0x5: {  	s15 =	simm.s32 $0xC480;
	s16 =	simm.s32 $0x0;
	s5 =	sor.u32 s3, s30  }
0x6: {  	[smem:$0x7FF] =	sst s2;
	s6 =	ssub.s32 $0x2, s3;
	s5 =	smul.u32 $0x140, s5  }
0x7: {  	s1 =	rddreg [dreg:$0x1];
	_ =	strace $0x8000004A;
	s31 =	sshrl.u32 s6, $0x1  }
0x8: {  	s3 =	sadd.s32 $0x3E00, s4;
	s9 =	ssub.s32 s6, s31;
	s8 =	sadd.s32 s5, s4  }
0x9: {  	s9 =	smax.u32 s9, $0x1;
	s4 =	sadd.s32 $0x2CA00, s8;
	s5 =	sadd.s32 $0x31A00, s8  }
0xa: {  	s6 =	sadd.s32 $0x34200, s8;
	s7 =	sadd.s32 $0x36A00, s8;
	s8 =	sadd.s32 $0x2F200, s8  }
.LBB2_1:
0xb: {  	[tilespmem:s2], [sflag:$0x1] =	stream.linear.gather [hbm4b:s3+s2], $0x9C80, $0x38;
	[tilespmem:$0xCE80] =	vst v63  }
0xc: {  	_ =	swait.ge [sflag:s10], $0x9C80  }
0xd: {  	[sflag:s10] =	ssyncset.done $0x0  }
0xe: {  	[sflag:s10] =	ssyncadd.s32 $0xFFFF6380  }
0xf: {  	[tilespmem:s11], [sflag:$0x1] =	stream.linear.gather [hbm4b:s4+s2], $0xA00, $0x38;
	[tilespmem:$0xCE80] =	vst v63  }
0x10: {  	_ =	swait.ge [sflag:s10], $0xA00  }
0x11: {  	[sflag:s10] =	ssyncset.done $0x0  }
0x12: {  	s17 =	simm.s32 $0x0;
	[sflag:s10] =	ssyncadd.s32 $0xFFFFF600  }
0x13: {  	v1 =	vld [tilespmem:s17+$0x9C80];
	_ =	sdelay $0x7  }
0x14: {  	v0 =	vld.idx.msk [tilespmem:v1+s2+$0x0], $0xffff  }
0x15: {  	v2 =	vadd.s32 $0x2710, v1;
	_ =	sdelay $0x3  }
0x16: {  	[tilespmem:s17+$0xA680] =	vst v0  }
0x17: {  	v0 =	vld.idx.msk [tilespmem:v2+s2+$0x0], $0xffff  }
0x18: {  	v2 =	vadd.s32 $0x4E20, v1;
	_ =	sdelay $0x3  }
0x19: {  	[tilespmem:s17+$0xB080] =	vst v0  }
0x1a: {  	v0 =	vld.idx.msk [tilespmem:v2+s2+$0x0], $0xffff  }
0x1b: {  	v1 =	vadd.s32 $0x7530, v1;
	_ =	sdelay $0x2  }
0x1c: {  	s19 =	simm.s32 $0x10;
	s18 =	simm.s32 $0x80  }
.LBB2_2:
0x1d: {  	p0 =	sne.s32 s18, $0x27C0;
	v2 =	vld [tilespmem:s19+$0x9C80];
	[tilespmem:s17+$0xBA80] =	vst v0  }
0x1e: {  	v0 =	vld.idx.msk [tilespmem:v1+s2+$0x0], $0xffff;
	_ =	sdelay $0x5  }
0x1f: {  	[tilespmem:s17+$0xC480] =	vst v0;
	s17 =	smov.u32 s19  }
0x20: {  	v0 =	vld.idx.msk [tilespmem:v2+s2+$0x0], $0xffff;
	_ =	sdelay $0x1  }
0x21: {  	v1 =	vadd.s32 $0x2710, v2;
	_ =	sdelay $0x3  }
0x22: {  	[tilespmem:s17+$0xA680] =	vst v0  }
0x23: {  	v0 =	vld.idx.msk [tilespmem:v1+s2+$0x0], $0xffff;
	_ =	sdelay $0x1  }
0x24: {  	v1 =	vadd.s32 $0x4E20, v2;
	_ =	sdelay $0x3  }
0x25: {  	[tilespmem:s17+$0xB080] =	vst v0  }
0x26: {  	v0 =	vld.idx.msk [tilespmem:v1+s2+$0x0], $0xffff  }
.Ltmp0:
0x27: {  	(pc) =	sbr.rel @p0 .LBB2_2-.Ltmp0, $2  }
0x28: {  	v1 =	vadd.s32 $0x7530, v2;
	_ =	sdelay $0x2  }
0x29: {  	s19 =	sshra.s32 s18, $0x2;
	s18 =	sadd.s32 $0x40, s18  }
0x2a: {  	_ =	sdelay $0x1  }
0x2b: {  	v2 =	vld [tilespmem:s19+$0x9C80]  }
0x2c: {  	[tilespmem:s17+$0xBA80] =	vst v0  }
0x2d: {  	v0 =	vld.idx.msk [tilespmem:v1+s2+$0x0], $0xffff;
	_ =	sdelay $0x4  }
0x2e: {  	[tilespmem:s17+$0xC480] =	vst v0  }
0x2f: {  	v0 =	vld.idx.msk [tilespmem:v2+s2+$0x0], $0xffff  }
0x30: {  	v61 =	vadd.s32 $0x2710, v2;
	_ =	sdelay $0x3  }
0x31: {  	[tilespmem:s19+$0xA680] =	vst v0  }
0x32: {  	v0 =	vld.idx.msk [tilespmem:v61+s2+$0x0], $0xffff  }
0x33: {  	v62 =	vadd.s32 $0x4E20, v2;
	_ =	sdelay $0x3  }
0x34: {  	[tilespmem:s19+$0xB080] =	vst v0  }
0x35: {  	v0 =	vld.idx.msk [tilespmem:v62+s2+$0x0], $0xffff  }
0x36: {  	v63 =	vadd.s32 $0x7530, v2;
	_ =	sdelay $0x3  }
0x37: {  	[tilespmem:s19+$0xBA80] =	vst v0  }
0x38: {  	v0 =	vld.idx.msk [tilespmem:v63+s2+$0x0], $0xffff;
	_ =	sdelay $0x4  }
0x39: {  	[tilespmem:s19+$0xC480] =	vst v0  }
0x3a: {  	[hbm4b:s5+s2] =	stream.linear.scatter [tilespmem:s12], [sflag:$0x1], $0xA00, $0x38;
	[tilespmem:$0xCE80] =	vst v63  }
0x3b: {  	_ =	swait.ge [sflag:s10], $0xA00  }
0x3c: {  	[sflag:s10] =	ssyncset.done $0x0  }
0x3d: {  	[sflag:s10] =	ssyncadd.s32 $0xFFFFF600  }
0x3e: {  	[hbm4b:s6+s2] =	stream.linear.scatter [tilespmem:s13], [sflag:$0x1], $0xA00, $0x38;
	[tilespmem:$0xCE80] =	vst v63  }
0x3f: {  	_ =	swait.ge [sflag:s10], $0xA00  }
0x40: {  	[sflag:s10] =	ssyncset.done $0x0  }
0x41: {  	[sflag:s10] =	ssyncadd.s32 $0xFFFFF600  }
0x42: {  	[hbm4b:s7+s2] =	stream.linear.scatter [tilespmem:s14], [sflag:$0x1], $0xA00, $0x38;
	[tilespmem:$0xCE80] =	vst v63  }
0x43: {  	s16 =	sadd.s32 $0x1, s16;
	_ =	swait.ge [sflag:s10], $0xA00  }
0x44: {  	p0 =	sne.s32 s16, s9;
	[sflag:s10] =	ssyncset.done $0x0  }
.Ltmp1:
0x45: {  	[sflag:s10] =	ssyncadd.s32 $0xFFFFF600;
	(pc) =	sbr.rel @p0 .LBB2_1-.Ltmp1, $4  }
0x46: {  	[hbm4b:s8+s2] =	stream.linear.scatter [tilespmem:s15], [sflag:$0x1], $0xA00, $0x38;
	[tilespmem:$0xCE80] =	vst v63  }
0x47: {  	_ =	swait.ge [sflag:s10], $0xA00  }
0x48: {  	[sflag:s10] =	ssyncset.done $0x0  }
0x49: {  	[sflag:s10] =	ssyncadd.s32 $0xFFFFF600  }
0x4a: {  	_ =	sfence.sel $0x180000  }
0x4b: {  	[bflag:$0x0] =	sbarrier.arrive $0xFFFF  }
0x4c: {  	p0 =	sne.s32 s0, $0x0;
	_ =	strace $0x9000004A  }
0x4d: {  	s0 =	sadd.s32 @!p0 $0x100000, s1;
	[bflag:$0x2] =	sbarrier.arrive $0xFFFF  }
0x4e: {  	[sflag:s0] =	ssyncadd.tile.s32 @!p0 $0x1;
	_ =	shalt  }
.Lfunc_end2:
_tile_overlayer_lowered:
.L_overlay_start_2:
0x4f: {  	(tag) =	ssettag $0x2  }
0x50: {  	s0 =	rddreg [dreg:$0x0];
	s2 =	stileid.u32  }
0x51: {  	s1 =	rddreg [dreg:$0x1];
	p0 =	sne.s32 s2, $0x0  }
0x52: {  	s3 =	rddreg [dreg:$0x2];
	[bflag:$0x3] =	sbarrier.arrive $0xFFFF;
	s2 =	simm.s32 @!p0 $0x1C01  }
0x53: {  	[timem:s3], [sflag:s2] =	dma.local @!p0 [hbm:s0], s1  }
0x54: {  	s0 =	simm.s32 @!p0 $0x1  }
0x55: {  	_ =	swait.ge @!p0 [sflag:s0], s1  }
0x56: {  	s1 =	ssub.s32 @!p0 $0x0, s1;
	[sflag:s0] =	ssyncset.done @!p0 $0x0  }
0x57: {  	[sflag:s0] =	ssyncadd.s32 @!p0 s1  }
0x58: {  	[bflag:$0x3] =	sbarrier.arrive $0xFFFF  }
0x59: {  	_ =	shalt  }

// kernel: kernel.20.cloned.1.call-start
scs
__scs_entry_jumppad:
0x0: {  	(pc) =	sbr.rel $0x88, $3  }
0x1: {  	(tag) =	ssettag $0x0;
	lr =	simm.s32 $0x1  }
0x2: {  	[smem:$0x3F8C] =	sst lr;
	_ =	strace $0xD0000000  }
0x3: {  	_ = 	snop  }
0x4: {  	_ = 	snop  }
0x5: {  	_ = 	snop  }
0x6: {  	_ = 	snop  }
0x7: {  	_ = 	snop  }
__scs_overlays_trampoline_lowered:
0x8: {  	[smem:$0x3F9B] =	sst s0  }
0x9: {  	[smem:$0x3F9C] =	sst s1  }
0xa: {  	[smem:$0x3F9D] =	sst s2  }
0xb: {  	[smem:$0x3F9E] =	sst s3  }
0xc: {  	[smem:$0x3F9F] =	sst s4  }
0xd: {  	[smem:$0x3FA0] =	sst s5  }
0xe: {  	[smem:$0x3FA1] =	sst s6  }
0xf: {  	[smem:$0x3FA2] =	sst s7  }
0x10: {  	[smem:$0x3FA3] =	sst s8  }
0x11: {  	[smem:$0x3FA4] =	sst s9;
	s0 =	simm.s32 @!p0 $0x0  }
0x12: {  	s1 =	sld [smem:$0x3F8A];
	s0 =	simm.s32 @p0 $0x1  }
0x13: {  	[smem:$0x3FA5] =	sst s0;
	s0 =	simm.s32 @!p1 $0x0  }
0x14: {  	s2 =	sld [smem:$0x3F89];
	s0 =	simm.s32 @p1 $0x1  }
0x15: {  	[smem:$0x3FA6] =	sst s0;
	s0 =	simm.s32 @!p2 $0x0  }
0x16: {  	s3 =	sld [smem:$0x3FDB];
	s0 =	simm.s32 @p2 $0x1  }
0x17: {  	s4 =	simm.s32 $0x1BF5;
	[smem:$0x3FA8] =	sst s0  }
0x18: {  	s0 =	sld [smem:$0x3F8B];
	_ =	swait.ge [sflag:s4], $0x0  }
0x19: {  	s7 =	sld [smem:$0x3F8C]  }
0x1a: {  	s8 =	sadd.s32 $0xFFFFE003, lr  }
0x1b: {  	s9 =	sadd.s32 $0xFFFFFEF7, lr;
	s5 =	simm.s32 $0xFFFFFFFF;
	p2 =	slt.u32 s8, $0xFFFFF086  }
0x1c: {  	p1 =	slt.u32 s9, $0xF7A;
	s5 =	simm.s32 @!p2 $0x0  }
0x1d: {  	s5 =	simm.s32 @p1 $0x1;
	p0 =	seq.s32 s7, s2  }
0x1e: {  	s7 =	smul.u32 @!p0 $0xF7A, s2;
	p2 =	seq.s32 @!p0 s5, $0x0  }
0x1f: {  	s9 =	smul.u32 $0xF7A, s1;
	s8 =	simm.s32 @!p0 $0x1BF5;
	p2 =	por !p2, p0  }
0x20: {  	[sflag:s8] =	ssyncset.s32 @!p0 $0xFFFFF086;
	s6 =	sadd.s32 @!p0 s3, s7;
	s7 =	simm.s32 @!p0 $0x108  }
0x21: {  	s3 =	sadd.s32 s3, s9;
	s6 =	sadd.s32 @!p0 $0x88, s6;
	s7 =	simm.s32 @p2 $0x1082  }
0x22: {  	[simem:s7], [sflag:s8] =	dma.local @!p0 [hbm:s6], $0xF7A  }
0x23: {  	s9 =	sor.u32 $0xD0000000, s2;
	s6 =	simm.s32 $0x108;
	_ =	swait.ge @!p0 [sflag:s8], $0x0  }
0x24: {  	s3 =	sadd.s32 $0x88, s3;
	s6 =	simm.s32 @!p1 $0x1082;
	[sflag:s4] =	ssyncset.s32 $0xFFFFF086  }
0x25: {  	[simem:s6], [sflag:s4] =	dma.local [hbm:s3], $0xF7A  }
0x26: {  	[smem:$0x3F8C] =	sst s1;
	(tag) =	ssettag s2;
	_ =	strace s9  }
0x27: {  	s1 =	sld [smem:$0x3F9C]  }
0x28: {  	s2 =	sld [smem:$0x3F9D]  }
0x29: {  	s4 =	sld [smem:$0x3F9F]  }
0x2a: {  	p0 =	seq.s32 s5, $0x0;
	s5 =	sld [smem:$0x3FA0]  }
0x2b: {  	s6 =	sld [smem:$0x3FA1]  }
0x2c: {  	s7 =	sld [smem:$0x3FA2]  }
0x2d: {  	s3 =	simm.s32 $0x108;
	s8 =	sld [smem:$0x3FA3]  }
0x2e: {  	s3 =	simm.s32 @!p0 $0x1082;
	s9 =	sld [smem:$0x3FA4]  }
0x2f: {  	lr =	sadd.s32 s0, s3;
	s0 =	sld [smem:$0x3F9B]  }
0x30: {  	s3 =	sld [smem:$0x3F9E]  }
0x31: {  	[smem:$0x3FA7] =	sst s10  }
0x32: {  	s10 =	sld [smem:$0x3FA5];
	_ =	sdelay $0x3  }
0x33: {  	p0 =	seq.s32 s10, $0x1;
	s10 =	sld [smem:$0x3FA7];
	_ =	sdelay $0x3  }
0x34: {  	[smem:$0x3FA7] =	sst s10  }
0x35: {  	s10 =	sld [smem:$0x3FA6];
	_ =	sdelay $0x3  }
0x36: {  	p1 =	seq.s32 s10, $0x1;
	s10 =	sld [smem:$0x3FA7];
	_ =	sdelay $0x3  }
0x37: {  	[smem:$0x3FA7] =	sst s10  }
0x38: {  	s10 =	sld [smem:$0x3FA8]  }
0x39: {  	_ = 	snop;
	(pc) =	sbr.ind lr, $3  }
0x3a: {  	_ = 	snop  }
0x3b: {  	_ = 	snop  }
0x3c: {  	p2 =	seq.s32 s10, $0x1;
	s10 =	sld [smem:$0x3FA7]  }
0x3d: {  	_ =	shalt  }
0x3e: {  	_ =	shalt  }
0x3f: {  	_ =	shalt  }
0x40: {  	_ =	shalt  }
0x41: {  	_ =	shalt  }
0x42: {  	_ =	shalt  }
0x43: {  	_ =	shalt  }
0x44: {  	_ =	shalt  }
0x45: {  	_ =	shalt  }
0x46: {  	_ =	shalt  }
0x47: {  	_ =	shalt  }
0x48: {  	_ =	shalt  }
0x49: {  	_ =	shalt  }
0x4a: {  	_ =	shalt  }
0x4b: {  	_ =	shalt  }
0x4c: {  	_ =	shalt  }
0x4d: {  	_ =	shalt  }
0x4e: {  	_ =	shalt  }
0x4f: {  	_ =	shalt  }
0x50: {  	_ =	shalt  }
0x51: {  	_ =	shalt  }
0x52: {  	_ =	shalt  }
0x53: {  	_ =	shalt  }
0x54: {  	_ =	shalt  }
0x55: {  	_ =	shalt  }
0x56: {  	_ =	shalt  }
0x57: {  	_ =	shalt  }
0x58: {  	_ =	shalt  }
0x59: {  	_ =	shalt  }
0x5a: {  	_ =	shalt  }
0x5b: {  	_ =	shalt  }
0x5c: {  	_ =	shalt  }
0x5d: {  	_ =	shalt  }
0x5e: {  	_ =	shalt  }
0x5f: {  	_ =	shalt  }
0x60: {  	_ =	shalt  }
0x61: {  	_ =	shalt  }
0x62: {  	_ =	shalt  }
0x63: {  	_ =	shalt  }
0x64: {  	_ =	shalt  }
0x65: {  	_ =	shalt  }
0x66: {  	_ =	shalt  }
0x67: {  	_ =	shalt  }
0x68: {  	_ =	shalt  }
0x69: {  	_ =	shalt  }
0x6a: {  	_ =	shalt  }
0x6b: {  	_ =	shalt  }
0x6c: {  	_ =	shalt  }
0x6d: {  	_ =	shalt  }
0x6e: {  	_ =	shalt  }
0x6f: {  	_ =	shalt  }
0x70: {  	_ =	shalt  }
0x71: {  	_ =	shalt  }
0x72: {  	_ =	shalt  }
0x73: {  	_ =	shalt  }
0x74: {  	_ =	shalt  }
0x75: {  	_ =	shalt  }
0x76: {  	_ =	shalt  }
0x77: {  	_ =	shalt  }
0x78: {  	_ =	shalt  }
0x79: {  	_ =	shalt  }
0x7a: {  	_ =	shalt  }
0x7b: {  	_ =	shalt  }
0x7c: {  	_ =	shalt  }
0x7d: {  	_ =	shalt  }
0x7e: {  	_ =	shalt  }
0x7f: {  	_ =	shalt  }
0x80: {  	_ =	shalt  }
0x81: {  	_ =	shalt  }
0x82: {  	_ =	shalt  }
0x83: {  	_ =	shalt  }
0x84: {  	_ =	shalt  }
0x85: {  	_ =	shalt  }
0x86: {  	_ =	shalt  }
0x87: {  	_ =	shalt  }
.Lfunc_end0:
.L_simem_size_0:
called_computation.3_lowered:
.L_overlay_start_0:
0x88: {  	s2 =	sld [smem:$0x3FD9]  }
0x89: {  	s3 =	sld [smem:$0x3FFE];
	_ =	sdelay $0x1  }
0x8a: {  	s1 =	srdreg.scid  }
0x8b: {  	s0 =	sand.u32 $0x1, s1  }
0x8c: {  	s17 =	sshll.u32 s0, $0xA;
	s2 =	sadd.s32 s3, s2  }
0x8d: {  	s2 =	sadd.s32 s2, s17  }
0x8e: {  	[smem:$0x3FB3] =	sst s2  }
0x8f: {  	_ = 	snop  }
0x90: {  	s2 =	sld [smem:$0x3FD0];
	(tm) =	ssettm $0x1  }
0x91: {  	s18 =	sld [smem:$0x3FFB];
	_ =	sdelay $0x3  }
0x92: {  	_ =	strace s18  }
0x93: {  	s3 =	sld [smem:$0x3FFC];
	_ =	sdelay $0x3  }
0x94: {  	_ =	strace s3  }
0x95: {  	s3 =	sld [smem:$0x3FFD];
	_ =	sdelay $0x3  }
0x96: {  	_ =	strace s3  }
0x97: {  	_ =	strace $0x8FFFFFFF  }
0x98: {  	s19 =	sld [smem:$0x3FDB];
	_ =	sdelay $0x1  }
0x99: {  	s4 =	simm.s32 $_scs_section_size  }
0x9a: {  	s5 =	simm.s32 $_size__tile_overlayer_lowered;
	s6 =	simm.s32 $_tile_overlayer_lowered  }
0x9b: {  	s22 =	simm.s32 $0x1BFF;
	s21 =	sshll.u32 s6, $0x1;
	s3 =	sadd.s32 s4, s19  }
0x9c: {  	s7 =	simm.s32 $0x0;
	s20 =	sshll.u32 s5, $0x1;
	s5 =	sadd.s32 s21, s3  }
0x9d: {  	[timem:s7], [sflag:s22] =	dma.local [hbm:s5], s20  }
0x9e: {  	_ =	swait.ge [sflag:s22], s20  }
0x9f: {  	s4 =	ssub.s32 $0x0, s20;
	[sflag:s22] =	ssyncset.done $0x0  }
0xa0: {  	[sflag:s22] =	ssyncadd.s32 s4;
	_ =	sdelay $0x1  }
0xa1: {  	s23 =	simm.s32 $0x1B8B  }
0xa2: {  	_ =	swait.ge [sflag:s23], $0x1  }
0xa3: {  	[sflag:s23] =	ssyncset.done $0x0  }
0xa4: {  	s25 =	simm.s32 $0x1B8E;
	s24 =	sld [smem:$0x3FFE];
	[sflag:s23] =	ssyncadd.s32 $0xFFFFFFFF  }
0xa5: {  	s26 =	simm.s32 $execute0_lowered;
	[smem:$0x3FD2] =	sst s25  }
0xa6: {  	s5 =	sshll.u32 s26, $0x1;
	_ =	strace $0x8000004F;
	[dreg:$0x1] =	wrdreg $0xFFFFFFFF  }
0xa7: {  	s28 =	simm.s32 $_size_execute0_lowered;
	s3 =	sadd.s32 s3, s5;
	[dreg:$0x0] =	wrdreg $0x0  }
0xa8: {  	s5 =	sshll.u32 s28, $0x1;
	[dreg:$0x2] =	wrdreg s3  }
0xa9: {  	[dreg:$0x3] =	wrdreg s5  }
0xaa: {  	[dreg:$0x4] =	wrdreg $0xC0  }
0xab: {  	_ =	task [dreg:s7], $0x5FFFF  }
0xac: {  	[dreg:$0x1] =	wrdreg $0xFFFFFFFF  }
0xad: {  	[dreg:$0x0] =	wrdreg $0x60  }
0xae: {  	[dreg:$0x2] =	wrdreg s24  }
0xaf: {  	[dreg:$0x3] =	wrdreg s2  }
0xb0: {  	[dreg:$0x4] =	wrdreg $0x9  }
0xb1: {  	_ =	task.clear_ibuf [dreg:s7], $0x5FFFF;
	_ =	strace $0x9000004F  }
0xb2: {  	s29 =	simm.s32 $0x9;
	_ =	strace $0x80000051  }
0xb3: {  	_ =	swait.ge [sflag:s29], $0x1  }
0xb4: {  	[sflag:s29] =	ssyncadd.s32 $0xFFFFFFFF  }
0xb5: {  	_ =	strace $0x90000051  }
0xb6: {  	_ =	sfence  }
0xb7: {  	s30 =	sld [smem:$0x0];
	_ =	sdelay $0x2  }
0xb8: {  	s31 =	sshll.u32 s1, $0xD;
	s1 =	sshrl.u32 s1, $0x2  }
0xb9: {  	s3 =	sand.u32 $0x4000, s31;
	s1 =	sadd.s32 s1, s30  }
0xba: {  	s0 =	sor.u32 s3, s0;
	s1 =	sshll.u32 s1, $0x11  }
0xbb: {  	s0 =	sor.u32 s1, s0  }
0xbc: {  	s0 =	sadd.s32 $0x8F2B, s0  }
0xbd: {  	[sflag:s0] =	ssyncadd.remote.s32 $0x1  }
0xbe: {  	_ =	sfence.sel $0xFFFF  }
0xbf: {  	[dreg:$0x0] =	wrdreg $0xFFFFFFFF;
	(pc) =	sbr.abs _section_cstart, $3  }
0xc0: {  	[dreg:$0x1] =	wrdreg $0xFFFFFFFF  }
0xc1: {  	_ =	task.clear_ibuf [dreg:s7], $0x2FFFF;
	_ =	strace $0x9FFFFFFF  }
0xc2: {  	(tm) =	ssettm $0x7FFFFFFF  }
0xc3: {  	_ =	shalt  }
tec
execute0_lowered:
.L_overlay_start_1:
0x0: {  	(tag) =	ssettag $0x1  }
0x1: {  	s0 =	rddreg [dreg:$0x0];
	s1 =	srdreg.scid  }
0x2: {  	s2 =	stileid.u32;
	s4 =	rddreg [dreg:$0x1];
	s31 =	simm.s32 $0x1  }
0x3: {  	s9 =	simm.s32 $0x2200;
	s10 =	simm.s32 $0x2A00;
	s11 =	simm.s32 $0x3200  }
0x4: {  	s12 =	simm.s32 $0x3A00;
	s13 =	simm.s32 $0x4200;
	s14 =	simm.s32 $0x4A00  }
0x5: {  	s15 =	simm.s32 $0x5200;
	s16 =	simm.s32 $0x5A00;
	s17 =	simm.s32 $0x6200  }
0x6: {  	s18 =	simm.s32 $0x6A00;
	s19 =	simm.s32 $0x7200;
	s20 =	simm.s32 $0x7A00  }
0x7: {  	s21 =	simm.s32 $0x8200;
	s22 =	simm.s32 $0x8A00;
	s23 =	simm.s32 $0x9200  }
0x8: {  	s24 =	simm.s32 $0x9A00;
	s28 =	simm.s32 $0xB200;
	s29 =	simm.s32 $0xBA00  }
0x9: {  	s1 =	sand.u32 $0x1, s1;
	s3 =	sshll.u32 s2, $0x1;
	s2 =	simm.s32 $0x0  }
0xa: {  	s30 =	simm.s32 $0xC200;
	s5 =	sor.u32 s1, s3;
	[smem:$0x7FF] =	sst s2  }
0xb: {  	s3 =	sadd.s32 $0x2C400, s0;
	s1 =	ssub.s32 $0x2, s1;
	s6 =	smul.u32 $0x320, s5  }
0xc: {  	s0 =	sadd.s32 $0x40400, s0;
	s5 =	smul.u32 $0x6400, s5;
	s8 =	sshrl.u32 s1, $0x1  }
0xd: {  	_ =	strace $0x80000050;
	s1 =	ssub.s32 s1, s8;
	s8 =	simm.s32 $0x1A00  }
0xe: {  	s7 =	sshrl.u32 s6, $0x3;
	s6 =	sadd.s32 $0x190, s6;
	s5 =	sadd.s32 s0, s5  }
0xf: {  	s7 =	sadd.s32 s4, s7;
	s25 =	sshrl.u32 s6, $0x3;
	[dreg:$0x4] =	wrdreg s5  }
0x10: {  	s26 =	sshll.u32 s6, $0x5;
	s5 =	simm.s32 $0x2;
	s6 =	simm.s32 $0xCA00  }
0x11: {  	v2 =	vlaneseq.u32;
	[dreg:$0x3] =	wrdreg s7;
	s4 =	sadd.s32 s4, s25;
	s0 =	sadd.s32 s0, s26  }
0x12: {  	vm0 =	vmmov $0xffff;
	v1 =	vshrl.u32 v2, $0x3;
	s7 =	simm.s32 $0x1200;
	s25 =	simm.s32 $0xA200;
	[dreg:$0x5] =	wrdreg s4  }
0x13: {  	v0 =	vand.u32 $0x7, v2;
	v2 =	vor.u32 $0x8, v2;
	v1 =	vmul.u32 $0x8, v1;
	s26 =	simm.s32 $0xAA00;
	[dreg:$0x6] =	wrdreg s0;
	s4 =	smax.u32 s1, $0x1  }
.LBB2_1:
0x14: {  	s1 =	rddreg [dreg:$0x3]  }
0x15: {  	[tilespmem:s2], [sflag:$0x2] =	stream.linear.gather [hbm4b:s1+s2], $0x190, $0x38;
	[tilespmem:$0x19200] =	vst v63  }
0x16: {  	_ =	swait.ge [sflag:s5], $0x190  }
0x17: {  	[sflag:s5] =	ssyncset.done $0x0  }
0x18: {  	[sflag:s5] =	ssyncadd.s32 $0xFFFFFE70  }
0x19: {  	v3 =	vld [tilespmem:$0x0];
	_ =	sdelay $0x4  }
0x1a: {  	v4 =	vshll.u32 v3, $0x1  }
0x1b: {  	v3 =	vand.u32 $0x7, v3;
	v4 =	vand.u32 $0xFFFFFFF0, v4  }
0x1c: {  	v3 =	vor.u32 v3, v4  }
0x1d: {  	v4 =	vperm.xlane v3, v0;
	_ =	sdelay $0x1  }
0x1e: {  	v3 =	vperm.xlane v3, v2;
	v4 =	vadd.s32 v1, v4;
	_ =	sdelay $0x1  }
0x1f: {  	v3 =	vadd.s32 v1, v3;
	_ =	sdelay $0x1  }
0x20: {  	s0 =	simm.s32 $0x200  }
0x21: {  	[tilespmem:s0], [sflag:$0x1] =	stream.indirect_vreg.gather [hbm4b:s3+s2], $0x80, v4, vm0, $0xb8;
	[tilespmem:$0x19200] =	vst v63  }
0x22: {  	s1 =	simm.s32 $0xA00  }
0x23: {  	[tilespmem:s1], [sflag:$0x1] =	stream.indirect_vreg.gather [hbm4b:s3+s2], $0x80, v3, vm0, $0xb8;
	[tilespmem:$0x19200] =	vst v63  }
0x24: {  	v3 =	vld [tilespmem:$0x10];
	_ =	sdelay $0x4  }
0x25: {  	v15 =	vshll.u32 v3, $0x1  }
0x26: {  	v3 =	vand.u32 $0x7, v3;
	v4 =	vand.u32 $0xFFFFFFF0, v15  }
0x27: {  	v3 =	vor.u32 v3, v4  }
0x28: {  	v4 =	vperm.xlane v3, v0;
	_ =	sdelay $0x1  }
0x29: {  	v3 =	vperm.xlane v3, v2;
	v4 =	vadd.s32 v1, v4;
	_ =	sdelay $0x1  }
0x2a: {  	v3 =	vadd.s32 v1, v3;
	_ =	sdelay $0x2  }
0x2b: {  	[tilespmem:s7], [sflag:$0x1] =	stream.indirect_vreg.gather [hbm4b:s3+s2], $0x80, v4, vm0, $0xb8;
	[tilespmem:$0x19200] =	vst v63  }
0x2c: {  	_ = 	snop  }
0x2d: {  	[tilespmem:s8], [sflag:$0x1] =	stream.indirect_vreg.gather [hbm4b:s3+s2], $0x80, v3, vm0, $0xb8;
	[tilespmem:$0x19200] =	vst v63  }
0x2e: {  	v3 =	vld [tilespmem:$0x20];
	_ =	sdelay $0x4  }
0x2f: {  	v16 =	vshll.u32 v3, $0x1  }
0x30: {  	v3 =	vand.u32 $0x7, v3;
	v4 =	vand.u32 $0xFFFFFFF0, v16  }
0x31: {  	v3 =	vor.u32 v3, v4  }
0x32: {  	v4 =	vperm.xlane v3, v0;
	_ =	sdelay $0x1  }
0x33: {  	v3 =	vperm.xlane v3, v2;
	v4 =	vadd.s32 v1, v4;
	_ =	sdelay $0x1  }
0x34: {  	v3 =	vadd.s32 v1, v3;
	_ =	sdelay $0x2  }
0x35: {  	[tilespmem:s9], [sflag:$0x1] =	stream.indirect_vreg.gather [hbm4b:s3+s2], $0x80, v4, vm0, $0xb8;
	[tilespmem:$0x19200] =	vst v63  }
0x36: {  	_ = 	snop  }
0x37: {  	[tilespmem:s10], [sflag:$0x1] =	stream.indirect_vreg.gather [hbm4b:s3+s2], $0x80, v3, vm0, $0xb8;
	[tilespmem:$0x19200] =	vst v63  }
0x38: {  	v3 =	vld [tilespmem:$0x30];
	_ =	sdelay $0x4  }
0x39: {  	v17 =	vshll.u32 v3, $0x1  }
0x3a: {  	v3 =	vand.u32 $0x7, v3;
	v4 =	vand.u32 $0xFFFFFFF0, v17  }
0x3b: {  	v3 =	vor.u32 v3, v4  }
0x3c: {  	v4 =	vperm.xlane v3, v0;
	_ =	sdelay $0x1  }
0x3d: {  	v3 =	vperm.xlane v3, v2;
	v4 =	vadd.s32 v1, v4;
	_ =	sdelay $0x1  }
0x3e: {  	v3 =	vadd.s32 v1, v3;
	_ =	sdelay $0x2  }
0x3f: {  	[tilespmem:s11], [sflag:$0x1] =	stream.indirect_vreg.gather [hbm4b:s3+s2], $0x80, v4, vm0, $0xb8;
	[tilespmem:$0x19200] =	vst v63  }
0x40: {  	_ = 	snop  }
0x41: {  	[tilespmem:s12], [sflag:$0x1] =	stream.indirect_vreg.gather [hbm4b:s3+s2], $0x80, v3, vm0, $0xb8;
	[tilespmem:$0x19200] =	vst v63  }
0x42: {  	v3 =	vld [tilespmem:$0x40];
	_ =	sdelay $0x4  }
0x43: {  	v18 =	vshll.u32 v3, $0x1  }
0x44: {  	v3 =	vand.u32 $0x7, v3;
	v4 =	vand.u32 $0xFFFFFFF0, v18  }
0x45: {  	v3 =	vor.u32 v3, v4  }
0x46: {  	v4 =	vperm.xlane v3, v0;
	_ =	sdelay $0x1  }
0x47: {  	v3 =	vperm.xlane v3, v2;
	v4 =	vadd.s32 v1, v4;
	_ =	sdelay $0x1  }
0x48: {  	v3 =	vadd.s32 v1, v3;
	_ =	sdelay $0x2  }
0x49: {  	[tilespmem:s13], [sflag:$0x1] =	stream.indirect_vreg.gather [hbm4b:s3+s2], $0x80, v4, vm0, $0xb8;
	[tilespmem:$0x19200] =	vst v63  }
0x4a: {  	_ = 	snop  }
0x4b: {  	[tilespmem:s14], [sflag:$0x1] =	stream.indirect_vreg.gather [hbm4b:s3+s2], $0x80, v3, vm0, $0xb8;
	[tilespmem:$0x19200] =	vst v63  }
0x4c: {  	v3 =	vld [tilespmem:$0x50];
	_ =	sdelay $0x4  }
0x4d: {  	v19 =	vshll.u32 v3, $0x1  }
0x4e: {  	v3 =	vand.u32 $0x7, v3;
	v4 =	vand.u32 $0xFFFFFFF0, v19  }
0x4f: {  	v3 =	vor.u32 v3, v4  }
0x50: {  	v4 =	vperm.xlane v3, v0;
	_ =	sdelay $0x1  }
0x51: {  	v3 =	vperm.xlane v3, v2;
	v4 =	vadd.s32 v1, v4;
	_ =	sdelay $0x1  }
0x52: {  	v3 =	vadd.s32 v1, v3;
	_ =	sdelay $0x2  }
0x53: {  	[tilespmem:s15], [sflag:$0x1] =	stream.indirect_vreg.gather [hbm4b:s3+s2], $0x80, v4, vm0, $0xb8;
	[tilespmem:$0x19200] =	vst v63  }
0x54: {  	_ = 	snop  }
0x55: {  	[tilespmem:s16], [sflag:$0x1] =	stream.indirect_vreg.gather [hbm4b:s3+s2], $0x80, v3, vm0, $0xb8;
	[tilespmem:$0x19200] =	vst v63  }
0x56: {  	v3 =	vld [tilespmem:$0x60];
	_ =	sdelay $0x4  }
0x57: {  	v20 =	vshll.u32 v3, $0x1  }
0x58: {  	v3 =	vand.u32 $0x7, v3;
	v4 =	vand.u32 $0xFFFFFFF0, v20  }
0x59: {  	v3 =	vor.u32 v3, v4  }
0x5a: {  	v4 =	vperm.xlane v3, v0;
	_ =	sdelay $0x1  }
0x5b: {  	v3 =	vperm.xlane v3, v2;
	v4 =	vadd.s32 v1, v4;
	_ =	sdelay $0x1  }
0x5c: {  	v3 =	vadd.s32 v1, v3;
	_ =	sdelay $0x2  }
0x5d: {  	[tilespmem:s17], [sflag:$0x1] =	stream.indirect_vreg.gather [hbm4b:s3+s2], $0x80, v4, vm0, $0xb8;
	[tilespmem:$0x19200] =	vst v63  }
0x5e: {  	_ = 	snop  }
0x5f: {  	[tilespmem:s18], [sflag:$0x1] =	stream.indirect_vreg.gather [hbm4b:s3+s2], $0x80, v3, vm0, $0xb8;
	[tilespmem:$0x19200] =	vst v63  }
0x60: {  	v3 =	vld [tilespmem:$0x70];
	_ =	sdelay $0x4  }
0x61: {  	v21 =	vshll.u32 v3, $0x1  }
0x62: {  	v3 =	vand.u32 $0x7, v3;
	v4 =	vand.u32 $0xFFFFFFF0, v21  }
0x63: {  	v3 =	vor.u32 v3, v4  }
0x64: {  	v4 =	vperm.xlane v3, v0;
	_ =	sdelay $0x1  }
0x65: {  	v3 =	vperm.xlane v3, v2;
	v4 =	vadd.s32 v1, v4;
	_ =	sdelay $0x1  }
0x66: {  	v3 =	vadd.s32 v1, v3;
	_ =	sdelay $0x2  }
0x67: {  	[tilespmem:s19], [sflag:$0x1] =	stream.indirect_vreg.gather [hbm4b:s3+s2], $0x80, v4, vm0, $0xb8;
	[tilespmem:$0x19200] =	vst v63  }
0x68: {  	_ = 	snop  }
0x69: {  	[tilespmem:s20], [sflag:$0x1] =	stream.indirect_vreg.gather [hbm4b:s3+s2], $0x80, v3, vm0, $0xb8;
	[tilespmem:$0x19200] =	vst v63  }
0x6a: {  	v3 =	vld [tilespmem:$0x80];
	_ =	sdelay $0x4  }
0x6b: {  	v22 =	vshll.u32 v3, $0x1  }
0x6c: {  	v3 =	vand.u32 $0x7, v3;
	v4 =	vand.u32 $0xFFFFFFF0, v22  }
0x6d: {  	v3 =	vor.u32 v3, v4  }
0x6e: {  	v4 =	vperm.xlane v3, v0;
	_ =	sdelay $0x1  }
0x6f: {  	v3 =	vperm.xlane v3, v2;
	v4 =	vadd.s32 v1, v4;
	_ =	sdelay $0x1  }
0x70: {  	v3 =	vadd.s32 v1, v3;
	_ =	sdelay $0x2  }
0x71: {  	[tilespmem:s21], [sflag:$0x1] =	stream.indirect_vreg.gather [hbm4b:s3+s2], $0x80, v4, vm0, $0xb8;
	[tilespmem:$0x19200] =	vst v63  }
0x72: {  	_ = 	snop  }
0x73: {  	[tilespmem:s22], [sflag:$0x1] =	stream.indirect_vreg.gather [hbm4b:s3+s2], $0x80, v3, vm0, $0xb8;
	[tilespmem:$0x19200] =	vst v63  }
0x74: {  	v3 =	vld [tilespmem:$0x90];
	_ =	sdelay $0x4  }
0x75: {  	v23 =	vshll.u32 v3, $0x1  }
0x76: {  	v3 =	vand.u32 $0x7, v3;
	v4 =	vand.u32 $0xFFFFFFF0, v23  }
0x77: {  	v3 =	vor.u32 v3, v4  }
0x78: {  	v4 =	vperm.xlane v3, v0;
	_ =	sdelay $0x1  }
0x79: {  	v3 =	vperm.xlane v3, v2;
	v4 =	vadd.s32 v1, v4;
	_ =	sdelay $0x1  }
0x7a: {  	v3 =	vadd.s32 v1, v3;
	_ =	sdelay $0x2  }
0x7b: {  	[tilespmem:s23], [sflag:$0x1] =	stream.indirect_vreg.gather [hbm4b:s3+s2], $0x80, v4, vm0, $0xb8;
	[tilespmem:$0x19200] =	vst v63  }
0x7c: {  	_ = 	snop  }
0x7d: {  	[tilespmem:s24], [sflag:$0x1] =	stream.indirect_vreg.gather [hbm4b:s3+s2], $0x80, v3, vm0, $0xb8;
	[tilespmem:$0x19200] =	vst v63  }
0x7e: {  	v3 =	vld [tilespmem:$0xA0];
	_ =	sdelay $0x4  }
0x7f: {  	v24 =	vshll.u32 v3, $0x1  }
0x80: {  	v3 =	vand.u32 $0x7, v3;
	v4 =	vand.u32 $0xFFFFFFF0, v24  }
0x81: {  	v3 =	vor.u32 v3, v4  }
0x82: {  	v4 =	vperm.xlane v3, v0;
	_ =	sdelay $0x1  }
0x83: {  	v3 =	vperm.xlane v3, v2;
	v4 =	vadd.s32 v1, v4;
	_ =	sdelay $0x1  }
0x84: {  	v3 =	vadd.s32 v1, v3;
	_ =	sdelay $0x2  }
0x85: {  	[tilespmem:s25], [sflag:$0x1] =	stream.indirect_vreg.gather [hbm4b:s3+s2], $0x80, v4, vm0, $0xb8;
	[tilespmem:$0x19200] =	vst v63  }
0x86: {  	_ = 	snop  }
0x87: {  	[tilespmem:s26], [sflag:$0x1] =	stream.indirect_vreg.gather [hbm4b:s3+s2], $0x80, v3, vm0, $0xb8;
	[tilespmem:$0x19200] =	vst v63  }
0x88: {  	v3 =	vld [tilespmem:$0xB0];
	_ =	sdelay $0x4  }
0x89: {  	v25 =	vshll.u32 v3, $0x1  }
0x8a: {  	v3 =	vand.u32 $0x7, v3;
	v4 =	vand.u32 $0xFFFFFFF0, v25  }
0x8b: {  	v3 =	vor.u32 v3, v4  }
0x8c: {  	v4 =	vperm.xlane v3, v0;
	_ =	sdelay $0x1  }
0x8d: {  	v3 =	vperm.xlane v3, v2;
	v4 =	vadd.s32 v1, v4;
	_ =	sdelay $0x1  }
0x8e: {  	v3 =	vadd.s32 v1, v3;
	_ =	sdelay $0x2  }
0x8f: {  	[tilespmem:s28], [sflag:$0x1] =	stream.indirect_vreg.gather [hbm4b:s3+s2], $0x80, v4, vm0, $0xb8;
	[tilespmem:$0x19200] =	vst v63  }
0x90: {  	_ = 	snop  }
0x91: {  	[tilespmem:s29], [sflag:$0x1] =	stream.indirect_vreg.gather [hbm4b:s3+s2], $0x80, v3, vm0, $0xb8;
	[tilespmem:$0x19200] =	vst v63  }
0x92: {  	v3 =	vld [tilespmem:$0xC0];
	_ =	sdelay $0x4  }
0x93: {  	v26 =	vshll.u32 v3, $0x1  }
0x94: {  	v3 =	vand.u32 $0x7, v3;
	v4 =	vand.u32 $0xFFFFFFF0, v26  }
0x95: {  	v3 =	vor.u32 v3, v4  }
0x96: {  	v4 =	vperm.xlane v3, v0;
	_ =	sdelay $0x1  }
0x97: {  	v3 =	vperm.xlane v3, v2;
	v4 =	vadd.s32 v1, v4;
	_ =	sdelay $0x1  }
0x98: {  	v3 =	vadd.s32 v1, v3;
	_ =	sdelay $0x2  }
0x99: {  	[tilespmem:s30], [sflag:$0x1] =	stream.indirect_vreg.gather [hbm4b:s3+s2], $0x80, v4, vm0, $0xb8;
	[tilespmem:$0x19200] =	vst v63  }
0x9a: {  	_ = 	snop  }
0x9b: {  	[tilespmem:s6], [sflag:$0x1] =	stream.indirect_vreg.gather [hbm4b:s3+s2], $0x80, v3, vm0, $0xb8;
	[tilespmem:$0x19200] =	vst v63  }
0x9c: {  	v3 =	vld [tilespmem:$0xD0];
	_ =	sdelay $0x4  }
0x9d: {  	v27 =	vshll.u32 v3, $0x1  }
0x9e: {  	v3 =	vand.u32 $0x7, v3;
	v4 =	vand.u32 $0xFFFFFFF0, v27  }
0x9f: {  	v3 =	vor.u32 v3, v4  }
0xa0: {  	v4 =	vperm.xlane v3, v0;
	_ =	sdelay $0x1  }
0xa1: {  	v3 =	vperm.xlane v3, v2;
	v4 =	vadd.s32 v1, v4;
	_ =	sdelay $0x1  }
0xa2: {  	v3 =	vadd.s32 v1, v3;
	_ =	sdelay $0x1  }
0xa3: {  	s1 =	simm.s32 $0xD200  }
0xa4: {  	[tilespmem:s1], [sflag:$0x1] =	stream.indirect_vreg.gather [hbm4b:s3+s2], $0x80, v4, vm0, $0xb8;
	[tilespmem:$0x19200] =	vst v63  }
0xa5: {  	s1 =	simm.s32 $0xDA00  }
0xa6: {  	[tilespmem:s1], [sflag:$0x1] =	stream.indirect_vreg.gather [hbm4b:s3+s2], $0x80, v3, vm0, $0xb8;
	[tilespmem:$0x19200] =	vst v63  }
0xa7: {  	v3 =	vld [tilespmem:$0xE0];
	_ =	sdelay $0x4  }
0xa8: {  	v28 =	vshll.u32 v3, $0x1  }
0xa9: {  	v3 =	vand.u32 $0x7, v3;
	v4 =	vand.u32 $0xFFFFFFF0, v28  }
0xaa: {  	v3 =	vor.u32 v3, v4  }
0xab: {  	v4 =	vperm.xlane v3, v0;
	_ =	sdelay $0x1  }
0xac: {  	v3 =	vperm.xlane v3, v2;
	v4 =	vadd.s32 v1, v4;
	_ =	sdelay $0x1  }
0xad: {  	v3 =	vadd.s32 v1, v3;
	_ =	sdelay $0x1  }
0xae: {  	s1 =	simm.s32 $0xE200  }
0xaf: {  	[tilespmem:s1], [sflag:$0x1] =	stream.indirect_vreg.gather [hbm4b:s3+s2], $0x80, v4, vm0, $0xb8;
	[tilespmem:$0x19200] =	vst v63  }
0xb0: {  	s1 =	simm.s32 $0xEA00  }
0xb1: {  	[tilespmem:s1], [sflag:$0x1] =	stream.indirect_vreg.gather [hbm4b:s3+s2], $0x80, v3, vm0, $0xb8;
	[tilespmem:$0x19200] =	vst v63  }
0xb2: {  	v3 =	vld [tilespmem:$0xF0];
	_ =	sdelay $0x4  }
0xb3: {  	v29 =	vshll.u32 v3, $0x1  }
0xb4: {  	v3 =	vand.u32 $0x7, v3;
	v4 =	vand.u32 $0xFFFFFFF0, v29  }
0xb5: {  	v3 =	vor.u32 v3, v4  }
0xb6: {  	v4 =	vperm.xlane v3, v0;
	_ =	sdelay $0x1  }
0xb7: {  	v3 =	vperm.xlane v3, v2;
	v4 =	vadd.s32 v1, v4;
	_ =	sdelay $0x1  }
0xb8: {  	v3 =	vadd.s32 v1, v3;
	_ =	sdelay $0x1  }
0xb9: {  	s1 =	simm.s32 $0xF200  }
0xba: {  	[tilespmem:s1], [sflag:$0x1] =	stream.indirect_vreg.gather [hbm4b:s3+s2], $0x80, v4, vm0, $0xb8;
	[tilespmem:$0x19200] =	vst v63  }
0xbb: {  	s1 =	simm.s32 $0xFA00  }
0xbc: {  	[tilespmem:s1], [sflag:$0x1] =	stream.indirect_vreg.gather [hbm4b:s3+s2], $0x80, v3, vm0, $0xb8;
	[tilespmem:$0x19200] =	vst v63  }
0xbd: {  	v3 =	vld [tilespmem:$0x100];
	_ =	sdelay $0x4  }
0xbe: {  	v30 =	vshll.u32 v3, $0x1  }
0xbf: {  	v3 =	vand.u32 $0x7, v3;
	v4 =	vand.u32 $0xFFFFFFF0, v30  }
0xc0: {  	v3 =	vor.u32 v3, v4  }
0xc1: {  	v4 =	vperm.xlane v3, v0;
	_ =	sdelay $0x1  }
0xc2: {  	v3 =	vperm.xlane v3, v2;
	v4 =	vadd.s32 v1, v4;
	_ =	sdelay $0x1  }
0xc3: {  	v3 =	vadd.s32 v1, v3;
	_ =	sdelay $0x1  }
0xc4: {  	s1 =	simm.s32 $0x10200  }
0xc5: {  	[tilespmem:s1], [sflag:$0x1] =	stream.indirect_vreg.gather [hbm4b:s3+s2], $0x80, v4, vm0, $0xb8;
	[tilespmem:$0x19200] =	vst v63  }
0xc6: {  	s1 =	simm.s32 $0x10A00  }
0xc7: {  	[tilespmem:s1], [sflag:$0x1] =	stream.indirect_vreg.gather [hbm4b:s3+s2], $0x80, v3, vm0, $0xb8;
	[tilespmem:$0x19200] =	vst v63  }
0xc8: {  	v3 =	vld [tilespmem:$0x110];
	_ =	sdelay $0x4  }
0xc9: {  	v31 =	vshll.u32 v3, $0x1  }
0xca: {  	v3 =	vand.u32 $0x7, v3;
	v4 =	vand.u32 $0xFFFFFFF0, v31  }
0xcb: {  	v3 =	vor.u32 v3, v4  }
0xcc: {  	v4 =	vperm.xlane v3, v0;
	_ =	sdelay $0x1  }
0xcd: {  	v3 =	vperm.xlane v3, v2;
	v4 =	vadd.s32 v1, v4;
	_ =	sdelay $0x1  }
0xce: {  	v3 =	vadd.s32 v1, v3;
	_ =	sdelay $0x1  }
0xcf: {  	s1 =	simm.s32 $0x11200  }
0xd0: {  	[tilespmem:s1], [sflag:$0x1] =	stream.indirect_vreg.gather [hbm4b:s3+s2], $0x80, v4, vm0, $0xb8;
	[tilespmem:$0x19200] =	vst v63  }
0xd1: {  	s1 =	simm.s32 $0x11A00  }
0xd2: {  	[tilespmem:s1], [sflag:$0x1] =	stream.indirect_vreg.gather [hbm4b:s3+s2], $0x80, v3, vm0, $0xb8;
	[tilespmem:$0x19200] =	vst v63  }
0xd3: {  	v3 =	vld [tilespmem:$0x120];
	_ =	sdelay $0x4  }
0xd4: {  	v32 =	vshll.u32 v3, $0x1  }
0xd5: {  	v3 =	vand.u32 $0x7, v3;
	v4 =	vand.u32 $0xFFFFFFF0, v32  }
0xd6: {  	v3 =	vor.u32 v3, v4  }
0xd7: {  	v4 =	vperm.xlane v3, v0;
	_ =	sdelay $0x1  }
0xd8: {  	v3 =	vperm.xlane v3, v2;
	v4 =	vadd.s32 v1, v4;
	_ =	sdelay $0x1  }
0xd9: {  	v3 =	vadd.s32 v1, v3;
	_ =	sdelay $0x1  }
0xda: {  	s1 =	simm.s32 $0x12200  }
0xdb: {  	[tilespmem:s1], [sflag:$0x1] =	stream.indirect_vreg.gather [hbm4b:s3+s2], $0x80, v4, vm0, $0xb8;
	[tilespmem:$0x19200] =	vst v63  }
0xdc: {  	s1 =	simm.s32 $0x12A00  }
0xdd: {  	[tilespmem:s1], [sflag:$0x1] =	stream.indirect_vreg.gather [hbm4b:s3+s2], $0x80, v3, vm0, $0xb8;
	[tilespmem:$0x19200] =	vst v63  }
0xde: {  	v3 =	vld [tilespmem:$0x130];
	_ =	sdelay $0x4  }
0xdf: {  	v33 =	vshll.u32 v3, $0x1  }
0xe0: {  	v3 =	vand.u32 $0x7, v3;
	v4 =	vand.u32 $0xFFFFFFF0, v33  }
0xe1: {  	v3 =	vor.u32 v3, v4  }
0xe2: {  	v4 =	vperm.xlane v3, v0;
	_ =	sdelay $0x1  }
0xe3: {  	v3 =	vperm.xlane v3, v2;
	v4 =	vadd.s32 v1, v4;
	_ =	sdelay $0x1  }
0xe4: {  	v3 =	vadd.s32 v1, v3;
	_ =	sdelay $0x1  }
0xe5: {  	s1 =	simm.s32 $0x13200  }
0xe6: {  	[tilespmem:s1], [sflag:$0x1] =	stream.indirect_vreg.gather [hbm4b:s3+s2], $0x80, v4, vm0, $0xb8;
	[tilespmem:$0x19200] =	vst v63  }
0xe7: {  	s1 =	simm.s32 $0x13A00  }
0xe8: {  	[tilespmem:s1], [sflag:$0x1] =	stream.indirect_vreg.gather [hbm4b:s3+s2], $0x80, v3, vm0, $0xb8;
	[tilespmem:$0x19200] =	vst v63  }
0xe9: {  	v3 =	vld [tilespmem:$0x140];
	_ =	sdelay $0x4  }
0xea: {  	v34 =	vshll.u32 v3, $0x1  }
0xeb: {  	v3 =	vand.u32 $0x7, v3;
	v4 =	vand.u32 $0xFFFFFFF0, v34  }
0xec: {  	v3 =	vor.u32 v3, v4  }
0xed: {  	v4 =	vperm.xlane v3, v0;
	_ =	sdelay $0x1  }
0xee: {  	v3 =	vperm.xlane v3, v2;
	v4 =	vadd.s32 v1, v4;
	_ =	sdelay $0x1  }
0xef: {  	v3 =	vadd.s32 v1, v3;
	_ =	sdelay $0x1  }
0xf0: {  	s1 =	simm.s32 $0x14200  }
0xf1: {  	[tilespmem:s1], [sflag:$0x1] =	stream.indirect_vreg.gather [hbm4b:s3+s2], $0x80, v4, vm0, $0xb8;
	[tilespmem:$0x19200] =	vst v63  }
0xf2: {  	s1 =	simm.s32 $0x14A00  }
0xf3: {  	[tilespmem:s1], [sflag:$0x1] =	stream.indirect_vreg.gather [hbm4b:s3+s2], $0x80, v3, vm0, $0xb8;
	[tilespmem:$0x19200] =	vst v63  }
0xf4: {  	v3 =	vld [tilespmem:$0x150];
	_ =	sdelay $0x4  }
0xf5: {  	v35 =	vshll.u32 v3, $0x1  }
0xf6: {  	v3 =	vand.u32 $0x7, v3;
	v4 =	vand.u32 $0xFFFFFFF0, v35  }
0xf7: {  	v3 =	vor.u32 v3, v4  }
0xf8: {  	v4 =	vperm.xlane v3, v0;
	_ =	sdelay $0x1  }
0xf9: {  	v3 =	vperm.xlane v3, v2;
	v4 =	vadd.s32 v1, v4;
	_ =	sdelay $0x1  }
0xfa: {  	v3 =	vadd.s32 v1, v3;
	_ =	sdelay $0x1  }
0xfb: {  	s1 =	simm.s32 $0x15200  }
0xfc: {  	[tilespmem:s1], [sflag:$0x1] =	stream.indirect_vreg.gather [hbm4b:s3+s2], $0x80, v4, vm0, $0xb8;
	[tilespmem:$0x19200] =	vst v63  }
0xfd: {  	s1 =	simm.s32 $0x15A00  }
0xfe: {  	[tilespmem:s1], [sflag:$0x1] =	stream.indirect_vreg.gather [hbm4b:s3+s2], $0x80, v3, vm0, $0xb8;
	[tilespmem:$0x19200] =	vst v63  }
0xff: {  	v3 =	vld [tilespmem:$0x160];
	_ =	sdelay $0x4  }
0x100: {  	v36 =	vshll.u32 v3, $0x1  }
0x101: {  	v3 =	vand.u32 $0x7, v3;
	v4 =	vand.u32 $0xFFFFFFF0, v36  }
0x102: {  	v3 =	vor.u32 v3, v4  }
0x103: {  	v4 =	vperm.xlane v3, v0;
	_ =	sdelay $0x1  }
0x104: {  	v3 =	vperm.xlane v3, v2;
	v4 =	vadd.s32 v1, v4;
	_ =	sdelay $0x1  }
0x105: {  	v3 =	vadd.s32 v1, v3;
	_ =	sdelay $0x1  }
0x106: {  	s1 =	simm.s32 $0x16200  }
0x107: {  	[tilespmem:s1], [sflag:$0x1] =	stream.indirect_vreg.gather [hbm4b:s3+s2], $0x80, v4, vm0, $0xb8;
	[tilespmem:$0x19200] =	vst v63  }
0x108: {  	s1 =	simm.s32 $0x16A00  }
0x109: {  	[tilespmem:s1], [sflag:$0x1] =	stream.indirect_vreg.gather [hbm4b:s3+s2], $0x80, v3, vm0, $0xb8;
	[tilespmem:$0x19200] =	vst v63  }
0x10a: {  	v3 =	vld [tilespmem:$0x170];
	_ =	sdelay $0x4  }
0x10b: {  	v37 =	vshll.u32 v3, $0x1  }
0x10c: {  	v3 =	vand.u32 $0x7, v3;
	v4 =	vand.u32 $0xFFFFFFF0, v37  }
0x10d: {  	v3 =	vor.u32 v3, v4  }
0x10e: {  	v4 =	vperm.xlane v3, v0;
	_ =	sdelay $0x1  }
0x10f: {  	v3 =	vperm.xlane v3, v2;
	v4 =	vadd.s32 v1, v4;
	_ =	sdelay $0x1  }
0x110: {  	v3 =	vadd.s32 v1, v3;
	_ =	sdelay $0x1  }
0x111: {  	s1 =	simm.s32 $0x17200  }
0x112: {  	[tilespmem:s1], [sflag:$0x1] =	stream.indirect_vreg.gather [hbm4b:s3+s2], $0x80, v4, vm0, $0xb8;
	[tilespmem:$0x19200] =	vst v63  }
0x113: {  	s1 =	simm.s32 $0x17A00  }
0x114: {  	[tilespmem:s1], [sflag:$0x1] =	stream.indirect_vreg.gather [hbm4b:s3+s2], $0x80, v3, vm0, $0xb8;
	[tilespmem:$0x19200] =	vst v63  }
0x115: {  	v3 =	vld [tilespmem:$0x180];
	_ =	sdelay $0x4  }
0x116: {  	v38 =	vshll.u32 v3, $0x1  }
0x117: {  	v3 =	vand.u32 $0x7, v3;
	v4 =	vand.u32 $0xFFFFFFF0, v38  }
0x118: {  	v3 =	vor.u32 v3, v4  }
0x119: {  	v4 =	vperm.xlane v3, v0;
	_ =	sdelay $0x1  }
0x11a: {  	v3 =	vperm.xlane v3, v2;
	v4 =	vadd.s32 v1, v4;
	_ =	sdelay $0x1  }
0x11b: {  	v3 =	vadd.s32 v1, v3;
	_ =	sdelay $0x1  }
0x11c: {  	s1 =	simm.s32 $0x18200  }
0x11d: {  	[tilespmem:s1], [sflag:$0x1] =	stream.indirect_vreg.gather [hbm4b:s3+s2], $0x80, v4, vm0, $0xb8;
	[tilespmem:$0x19200] =	vst v63  }
0x11e: {  	s1 =	simm.s32 $0x18A00  }
0x11f: {  	[tilespmem:s1], [sflag:$0x1] =	stream.indirect_vreg.gather [hbm4b:s3+s2], $0x80, v3, vm0, $0xb8;
	[tilespmem:$0x19200] =	vst v63  }
0x120: {  	_ =	swait.ge [sflag:s31], $0x19000  }
0x121: {  	[sflag:s31] =	ssyncset.done $0x0  }
0x122: {  	s0 =	simm.s32 $0x200;
	s1 =	rddreg [dreg:$0x4];
	[sflag:s31] =	ssyncadd.s32 $0xFFFE7000  }
0x123: {  	[hbm4b:s1+s2] =	stream.linear.scatter [tilespmem:s0], [sflag:$0x2], $0x19000, $0x38;
	[tilespmem:$0x19200] =	vst v63  }
0x124: {  	_ =	swait.ge [sflag:s5], $0x19000  }
0x125: {  	[sflag:s5] =	ssyncset.done $0x0  }
0x126: {  	s1 =	rddreg [dreg:$0x5];
	[sflag:s5] =	ssyncadd.s32 $0xFFFE7000  }
0x127: {  	[tilespmem:s2], [sflag:$0x2] =	stream.linear.gather [hbm4b:s1+s2], $0x190, $0x38;
	[tilespmem:$0x19200] =	vst v63  }
0x128: {  	_ =	swait.ge [sflag:s5], $0x190  }
0x129: {  	[sflag:s5] =	ssyncset.done $0x0  }
0x12a: {  	[sflag:s5] =	ssyncadd.s32 $0xFFFFFE70  }
0x12b: {  	v3 =	vld [tilespmem:$0x0];
	_ =	sdelay $0x4  }
0x12c: {  	v39 =	vshll.u32 v3, $0x1  }
0x12d: {  	v3 =	vand.u32 $0x7, v3;
	v4 =	vand.u32 $0xFFFFFFF0, v39  }
0x12e: {  	v3 =	vor.u32 v3, v4  }
0x12f: {  	v4 =	vperm.xlane v3, v0;
	_ =	sdelay $0x1  }
0x130: {  	v3 =	vperm.xlane v3, v2;
	v4 =	vadd.s32 v1, v4;
	_ =	sdelay $0x1  }
0x131: {  	v3 =	vadd.s32 v1, v3;
	_ =	sdelay $0x2  }
0x132: {  	[tilespmem:s0], [sflag:$0x1] =	stream.indirect_vreg.gather [hbm4b:s3+s2], $0x80, v4, vm0, $0xb8;
	[tilespmem:$0x19200] =	vst v63  }
0x133: {  	s1 =	simm.s32 $0xA00  }
0x134: {  	[tilespmem:s1], [sflag:$0x1] =	stream.indirect_vreg.gather [hbm4b:s3+s2], $0x80, v3, vm0, $0xb8;
	[tilespmem:$0x19200] =	vst v63  }
0x135: {  	v3 =	vld [tilespmem:$0x10];
	_ =	sdelay $0x4  }
0x136: {  	v40 =	vshll.u32 v3, $0x1  }
0x137: {  	v3 =	vand.u32 $0x7, v3;
	v4 =	vand.u32 $0xFFFFFFF0, v40  }
0x138: {  	v3 =	vor.u32 v3, v4  }
0x139: {  	v4 =	vperm.xlane v3, v0;
	_ =	sdelay $0x1  }
0x13a: {  	v3 =	vperm.xlane v3, v2;
	v4 =	vadd.s32 v1, v4;
	_ =	sdelay $0x1  }
0x13b: {  	v3 =	vadd.s32 v1, v3;
	_ =	sdelay $0x2  }
0x13c: {  	[tilespmem:s7], [sflag:$0x1] =	stream.indirect_vreg.gather [hbm4b:s3+s2], $0x80, v4, vm0, $0xb8;
	[tilespmem:$0x19200] =	vst v63  }
0x13d: {  	_ = 	snop  }
0x13e: {  	[tilespmem:s8], [sflag:$0x1] =	stream.indirect_vreg.gather [hbm4b:s3+s2], $0x80, v3, vm0, $0xb8;
	[tilespmem:$0x19200] =	vst v63  }
0x13f: {  	v3 =	vld [tilespmem:$0x20];
	_ =	sdelay $0x4  }
0x140: {  	v41 =	vshll.u32 v3, $0x1  }
0x141: {  	v3 =	vand.u32 $0x7, v3;
	v4 =	vand.u32 $0xFFFFFFF0, v41  }
0x142: {  	v3 =	vor.u32 v3, v4  }
0x143: {  	v4 =	vperm.xlane v3, v0;
	_ =	sdelay $0x1  }
0x144: {  	v3 =	vperm.xlane v3, v2;
	v4 =	vadd.s32 v1, v4;
	_ =	sdelay $0x1  }
0x145: {  	v3 =	vadd.s32 v1, v3;
	_ =	sdelay $0x2  }
0x146: {  	[tilespmem:s9], [sflag:$0x1] =	stream.indirect_vreg.gather [hbm4b:s3+s2], $0x80, v4, vm0, $0xb8;
	[tilespmem:$0x19200] =	vst v63  }
0x147: {  	_ = 	snop  }
0x148: {  	[tilespmem:s10], [sflag:$0x1] =	stream.indirect_vreg.gather [hbm4b:s3+s2], $0x80, v3, vm0, $0xb8;
	[tilespmem:$0x19200] =	vst v63  }
0x149: {  	v3 =	vld [tilespmem:$0x30];
	_ =	sdelay $0x4  }
0x14a: {  	v42 =	vshll.u32 v3, $0x1  }
0x14b: {  	v3 =	vand.u32 $0x7, v3;
	v4 =	vand.u32 $0xFFFFFFF0, v42  }
0x14c: {  	v3 =	vor.u32 v3, v4  }
0x14d: {  	v4 =	vperm.xlane v3, v0;
	_ =	sdelay $0x1  }
0x14e: {  	v3 =	vperm.xlane v3, v2;
	v4 =	vadd.s32 v1, v4;
	_ =	sdelay $0x1  }
0x14f: {  	v3 =	vadd.s32 v1, v3;
	_ =	sdelay $0x2  }
0x150: {  	[tilespmem:s11], [sflag:$0x1] =	stream.indirect_vreg.gather [hbm4b:s3+s2], $0x80, v4, vm0, $0xb8;
	[tilespmem:$0x19200] =	vst v63  }
0x151: {  	_ = 	snop  }
0x152: {  	[tilespmem:s12], [sflag:$0x1] =	stream.indirect_vreg.gather [hbm4b:s3+s2], $0x80, v3, vm0, $0xb8;
	[tilespmem:$0x19200] =	vst v63  }
0x153: {  	v3 =	vld [tilespmem:$0x40];
	_ =	sdelay $0x4  }
0x154: {  	v43 =	vshll.u32 v3, $0x1  }
0x155: {  	v3 =	vand.u32 $0x7, v3;
	v4 =	vand.u32 $0xFFFFFFF0, v43  }
0x156: {  	v3 =	vor.u32 v3, v4  }
0x157: {  	v4 =	vperm.xlane v3, v0;
	_ =	sdelay $0x1  }
0x158: {  	v3 =	vperm.xlane v3, v2;
	v4 =	vadd.s32 v1, v4;
	_ =	sdelay $0x1  }
0x159: {  	v3 =	vadd.s32 v1, v3;
	_ =	sdelay $0x2  }
0x15a: {  	[tilespmem:s13], [sflag:$0x1] =	stream.indirect_vreg.gather [hbm4b:s3+s2], $0x80, v4, vm0, $0xb8;
	[tilespmem:$0x19200] =	vst v63  }
0x15b: {  	_ = 	snop  }
0x15c: {  	[tilespmem:s14], [sflag:$0x1] =	stream.indirect_vreg.gather [hbm4b:s3+s2], $0x80, v3, vm0, $0xb8;
	[tilespmem:$0x19200] =	vst v63  }
0x15d: {  	v3 =	vld [tilespmem:$0x50];
	_ =	sdelay $0x4  }
0x15e: {  	v44 =	vshll.u32 v3, $0x1  }
0x15f: {  	v3 =	vand.u32 $0x7, v3;
	v4 =	vand.u32 $0xFFFFFFF0, v44  }
0x160: {  	v3 =	vor.u32 v3, v4  }
0x161: {  	v4 =	vperm.xlane v3, v0;
	_ =	sdelay $0x1  }
0x162: {  	v3 =	vperm.xlane v3, v2;
	v4 =	vadd.s32 v1, v4;
	_ =	sdelay $0x1  }
0x163: {  	v3 =	vadd.s32 v1, v3;
	_ =	sdelay $0x2  }
0x164: {  	[tilespmem:s15], [sflag:$0x1] =	stream.indirect_vreg.gather [hbm4b:s3+s2], $0x80, v4, vm0, $0xb8;
	[tilespmem:$0x19200] =	vst v63  }
0x165: {  	_ = 	snop  }
0x166: {  	[tilespmem:s16], [sflag:$0x1] =	stream.indirect_vreg.gather [hbm4b:s3+s2], $0x80, v3, vm0, $0xb8;
	[tilespmem:$0x19200] =	vst v63  }
0x167: {  	v3 =	vld [tilespmem:$0x60];
	_ =	sdelay $0x4  }
0x168: {  	v45 =	vshll.u32 v3, $0x1  }
0x169: {  	v3 =	vand.u32 $0x7, v3;
	v4 =	vand.u32 $0xFFFFFFF0, v45  }
0x16a: {  	v3 =	vor.u32 v3, v4  }
0x16b: {  	v4 =	vperm.xlane v3, v0;
	_ =	sdelay $0x1  }
0x16c: {  	v3 =	vperm.xlane v3, v2;
	v4 =	vadd.s32 v1, v4;
	_ =	sdelay $0x1  }
0x16d: {  	v3 =	vadd.s32 v1, v3;
	_ =	sdelay $0x2  }
0x16e: {  	[tilespmem:s17], [sflag:$0x1] =	stream.indirect_vreg.gather [hbm4b:s3+s2], $0x80, v4, vm0, $0xb8;
	[tilespmem:$0x19200] =	vst v63  }
0x16f: {  	_ = 	snop  }
0x170: {  	[tilespmem:s18], [sflag:$0x1] =	stream.indirect_vreg.gather [hbm4b:s3+s2], $0x80, v3, vm0, $0xb8;
	[tilespmem:$0x19200] =	vst v63  }
0x171: {  	v3 =	vld [tilespmem:$0x70];
	_ =	sdelay $0x4  }
0x172: {  	v46 =	vshll.u32 v3, $0x1  }
0x173: {  	v3 =	vand.u32 $0x7, v3;
	v4 =	vand.u32 $0xFFFFFFF0, v46  }
0x174: {  	v3 =	vor.u32 v3, v4  }
0x175: {  	v4 =	vperm.xlane v3, v0;
	_ =	sdelay $0x1  }
0x176: {  	v3 =	vperm.xlane v3, v2;
	v4 =	vadd.s32 v1, v4;
	_ =	sdelay $0x1  }
0x177: {  	v3 =	vadd.s32 v1, v3;
	_ =	sdelay $0x2  }
0x178: {  	[tilespmem:s19], [sflag:$0x1] =	stream.indirect_vreg.gather [hbm4b:s3+s2], $0x80, v4, vm0, $0xb8;
	[tilespmem:$0x19200] =	vst v63  }
0x179: {  	_ = 	snop  }
0x17a: {  	[tilespmem:s20], [sflag:$0x1] =	stream.indirect_vreg.gather [hbm4b:s3+s2], $0x80, v3, vm0, $0xb8;
	[tilespmem:$0x19200] =	vst v63  }
0x17b: {  	v3 =	vld [tilespmem:$0x80];
	_ =	sdelay $0x4  }
0x17c: {  	v47 =	vshll.u32 v3, $0x1  }
0x17d: {  	v3 =	vand.u32 $0x7, v3;
	v4 =	vand.u32 $0xFFFFFFF0, v47  }
0x17e: {  	v3 =	vor.u32 v3, v4  }
0x17f: {  	v4 =	vperm.xlane v3, v0;
	_ =	sdelay $0x1  }
0x180: {  	v3 =	vperm.xlane v3, v2;
	v4 =	vadd.s32 v1, v4;
	_ =	sdelay $0x1  }
0x181: {  	v3 =	vadd.s32 v1, v3;
	_ =	sdelay $0x2  }
0x182: {  	[tilespmem:s21], [sflag:$0x1] =	stream.indirect_vreg.gather [hbm4b:s3+s2], $0x80, v4, vm0, $0xb8;
	[tilespmem:$0x19200] =	vst v63  }
0x183: {  	_ = 	snop  }
0x184: {  	[tilespmem:s22], [sflag:$0x1] =	stream.indirect_vreg.gather [hbm4b:s3+s2], $0x80, v3, vm0, $0xb8;
	[tilespmem:$0x19200] =	vst v63  }
0x185: {  	v3 =	vld [tilespmem:$0x90];
	_ =	sdelay $0x4  }
0x186: {  	v48 =	vshll.u32 v3, $0x1  }
0x187: {  	v3 =	vand.u32 $0x7, v3;
	v4 =	vand.u32 $0xFFFFFFF0, v48  }
0x188: {  	v3 =	vor.u32 v3, v4  }
0x189: {  	v4 =	vperm.xlane v3, v0;
	_ =	sdelay $0x1  }
0x18a: {  	v3 =	vperm.xlane v3, v2;
	v4 =	vadd.s32 v1, v4;
	_ =	sdelay $0x1  }
0x18b: {  	v3 =	vadd.s32 v1, v3;
	_ =	sdelay $0x2  }
0x18c: {  	[tilespmem:s23], [sflag:$0x1] =	stream.indirect_vreg.gather [hbm4b:s3+s2], $0x80, v4, vm0, $0xb8;
	[tilespmem:$0x19200] =	vst v63  }
0x18d: {  	_ = 	snop  }
0x18e: {  	[tilespmem:s24], [sflag:$0x1] =	stream.indirect_vreg.gather [hbm4b:s3+s2], $0x80, v3, vm0, $0xb8;
	[tilespmem:$0x19200] =	vst v63  }
0x18f: {  	v3 =	vld [tilespmem:$0xA0];
	_ =	sdelay $0x4  }
0x190: {  	v49 =	vshll.u32 v3, $0x1  }
0x191: {  	v3 =	vand.u32 $0x7, v3;
	v4 =	vand.u32 $0xFFFFFFF0, v49  }
0x192: {  	v3 =	vor.u32 v3, v4  }
0x193: {  	v4 =	vperm.xlane v3, v0;
	_ =	sdelay $0x1  }
0x194: {  	v3 =	vperm.xlane v3, v2;
	v4 =	vadd.s32 v1, v4;
	_ =	sdelay $0x1  }
0x195: {  	v3 =	vadd.s32 v1, v3;
	_ =	sdelay $0x2  }
0x196: {  	[tilespmem:s25], [sflag:$0x1] =	stream.indirect_vreg.gather [hbm4b:s3+s2], $0x80, v4, vm0, $0xb8;
	[tilespmem:$0x19200] =	vst v63  }
0x197: {  	_ = 	snop  }
0x198: {  	[tilespmem:s26], [sflag:$0x1] =	stream.indirect_vreg.gather [hbm4b:s3+s2], $0x80, v3, vm0, $0xb8;
	[tilespmem:$0x19200] =	vst v63  }
0x199: {  	v3 =	vld [tilespmem:$0xB0];
	_ =	sdelay $0x4  }
0x19a: {  	v50 =	vshll.u32 v3, $0x1  }
0x19b: {  	v3 =	vand.u32 $0x7, v3;
	v4 =	vand.u32 $0xFFFFFFF0, v50  }
0x19c: {  	v3 =	vor.u32 v3, v4  }
0x19d: {  	v4 =	vperm.xlane v3, v0;
	_ =	sdelay $0x1  }
0x19e: {  	v3 =	vperm.xlane v3, v2;
	v4 =	vadd.s32 v1, v4;
	_ =	sdelay $0x1  }
0x19f: {  	v3 =	vadd.s32 v1, v3;
	_ =	sdelay $0x2  }
0x1a0: {  	[tilespmem:s28], [sflag:$0x1] =	stream.indirect_vreg.gather [hbm4b:s3+s2], $0x80, v4, vm0, $0xb8;
	[tilespmem:$0x19200] =	vst v63  }
0x1a1: {  	_ = 	snop  }
0x1a2: {  	[tilespmem:s29], [sflag:$0x1] =	stream.indirect_vreg.gather [hbm4b:s3+s2], $0x80, v3, vm0, $0xb8;
	[tilespmem:$0x19200] =	vst v63  }
0x1a3: {  	v3 =	vld [tilespmem:$0xC0];
	_ =	sdelay $0x4  }
0x1a4: {  	v51 =	vshll.u32 v3, $0x1  }
0x1a5: {  	v3 =	vand.u32 $0x7, v3;
	v4 =	vand.u32 $0xFFFFFFF0, v51  }
0x1a6: {  	v3 =	vor.u32 v3, v4  }
0x1a7: {  	v4 =	vperm.xlane v3, v0;
	_ =	sdelay $0x1  }
0x1a8: {  	v3 =	vperm.xlane v3, v2;
	v4 =	vadd.s32 v1, v4;
	_ =	sdelay $0x1  }
0x1a9: {  	v3 =	vadd.s32 v1, v3;
	_ =	sdelay $0x2  }
0x1aa: {  	[tilespmem:s30], [sflag:$0x1] =	stream.indirect_vreg.gather [hbm4b:s3+s2], $0x80, v4, vm0, $0xb8;
	[tilespmem:$0x19200] =	vst v63  }
0x1ab: {  	_ = 	snop  }
0x1ac: {  	[tilespmem:s6], [sflag:$0x1] =	stream.indirect_vreg.gather [hbm4b:s3+s2], $0x80, v3, vm0, $0xb8;
	[tilespmem:$0x19200] =	vst v63  }
0x1ad: {  	v3 =	vld [tilespmem:$0xD0];
	_ =	sdelay $0x4  }
0x1ae: {  	v52 =	vshll.u32 v3, $0x1  }
0x1af: {  	v3 =	vand.u32 $0x7, v3;
	v4 =	vand.u32 $0xFFFFFFF0, v52  }
0x1b0: {  	v3 =	vor.u32 v3, v4  }
0x1b1: {  	v4 =	vperm.xlane v3, v0;
	_ =	sdelay $0x1  }
0x1b2: {  	v3 =	vperm.xlane v3, v2;
	v4 =	vadd.s32 v1, v4;
	_ =	sdelay $0x1  }
0x1b3: {  	v3 =	vadd.s32 v1, v3;
	_ =	sdelay $0x1  }
0x1b4: {  	s1 =	simm.s32 $0xD200  }
0x1b5: {  	[tilespmem:s1], [sflag:$0x1] =	stream.indirect_vreg.gather [hbm4b:s3+s2], $0x80, v4, vm0, $0xb8;
	[tilespmem:$0x19200] =	vst v63  }
0x1b6: {  	s1 =	simm.s32 $0xDA00  }
0x1b7: {  	[tilespmem:s1], [sflag:$0x1] =	stream.indirect_vreg.gather [hbm4b:s3+s2], $0x80, v3, vm0, $0xb8;
	[tilespmem:$0x19200] =	vst v63  }
0x1b8: {  	v3 =	vld [tilespmem:$0xE0];
	_ =	sdelay $0x4  }
0x1b9: {  	v53 =	vshll.u32 v3, $0x1  }
0x1ba: {  	v3 =	vand.u32 $0x7, v3;
	v4 =	vand.u32 $0xFFFFFFF0, v53  }
0x1bb: {  	v3 =	vor.u32 v3, v4  }
0x1bc: {  	v4 =	vperm.xlane v3, v0;
	_ =	sdelay $0x1  }
0x1bd: {  	v3 =	vperm.xlane v3, v2;
	v4 =	vadd.s32 v1, v4;
	_ =	sdelay $0x1  }
0x1be: {  	v3 =	vadd.s32 v1, v3;
	_ =	sdelay $0x1  }
0x1bf: {  	s1 =	simm.s32 $0xE200  }
0x1c0: {  	[tilespmem:s1], [sflag:$0x1] =	stream.indirect_vreg.gather [hbm4b:s3+s2], $0x80, v4, vm0, $0xb8;
	[tilespmem:$0x19200] =	vst v63  }
0x1c1: {  	s1 =	simm.s32 $0xEA00  }
0x1c2: {  	[tilespmem:s1], [sflag:$0x1] =	stream.indirect_vreg.gather [hbm4b:s3+s2], $0x80, v3, vm0, $0xb8;
	[tilespmem:$0x19200] =	vst v63  }
0x1c3: {  	v3 =	vld [tilespmem:$0xF0];
	_ =	sdelay $0x4  }
0x1c4: {  	v54 =	vshll.u32 v3, $0x1  }
0x1c5: {  	v3 =	vand.u32 $0x7, v3;
	v4 =	vand.u32 $0xFFFFFFF0, v54  }
0x1c6: {  	v3 =	vor.u32 v3, v4  }
0x1c7: {  	v4 =	vperm.xlane v3, v0;
	_ =	sdelay $0x1  }
0x1c8: {  	v3 =	vperm.xlane v3, v2;
	v4 =	vadd.s32 v1, v4;
	_ =	sdelay $0x1  }
0x1c9: {  	v3 =	vadd.s32 v1, v3;
	_ =	sdelay $0x1  }
0x1ca: {  	s1 =	simm.s32 $0xF200  }
0x1cb: {  	[tilespmem:s1], [sflag:$0x1] =	stream.indirect_vreg.gather [hbm4b:s3+s2], $0x80, v4, vm0, $0xb8;
	[tilespmem:$0x19200] =	vst v63  }
0x1cc: {  	s1 =	simm.s32 $0xFA00  }
0x1cd: {  	[tilespmem:s1], [sflag:$0x1] =	stream.indirect_vreg.gather [hbm4b:s3+s2], $0x80, v3, vm0, $0xb8;
	[tilespmem:$0x19200] =	vst v63  }
0x1ce: {  	v3 =	vld [tilespmem:$0x100];
	_ =	sdelay $0x4  }
0x1cf: {  	v55 =	vshll.u32 v3, $0x1  }
0x1d0: {  	v3 =	vand.u32 $0x7, v3;
	v4 =	vand.u32 $0xFFFFFFF0, v55  }
0x1d1: {  	v3 =	vor.u32 v3, v4  }
0x1d2: {  	v4 =	vperm.xlane v3, v0;
	_ =	sdelay $0x1  }
0x1d3: {  	v3 =	vperm.xlane v3, v2;
	v4 =	vadd.s32 v1, v4;
	_ =	sdelay $0x1  }
0x1d4: {  	v3 =	vadd.s32 v1, v3;
	_ =	sdelay $0x1  }
0x1d5: {  	s1 =	simm.s32 $0x10200  }
0x1d6: {  	[tilespmem:s1], [sflag:$0x1] =	stream.indirect_vreg.gather [hbm4b:s3+s2], $0x80, v4, vm0, $0xb8;
	[tilespmem:$0x19200] =	vst v63  }
0x1d7: {  	s1 =	simm.s32 $0x10A00  }
0x1d8: {  	[tilespmem:s1], [sflag:$0x1] =	stream.indirect_vreg.gather [hbm4b:s3+s2], $0x80, v3, vm0, $0xb8;
	[tilespmem:$0x19200] =	vst v63  }
0x1d9: {  	v3 =	vld [tilespmem:$0x110];
	_ =	sdelay $0x4  }
0x1da: {  	v56 =	vshll.u32 v3, $0x1  }
0x1db: {  	v3 =	vand.u32 $0x7, v3;
	v4 =	vand.u32 $0xFFFFFFF0, v56  }
0x1dc: {  	v3 =	vor.u32 v3, v4  }
0x1dd: {  	v4 =	vperm.xlane v3, v0;
	_ =	sdelay $0x1  }
0x1de: {  	v3 =	vperm.xlane v3, v2;
	v4 =	vadd.s32 v1, v4;
	_ =	sdelay $0x1  }
0x1df: {  	v3 =	vadd.s32 v1, v3;
	_ =	sdelay $0x1  }
0x1e0: {  	s1 =	simm.s32 $0x11200  }
0x1e1: {  	[tilespmem:s1], [sflag:$0x1] =	stream.indirect_vreg.gather [hbm4b:s3+s2], $0x80, v4, vm0, $0xb8;
	[tilespmem:$0x19200] =	vst v63  }
0x1e2: {  	s1 =	simm.s32 $0x11A00  }
0x1e3: {  	[tilespmem:s1], [sflag:$0x1] =	stream.indirect_vreg.gather [hbm4b:s3+s2], $0x80, v3, vm0, $0xb8;
	[tilespmem:$0x19200] =	vst v63  }
0x1e4: {  	v3 =	vld [tilespmem:$0x120];
	_ =	sdelay $0x4  }
0x1e5: {  	v57 =	vshll.u32 v3, $0x1  }
0x1e6: {  	v3 =	vand.u32 $0x7, v3;
	v4 =	vand.u32 $0xFFFFFFF0, v57  }
0x1e7: {  	v3 =	vor.u32 v3, v4  }
0x1e8: {  	v4 =	vperm.xlane v3, v0;
	_ =	sdelay $0x1  }
0x1e9: {  	v3 =	vperm.xlane v3, v2;
	v4 =	vadd.s32 v1, v4;
	_ =	sdelay $0x1  }
0x1ea: {  	v3 =	vadd.s32 v1, v3;
	_ =	sdelay $0x1  }
0x1eb: {  	s1 =	simm.s32 $0x12200  }
0x1ec: {  	[tilespmem:s1], [sflag:$0x1] =	stream.indirect_vreg.gather [hbm4b:s3+s2], $0x80, v4, vm0, $0xb8;
	[tilespmem:$0x19200] =	vst v63  }
0x1ed: {  	s1 =	simm.s32 $0x12A00  }
0x1ee: {  	[tilespmem:s1], [sflag:$0x1] =	stream.indirect_vreg.gather [hbm4b:s3+s2], $0x80, v3, vm0, $0xb8;
	[tilespmem:$0x19200] =	vst v63  }
0x1ef: {  	v3 =	vld [tilespmem:$0x130];
	_ =	sdelay $0x4  }
0x1f0: {  	v58 =	vshll.u32 v3, $0x1  }
0x1f1: {  	v3 =	vand.u32 $0x7, v3;
	v4 =	vand.u32 $0xFFFFFFF0, v58  }
0x1f2: {  	v3 =	vor.u32 v3, v4  }
0x1f3: {  	v4 =	vperm.xlane v3, v0;
	_ =	sdelay $0x1  }
0x1f4: {  	v3 =	vperm.xlane v3, v2;
	v4 =	vadd.s32 v1, v4;
	_ =	sdelay $0x1  }
0x1f5: {  	v3 =	vadd.s32 v1, v3;
	_ =	sdelay $0x1  }
0x1f6: {  	s1 =	simm.s32 $0x13200  }
0x1f7: {  	[tilespmem:s1], [sflag:$0x1] =	stream.indirect_vreg.gather [hbm4b:s3+s2], $0x80, v4, vm0, $0xb8;
	[tilespmem:$0x19200] =	vst v63  }
0x1f8: {  	s1 =	simm.s32 $0x13A00  }
0x1f9: {  	[tilespmem:s1], [sflag:$0x1] =	stream.indirect_vreg.gather [hbm4b:s3+s2], $0x80, v3, vm0, $0xb8;
	[tilespmem:$0x19200] =	vst v63  }
0x1fa: {  	v3 =	vld [tilespmem:$0x140];
	_ =	sdelay $0x4  }
0x1fb: {  	v59 =	vshll.u32 v3, $0x1  }
0x1fc: {  	v3 =	vand.u32 $0x7, v3;
	v4 =	vand.u32 $0xFFFFFFF0, v59  }
0x1fd: {  	v3 =	vor.u32 v3, v4  }
0x1fe: {  	v4 =	vperm.xlane v3, v0;
	_ =	sdelay $0x1  }
0x1ff: {  	v3 =	vperm.xlane v3, v2;
	v4 =	vadd.s32 v1, v4;
	_ =	sdelay $0x1  }
0x200: {  	v3 =	vadd.s32 v1, v3;
	_ =	sdelay $0x1  }
0x201: {  	s1 =	simm.s32 $0x14200  }
0x202: {  	[tilespmem:s1], [sflag:$0x1] =	stream.indirect_vreg.gather [hbm4b:s3+s2], $0x80, v4, vm0, $0xb8;
	[tilespmem:$0x19200] =	vst v63  }
0x203: {  	s1 =	simm.s32 $0x14A00  }
0x204: {  	[tilespmem:s1], [sflag:$0x1] =	stream.indirect_vreg.gather [hbm4b:s3+s2], $0x80, v3, vm0, $0xb8;
	[tilespmem:$0x19200] =	vst v63  }
0x205: {  	v3 =	vld [tilespmem:$0x150];
	_ =	sdelay $0x4  }
0x206: {  	v60 =	vshll.u32 v3, $0x1  }
0x207: {  	v3 =	vand.u32 $0x7, v3;
	v4 =	vand.u32 $0xFFFFFFF0, v60  }
0x208: {  	v3 =	vor.u32 v3, v4  }
0x209: {  	v4 =	vperm.xlane v3, v0;
	_ =	sdelay $0x1  }
0x20a: {  	v3 =	vperm.xlane v3, v2;
	v4 =	vadd.s32 v1, v4;
	_ =	sdelay $0x1  }
0x20b: {  	v3 =	vadd.s32 v1, v3;
	_ =	sdelay $0x1  }
0x20c: {  	s1 =	simm.s32 $0x15200  }
0x20d: {  	[tilespmem:s1], [sflag:$0x1] =	stream.indirect_vreg.gather [hbm4b:s3+s2], $0x80, v4, vm0, $0xb8;
	[tilespmem:$0x19200] =	vst v63  }
0x20e: {  	s1 =	simm.s32 $0x15A00  }
0x20f: {  	[tilespmem:s1], [sflag:$0x1] =	stream.indirect_vreg.gather [hbm4b:s3+s2], $0x80, v3, vm0, $0xb8;
	[tilespmem:$0x19200] =	vst v63  }
0x210: {  	v3 =	vld [tilespmem:$0x160];
	_ =	sdelay $0x4  }
0x211: {  	v61 =	vshll.u32 v3, $0x1  }
0x212: {  	v3 =	vand.u32 $0x7, v3;
	v4 =	vand.u32 $0xFFFFFFF0, v61  }
0x213: {  	v3 =	vor.u32 v3, v4  }
0x214: {  	v4 =	vperm.xlane v3, v0;
	_ =	sdelay $0x1  }
0x215: {  	v3 =	vperm.xlane v3, v2;
	v4 =	vadd.s32 v1, v4;
	_ =	sdelay $0x1  }
0x216: {  	v3 =	vadd.s32 v1, v3;
	_ =	sdelay $0x1  }
0x217: {  	s1 =	simm.s32 $0x16200  }
0x218: {  	[tilespmem:s1], [sflag:$0x1] =	stream.indirect_vreg.gather [hbm4b:s3+s2], $0x80, v4, vm0, $0xb8;
	[tilespmem:$0x19200] =	vst v63  }
0x219: {  	s1 =	simm.s32 $0x16A00  }
0x21a: {  	[tilespmem:s1], [sflag:$0x1] =	stream.indirect_vreg.gather [hbm4b:s3+s2], $0x80, v3, vm0, $0xb8;
	[tilespmem:$0x19200] =	vst v63  }
0x21b: {  	v3 =	vld [tilespmem:$0x170];
	_ =	sdelay $0x4  }
0x21c: {  	v62 =	vshll.u32 v3, $0x1  }
0x21d: {  	v3 =	vand.u32 $0x7, v3;
	v4 =	vand.u32 $0xFFFFFFF0, v62  }
0x21e: {  	v3 =	vor.u32 v3, v4  }
0x21f: {  	v4 =	vperm.xlane v3, v0;
	_ =	sdelay $0x1  }
0x220: {  	v3 =	vperm.xlane v3, v2;
	v4 =	vadd.s32 v1, v4;
	_ =	sdelay $0x1  }
0x221: {  	v3 =	vadd.s32 v1, v3;
	_ =	sdelay $0x1  }
0x222: {  	s1 =	simm.s32 $0x17200  }
0x223: {  	[tilespmem:s1], [sflag:$0x1] =	stream.indirect_vreg.gather [hbm4b:s3+s2], $0x80, v4, vm0, $0xb8;
	[tilespmem:$0x19200] =	vst v63  }
0x224: {  	s1 =	simm.s32 $0x17A00  }
0x225: {  	[tilespmem:s1], [sflag:$0x1] =	stream.indirect_vreg.gather [hbm4b:s3+s2], $0x80, v3, vm0, $0xb8;
	[tilespmem:$0x19200] =	vst v63  }
0x226: {  	v3 =	vld [tilespmem:$0x180];
	_ =	sdelay $0x4  }
0x227: {  	v63 =	vshll.u32 v3, $0x1  }
0x228: {  	v3 =	vand.u32 $0x7, v3;
	v4 =	vand.u32 $0xFFFFFFF0, v63  }
0x229: {  	v3 =	vor.u32 v3, v4  }
0x22a: {  	v4 =	vperm.xlane v3, v0;
	_ =	sdelay $0x1  }
0x22b: {  	v3 =	vperm.xlane v3, v2;
	v4 =	vadd.s32 v1, v4;
	_ =	sdelay $0x1  }
0x22c: {  	v3 =	vadd.s32 v1, v3;
	_ =	sdelay $0x1  }
0x22d: {  	s1 =	simm.s32 $0x18200  }
0x22e: {  	[tilespmem:s1], [sflag:$0x1] =	stream.indirect_vreg.gather [hbm4b:s3+s2], $0x80, v4, vm0, $0xb8;
	[tilespmem:$0x19200] =	vst v63  }
0x22f: {  	s1 =	simm.s32 $0x18A00  }
0x230: {  	[tilespmem:s1], [sflag:$0x1] =	stream.indirect_vreg.gather [hbm4b:s3+s2], $0x80, v3, vm0, $0xb8;
	[tilespmem:$0x19200] =	vst v63  }
0x231: {  	_ =	swait.ge [sflag:s31], $0x19000  }
0x232: {  	p0 =	sne.s32 s4, $0x1;
	s0 =	simm.s32 $0x200;
	[sflag:s31] =	ssyncset.done $0x0  }
.Ltmp0:
0x233: {  	s1 =	rddreg [dreg:$0x6];
	[sflag:s31] =	ssyncadd.s32 $0xFFFE7000;
	(pc) =	sbr.rel @p0 .LBB2_1-.Ltmp0, $4  }
0x234: {  	[hbm4b:s1+s2] =	stream.linear.scatter [tilespmem:s0], [sflag:$0x2], $0x19000, $0x38;
	[tilespmem:$0x19200] =	vst v63  }
0x235: {  	_ =	swait.ge [sflag:s5], $0x19000  }
0x236: {  	[sflag:s5] =	ssyncset.done $0x0  }
0x237: {  	s4 =	sadd.s32 $0xFFFFFFFF, s4;
	[sflag:s5] =	ssyncadd.s32 $0xFFFE7000  }
0x238: {  	_ =	sfence.sel $0x180000  }
0x239: {  	[bflag:$0x0] =	sbarrier.arrive $0xFFFF  }
0x23a: {  	_ =	strace $0x90000050  }
0x23b: {  	s0 =	stileid.u32;
	[bflag:$0x2] =	sbarrier.arrive $0xFFFF  }
0x23c: {  	p0 =	sne.s32 s0, $0x0;
	s0 =	rddreg [dreg:$0x2]  }
0x23d: {  	s0 =	sadd.s32 @!p0 $0x100000, s0  }
0x23e: {  	[sflag:s0] =	ssyncadd.tile.s32 @!p0 $0x1;
	_ =	shalt  }
.Lfunc_end2:
_tile_overlayer_lowered:
.L_overlay_start_2:
0x23f: {  	(tag) =	ssettag $0x2  }
0x240: {  	s0 =	rddreg [dreg:$0x0];
	s2 =	stileid.u32  }
0x241: {  	s1 =	rddreg [dreg:$0x1];
	p0 =	sne.s32 s2, $0x0  }
0x242: {  	s3 =	rddreg [dreg:$0x2];
	[bflag:$0x3] =	sbarrier.arrive $0xFFFF;
	s2 =	simm.s32 @!p0 $0x1C02  }
0x243: {  	[timem:s3], [sflag:s2] =	dma.local @!p0 [hbm:s0], s1  }
0x244: {  	s0 =	simm.s32 @!p0 $0x2  }
0x245: {  	_ =	swait.ge @!p0 [sflag:s0], s1  }
0x246: {  	s1 =	ssub.s32 @!p0 $0x0, s1;
	[sflag:s0] =	ssyncset.done @!p0 $0x0  }
0x247: {  	[sflag:s0] =	ssyncadd.s32 @!p0 s1  }
0x248: {  	[bflag:$0x3] =	sbarrier.arrive $0xFFFF  }
0x249: {  	_ =	shalt  }

// kernel: kernel.23.cloned.1.call-start
scs
__scs_entry_jumppad:
0x0: {  	(pc) =	sbr.rel $0x88, $3  }
0x1: {  	(tag) =	ssettag $0x0;
	lr =	simm.s32 $0x1  }
0x2: {  	[smem:$0x3F8C] =	sst lr;
	_ =	strace $0xD0000000  }
0x3: {  	_ = 	snop  }
0x4: {  	_ = 	snop  }
0x5: {  	_ = 	snop  }
0x6: {  	_ = 	snop  }
0x7: {  	_ = 	snop  }
__scs_overlays_trampoline_lowered:
0x8: {  	[smem:$0x3F9B] =	sst s0  }
0x9: {  	[smem:$0x3F9C] =	sst s1  }
0xa: {  	[smem:$0x3F9D] =	sst s2  }
0xb: {  	[smem:$0x3F9E] =	sst s3  }
0xc: {  	[smem:$0x3F9F] =	sst s4  }
0xd: {  	[smem:$0x3FA0] =	sst s5  }
0xe: {  	[smem:$0x3FA1] =	sst s6  }
0xf: {  	[smem:$0x3FA2] =	sst s7  }
0x10: {  	[smem:$0x3FA3] =	sst s8  }
0x11: {  	[smem:$0x3FA4] =	sst s9;
	s0 =	simm.s32 @!p0 $0x0  }
0x12: {  	s1 =	sld [smem:$0x3F8A];
	s0 =	simm.s32 @p0 $0x1  }
0x13: {  	[smem:$0x3FA5] =	sst s0;
	s0 =	simm.s32 @!p1 $0x0  }
0x14: {  	s2 =	sld [smem:$0x3F89];
	s0 =	simm.s32 @p1 $0x1  }
0x15: {  	[smem:$0x3FA6] =	sst s0;
	s0 =	simm.s32 @!p2 $0x0  }
0x16: {  	s3 =	sld [smem:$0x3FDB];
	s0 =	simm.s32 @p2 $0x1  }
0x17: {  	s4 =	simm.s32 $0x1BF5;
	[smem:$0x3FA8] =	sst s0  }
0x18: {  	s0 =	sld [smem:$0x3F8B];
	_ =	swait.ge [sflag:s4], $0x0  }
0x19: {  	s7 =	sld [smem:$0x3F8C]  }
0x1a: {  	s8 =	sadd.s32 $0xFFFFE003, lr  }
0x1b: {  	s9 =	sadd.s32 $0xFFFFFEF7, lr;
	s5 =	simm.s32 $0xFFFFFFFF;
	p2 =	slt.u32 s8, $0xFFFFF086  }
0x1c: {  	p1 =	slt.u32 s9, $0xF7A;
	s5 =	simm.s32 @!p2 $0x0  }
0x1d: {  	s5 =	simm.s32 @p1 $0x1;
	p0 =	seq.s32 s7, s2  }
0x1e: {  	s7 =	smul.u32 @!p0 $0xF7A, s2;
	p2 =	seq.s32 @!p0 s5, $0x0  }
0x1f: {  	s9 =	smul.u32 $0xF7A, s1;
	s8 =	simm.s32 @!p0 $0x1BF5;
	p2 =	por !p2, p0  }
0x20: {  	[sflag:s8] =	ssyncset.s32 @!p0 $0xFFFFF086;
	s6 =	sadd.s32 @!p0 s3, s7;
	s7 =	simm.s32 @!p0 $0x108  }
0x21: {  	s3 =	sadd.s32 s3, s9;
	s6 =	sadd.s32 @!p0 $0x88, s6;
	s7 =	simm.s32 @p2 $0x1082  }
0x22: {  	[simem:s7], [sflag:s8] =	dma.local @!p0 [hbm:s6], $0xF7A  }
0x23: {  	s9 =	sor.u32 $0xD0000000, s2;
	s6 =	simm.s32 $0x108;
	_ =	swait.ge @!p0 [sflag:s8], $0x0  }
0x24: {  	s3 =	sadd.s32 $0x88, s3;
	s6 =	simm.s32 @!p1 $0x1082;
	[sflag:s4] =	ssyncset.s32 $0xFFFFF086  }
0x25: {  	[simem:s6], [sflag:s4] =	dma.local [hbm:s3], $0xF7A  }
0x26: {  	[smem:$0x3F8C] =	sst s1;
	(tag) =	ssettag s2;
	_ =	strace s9  }
0x27: {  	s1 =	sld [smem:$0x3F9C]  }
0x28: {  	s2 =	sld [smem:$0x3F9D]  }
0x29: {  	s4 =	sld [smem:$0x3F9F]  }
0x2a: {  	p0 =	seq.s32 s5, $0x0;
	s5 =	sld [smem:$0x3FA0]  }
0x2b: {  	s6 =	sld [smem:$0x3FA1]  }
0x2c: {  	s7 =	sld [smem:$0x3FA2]  }
0x2d: {  	s3 =	simm.s32 $0x108;
	s8 =	sld [smem:$0x3FA3]  }
0x2e: {  	s3 =	simm.s32 @!p0 $0x1082;
	s9 =	sld [smem:$0x3FA4]  }
0x2f: {  	lr =	sadd.s32 s0, s3;
	s0 =	sld [smem:$0x3F9B]  }
0x30: {  	s3 =	sld [smem:$0x3F9E]  }
0x31: {  	[smem:$0x3FA7] =	sst s10  }
0x32: {  	s10 =	sld [smem:$0x3FA5];
	_ =	sdelay $0x3  }
0x33: {  	p0 =	seq.s32 s10, $0x1;
	s10 =	sld [smem:$0x3FA7];
	_ =	sdelay $0x3  }
0x34: {  	[smem:$0x3FA7] =	sst s10  }
0x35: {  	s10 =	sld [smem:$0x3FA6];
	_ =	sdelay $0x3  }
0x36: {  	p1 =	seq.s32 s10, $0x1;
	s10 =	sld [smem:$0x3FA7];
	_ =	sdelay $0x3  }
0x37: {  	[smem:$0x3FA7] =	sst s10  }
0x38: {  	s10 =	sld [smem:$0x3FA8]  }
0x39: {  	_ = 	snop;
	(pc) =	sbr.ind lr, $3  }
0x3a: {  	_ = 	snop  }
0x3b: {  	_ = 	snop  }
0x3c: {  	p2 =	seq.s32 s10, $0x1;
	s10 =	sld [smem:$0x3FA7]  }
0x3d: {  	_ =	shalt  }
0x3e: {  	_ =	shalt  }
0x3f: {  	_ =	shalt  }
0x40: {  	_ =	shalt  }
0x41: {  	_ =	shalt  }
0x42: {  	_ =	shalt  }
0x43: {  	_ =	shalt  }
0x44: {  	_ =	shalt  }
0x45: {  	_ =	shalt  }
0x46: {  	_ =	shalt  }
0x47: {  	_ =	shalt  }
0x48: {  	_ =	shalt  }
0x49: {  	_ =	shalt  }
0x4a: {  	_ =	shalt  }
0x4b: {  	_ =	shalt  }
0x4c: {  	_ =	shalt  }
0x4d: {  	_ =	shalt  }
0x4e: {  	_ =	shalt  }
0x4f: {  	_ =	shalt  }
0x50: {  	_ =	shalt  }
0x51: {  	_ =	shalt  }
0x52: {  	_ =	shalt  }
0x53: {  	_ =	shalt  }
0x54: {  	_ =	shalt  }
0x55: {  	_ =	shalt  }
0x56: {  	_ =	shalt  }
0x57: {  	_ =	shalt  }
0x58: {  	_ =	shalt  }
0x59: {  	_ =	shalt  }
0x5a: {  	_ =	shalt  }
0x5b: {  	_ =	shalt  }
0x5c: {  	_ =	shalt  }
0x5d: {  	_ =	shalt  }
0x5e: {  	_ =	shalt  }
0x5f: {  	_ =	shalt  }
0x60: {  	_ =	shalt  }
0x61: {  	_ =	shalt  }
0x62: {  	_ =	shalt  }
0x63: {  	_ =	shalt  }
0x64: {  	_ =	shalt  }
0x65: {  	_ =	shalt  }
0x66: {  	_ =	shalt  }
0x67: {  	_ =	shalt  }
0x68: {  	_ =	shalt  }
0x69: {  	_ =	shalt  }
0x6a: {  	_ =	shalt  }
0x6b: {  	_ =	shalt  }
0x6c: {  	_ =	shalt  }
0x6d: {  	_ =	shalt  }
0x6e: {  	_ =	shalt  }
0x6f: {  	_ =	shalt  }
0x70: {  	_ =	shalt  }
0x71: {  	_ =	shalt  }
0x72: {  	_ =	shalt  }
0x73: {  	_ =	shalt  }
0x74: {  	_ =	shalt  }
0x75: {  	_ =	shalt  }
0x76: {  	_ =	shalt  }
0x77: {  	_ =	shalt  }
0x78: {  	_ =	shalt  }
0x79: {  	_ =	shalt  }
0x7a: {  	_ =	shalt  }
0x7b: {  	_ =	shalt  }
0x7c: {  	_ =	shalt  }
0x7d: {  	_ =	shalt  }
0x7e: {  	_ =	shalt  }
0x7f: {  	_ =	shalt  }
0x80: {  	_ =	shalt  }
0x81: {  	_ =	shalt  }
0x82: {  	_ =	shalt  }
0x83: {  	_ =	shalt  }
0x84: {  	_ =	shalt  }
0x85: {  	_ =	shalt  }
0x86: {  	_ =	shalt  }
0x87: {  	_ =	shalt  }
.Lfunc_end0:
.L_simem_size_0:
called_computation.4_lowered:
.L_overlay_start_0:
0x88: {  	s2 =	sld [smem:$0x3FD9]  }
0x89: {  	s3 =	sld [smem:$0x3FFE];
	_ =	sdelay $0x1  }
0x8a: {  	s1 =	srdreg.scid  }
0x8b: {  	s0 =	sand.u32 $0x1, s1  }
0x8c: {  	s16 =	sshll.u32 s0, $0xA;
	s2 =	sadd.s32 s3, s2  }
0x8d: {  	s2 =	sadd.s32 s2, s16  }
0x8e: {  	[smem:$0x3FB3] =	sst s2  }
0x8f: {  	_ = 	snop  }
0x90: {  	(tm) =	ssettm $0x1  }
0x91: {  	s17 =	sld [smem:$0x3FFB];
	_ =	sdelay $0x3  }
0x92: {  	_ =	strace s17  }
0x93: {  	s2 =	sld [smem:$0x3FFC];
	_ =	sdelay $0x3  }
0x94: {  	_ =	strace s2  }
0x95: {  	s2 =	sld [smem:$0x3FFD];
	_ =	sdelay $0x3  }
0x96: {  	_ =	strace s2  }
0x97: {  	_ =	strace $0x8FFFFFFF  }
0x98: {  	s18 =	sld [smem:$0x3FDB];
	_ =	sdelay $0x1  }
0x99: {  	s19 =	simm.s32 $_scs_section_size  }
0x9a: {  	s4 =	simm.s32 $_size__tile_overlayer_lowered;
	s5 =	simm.s32 $_tile_overlayer_lowered  }
0x9b: {  	s22 =	simm.s32 $0x1BFF;
	s21 =	sshll.u32 s5, $0x1;
	s2 =	sadd.s32 s19, s18  }
0x9c: {  	s6 =	simm.s32 $0x0;
	s20 =	sshll.u32 s4, $0x1;
	s4 =	sadd.s32 s21, s2  }
0x9d: {  	[timem:s6], [sflag:s22] =	dma.local [hbm:s4], s20  }
0x9e: {  	_ =	swait.ge [sflag:s22], s20  }
0x9f: {  	s3 =	ssub.s32 $0x0, s20;
	[sflag:s22] =	ssyncset.done $0x0  }
0xa0: {  	[sflag:s22] =	ssyncadd.s32 s3;
	_ =	sdelay $0x1  }
0xa1: {  	s23 =	simm.s32 $0x1B8B  }
0xa2: {  	_ =	swait.ge [sflag:s23], $0x1  }
0xa3: {  	[sflag:s23] =	ssyncset.done $0x0  }
0xa4: {  	s25 =	simm.s32 $0x1B8E;
	s24 =	sld [smem:$0x3FFE];
	[sflag:s23] =	ssyncadd.s32 $0xFFFFFFFF  }
0xa5: {  	s26 =	simm.s32 $execute0_lowered;
	[smem:$0x3FD2] =	sst s25  }
0xa6: {  	s4 =	sshll.u32 s26, $0x1;
	_ =	strace $0x80000052;
	[dreg:$0x1] =	wrdreg $0xFFFFFFFF  }
0xa7: {  	s28 =	simm.s32 $_size_execute0_lowered;
	s2 =	sadd.s32 s2, s4;
	[dreg:$0x0] =	wrdreg $0x0  }
0xa8: {  	s4 =	sshll.u32 s28, $0x1;
	[dreg:$0x2] =	wrdreg s2  }
0xa9: {  	[dreg:$0x3] =	wrdreg s4  }
0xaa: {  	[dreg:$0x4] =	wrdreg $0xC0  }
0xab: {  	_ =	task [dreg:s6], $0x5FFFF  }
0xac: {  	[dreg:$0x1] =	wrdreg $0xFFFFFFFF  }
0xad: {  	[dreg:$0x0] =	wrdreg $0x60  }
0xae: {  	[dreg:$0x2] =	wrdreg s24  }
0xaf: {  	[dreg:$0x3] =	wrdreg $0x9  }
0xb0: {  	_ =	task.clear_ibuf [dreg:s6], $0x4FFFF;
	_ =	strace $0x90000052  }
0xb1: {  	s29 =	simm.s32 $0x9;
	_ =	strace $0x80000054  }
0xb2: {  	_ =	swait.ge [sflag:s29], $0x1  }
0xb3: {  	[sflag:s29] =	ssyncadd.s32 $0xFFFFFFFF  }
0xb4: {  	_ =	strace $0x90000054  }
0xb5: {  	_ =	sfence  }
0xb6: {  	s30 =	sld [smem:$0x0];
	_ =	sdelay $0x2  }
0xb7: {  	s31 =	sshll.u32 s1, $0xD;
	s1 =	sshrl.u32 s1, $0x2  }
0xb8: {  	s3 =	sand.u32 $0x4000, s31;
	s1 =	sadd.s32 s1, s30  }
0xb9: {  	s0 =	sor.u32 s3, s0;
	s1 =	sshll.u32 s1, $0x11  }
0xba: {  	s0 =	sor.u32 s1, s0  }
0xbb: {  	s0 =	sadd.s32 $0x8F2B, s0  }
0xbc: {  	[sflag:s0] =	ssyncadd.remote.s32 $0x1  }
0xbd: {  	_ =	sfence.sel $0xFFFF  }
0xbe: {  	[dreg:$0x0] =	wrdreg $0xFFFFFFFF;
	(pc) =	sbr.abs _section_cstart, $3  }
0xbf: {  	[dreg:$0x1] =	wrdreg $0xFFFFFFFF  }
0xc0: {  	_ =	task.clear_ibuf [dreg:s6], $0x2FFFF;
	_ =	strace $0x9FFFFFFF  }
0xc1: {  	(tm) =	ssettm $0x7FFFFFFF  }
tec
execute0_lowered:
.L_overlay_start_1:
0x0: {  	(tag) =	ssettag $0x1  }
0x1: {  	s1 =	srdreg.scid;
	s0 =	stileid.u32  }
0x2: {  	s6 =	sand.u32 $0x1, s1;
	s30 =	sshll.u32 s0, $0x1  }
0x3: {  	s9 =	rddreg [dreg:$0x0];
	s7 =	sor.u32 s6, s30  }
0x4: {  	s2 =	simm.s32 $0x0;
	s1 =	rddreg [dreg:$0x1];
	s3 =	smul.u32 $0x28, s7  }
0x5: {  	s8 =	simm.s32 $0x1;
	[smem:$0x7FF] =	sst s2;
	s5 =	sadd.s32 $0x2C400, s9  }
0x6: {  	_ =	strace $0x80000053;
	s11 =	ssub.s32 $0x2, s6;
	s3 =	sadd.s32 s3, s9  }
0x7: {  	s6 =	simm.s32 $0x140;
	s4 =	sadd.s32 $0x3E00, s3;
	s3 =	simm.s32 $0x2  }
0x8: {  	[tilespmem:s2], [sflag:$0x2] =	stream.linear.gather [hbm4b:s4+s2], $0x140, $0x38;
	[tilespmem:$0xA180] =	vst v63  }
0x9: {  	s10 =	smul.u32 $0x1400, s7;
	s12 =	sshrl.u32 s11, $0x1;
	_ =	swait.ge [sflag:s3], $0x140  }
0xa: {  	s7 =	simm.s32 $0x180;
	s31 =	ssub.s32 s11, s12;
	[sflag:s3] =	ssyncset.done $0x0  }
0xb: {  	s9 =	sadd.s32 s10, s9;
	s10 =	smax.u32 s31, $0x1;
	[sflag:s3] =	ssyncadd.s32 $0xFFFFFEC0  }
0xc: {  	[tilespmem:s7], [sflag:$0x1] =	stream.indirect.gather [hbm4b:s5+s6], $0x80, s2, s6, $0xb8;
	[tilespmem:$0xA180] =	vst v63  }
0xd: {  	p0 =	sne.s32 s10, $0x1;
	_ =	swait.ge [sflag:s8], $0xA000  }
.Ltmp0:
0xe: {  	[sflag:s8] =	ssyncset.done $0x0;
	(pc) =	sbr.rel @!p0 .LBB2_2-.Ltmp0, $4  }
0xf: {  	s9 =	sadd.s32 $0x36400, s9;
	[sflag:s8] =	ssyncadd.s32 $0xFFFF6000  }
0x10: {  	[hbm4b:s9+s2] =	stream.linear.scatter [tilespmem:s7], [sflag:$0x2], $0xA000, $0x38;
	[tilespmem:$0xA180] =	vst v63  }
0x11: {  	_ =	swait.ge [sflag:s3], $0xA000  }
0x12: {  	s10 =	sadd.s32 $0xFFFFFFFF, s10;
	[sflag:s3] =	ssyncset.done $0x0  }
.LBB2_1:
0x13: {  	p0 =	sne.s32 s10, $0x1;
	s10 =	sadd.s32 $0xFFFFFFFF, s10;
	[sflag:s3] =	ssyncadd.s32 $0xFFFF6000  }
0x14: {  	[tilespmem:s2], [sflag:$0x2] =	stream.linear.gather [hbm4b:s4+s2], $0x140, $0x38;
	[tilespmem:$0xA180] =	vst v63  }
0x15: {  	_ =	swait.ge [sflag:s3], $0x140  }
0x16: {  	[sflag:s3] =	ssyncset.done $0x0  }
0x17: {  	[sflag:s3] =	ssyncadd.s32 $0xFFFFFEC0  }
0x18: {  	[tilespmem:s7], [sflag:$0x1] =	stream.indirect.gather [hbm4b:s5+s6], $0x80, s2, s6, $0xb8;
	[tilespmem:$0xA180] =	vst v63  }
0x19: {  	_ =	swait.ge [sflag:s8], $0xA000  }
.Ltmp1:
0x1a: {  	[sflag:s8] =	ssyncset.done $0x0;
	(pc) =	sbr.rel @p0 .LBB2_1-.Ltmp1, $4  }
0x1b: {  	[sflag:s8] =	ssyncadd.s32 $0xFFFF6000  }
0x1c: {  	[hbm4b:s9+s2] =	stream.linear.scatter [tilespmem:s7], [sflag:$0x2], $0xA000, $0x38;
	[tilespmem:$0xA180] =	vst v63  }
0x1d: {  	_ =	swait.ge [sflag:s3], $0xA000  }
0x1e: {  	[sflag:s3] =	ssyncset.done $0x0  }
.LBB2_2:
0x1f: {  	[sflag:s3] =	ssyncadd.s32 $0xFFFF6000  }
0x20: {  	_ =	sfence.sel $0x180000  }
0x21: {  	[bflag:$0x0] =	sbarrier.arrive $0xFFFF  }
0x22: {  	p0 =	sne.s32 s0, $0x0;
	_ =	strace $0x90000053  }
0x23: {  	s0 =	sadd.s32 @!p0 $0x100000, s1;
	[bflag:$0x2] =	sbarrier.arrive $0xFFFF  }
0x24: {  	[sflag:s0] =	ssyncadd.tile.s32 @!p0 $0x1;
	_ =	shalt  }
.Lfunc_end2:
_tile_overlayer_lowered:
.L_overlay_start_2:
0x25: {  	(tag) =	ssettag $0x2  }
0x26: {  	s0 =	rddreg [dreg:$0x0];
	s2 =	stileid.u32  }
0x27: {  	s1 =	rddreg [dreg:$0x1];
	p0 =	sne.s32 s2, $0x0  }
0x28: {  	s3 =	rddreg [dreg:$0x2];
	[bflag:$0x3] =	sbarrier.arrive $0xFFFF;
	s2 =	simm.s32 @!p0 $0x1C02  }
0x29: {  	[timem:s3], [sflag:s2] =	dma.local @!p0 [hbm:s0], s1  }
0x2a: {  	s0 =	simm.s32 @!p0 $0x2  }
0x2b: {  	_ =	swait.ge @!p0 [sflag:s0], s1  }
0x2c: {  	s1 =	ssub.s32 @!p0 $0x0, s1;
	[sflag:s0] =	ssyncset.done @!p0 $0x0  }
0x2d: {  	[sflag:s0] =	ssyncadd.s32 @!p0 s1  }
0x2e: {  	[bflag:$0x3] =	sbarrier.arrive $0xFFFF  }
0x2f: {  	_ =	shalt  }

</sc_bundles>
